<compile_context>
chip_gen: v7x
topology: tpu7x:2x2x1
jax: 0.10.2.dev20260603
libtpu: 0.0.44.dev20260713+nightly
codegen_flags: <defaults>
</compile_context>

<pallas_src>
import functools

import jax
import jax.numpy as jnp
import numpy as np
from jax import lax
from jax.experimental import pallas as pl
from jax.experimental.pallas import tpu as pltpu
from jax.experimental.pallas import tpu_sc as plsc

_B, _L, _D = 1024, 50, 128
_S = 12
_MAXREL = 12
_ALPHA = 0.2

_NC, _NS = 2, 16
_NW = _NC * _NS
_CH = 128
_NROWS = _B * _L * 2 + _B * _L * _S
_NCHUNK = _NROWS // _CH
def _make_sc_body(cpw, k):
    groups = cpw // k

    def body(idx_hbm, table_hbm, out_hbm, idx_v, rows_v, sem_g, sem_o):
        c = lax.axis_index("c")
        s = lax.axis_index("s")
        wid = s * _NC + c
        base = wid * cpw

        pltpu.sync_copy(idx_hbm.at[pl.ds(base, cpw)], idx_v)

        def group(g, carry):
            c0 = base + g * k

            @pl.when(g > 0)
            def _():
                pltpu.make_async_copy(
                    rows_v, out_hbm.at[pl.ds(c0 - k, k)], sem_o).wait()

            cps = [
                pltpu.async_copy(
                    table_hbm.at[idx_v.at[g * k + j, 0]], rows_v.at[j], sem_g)
                for j in range(k)
            ]
            for cp in cps:
                cp.wait()
            pltpu.async_copy(rows_v, out_hbm.at[pl.ds(c0, k)], sem_o)
            return carry

        lax.fori_loop(0, groups, group, 0)
        pltpu.make_async_copy(
            rows_v, out_hbm.at[pl.ds(base + (groups - 1) * k, k)],
            sem_o).wait()

    return body


@functools.cache
def _sc_gather(nchunk, k):
    cpw = nchunk // _NW
    return functools.partial(
        pl.kernel,
        mesh=plsc.VectorSubcoreMesh(core_axis_name="c", subcore_axis_name="s"),
        out_type=jax.ShapeDtypeStruct((nchunk, _CH, _D), jnp.float32),
        scratch_types=[
            pltpu.VMEM((cpw, 1, _CH), jnp.int32),
            pltpu.VMEM((k, _CH, _D), jnp.float32),
            pltpu.SemaphoreType.DMA,
            pltpu.SemaphoreType.DMA,
        ],
    )(_make_sc_body(cpw, k))


def _leaky(x):
    return jnp.where(x >= 0, x, _ALPHA * x)


def _softmax_last(x):
    m = jnp.max(x, axis=-1, keepdims=True)
    e = jnp.exp(x - m)
    return e / jnp.sum(e, axis=-1, keepdims=True)


def _dot_t(a, b):
    return lax.dot_general(a, b, (((1,), (1,)), ((), ())),
                           preferred_element_type=jnp.float32)


def _dot(a, b):
    return jnp.dot(a, b, preferred_element_type=jnp.float32)


_TB = 8


def _tc_a_body(h_ref, item_ref, adj_ref, mask_ref, a_ref, relk_ref,
               hl_ref, oemb_ref, sie_ref):
    relk = relk_ref[...]
    ii = lax.broadcasted_iota(jnp.int32, (_L, _L), 0)
    jj = lax.broadcasted_iota(jnp.int32, (_L, _L), 1)
    r_mat = jnp.clip(jj - ii, -_MAXREL, _MAXREL) + _MAXREL

    bf = jnp.bfloat16
    h200 = h_ref[...]
    item200 = item_ref[...]
    h200b = h200.astype(bf)
    relkb = relk.astype(bf)
    pre_sm = []
    sies = []
    item_es = []
    hs = []
    for b in range(_TB):
        hb = h200b[b * _L:(b + 1) * _L]
        hs.append(hb)
        adjm = adj_ref[b]
        mask = mask_ref[b]
        item_e = item200[b * _L:(b + 1) * _L] * mask
        item_eb = item_e.astype(bf)
        item_es.append(item_eb)

        lhs = jnp.concatenate(
            [hb * a_ref[0], hb * a_ref[1], hb * a_ref[2], hb * a_ref[3],
             item_eb], axis=0)
        rhs = jnp.concatenate([hb, item_eb, relkb], axis=0)
        out1 = _dot_t(lhs, rhs)

        att = jnp.full((_L, _L), -9e15, dtype=jnp.float32)
        for k in range(4):
            att = jnp.where(adjm == (k + 1),
                            out1[k * _L:(k + 1) * _L, :_L], att)
        pre_sm.append(_leaky(att))

        sies.append(jnp.sum(item_e, axis=0) / jnp.sum(mask))

        attn1 = out1[4 * _L:, _L:2 * _L]
        p = out1[4 * _L:, 2 * _L:]
        attn2 = jnp.take_along_axis(p, r_mat, axis=1)
        pre_sm.append((attn1 + attn2) * (1.0 / np.sqrt(_D)))

    sm = _softmax_last(jnp.concatenate(pre_sm, axis=0)).astype(bf)
    h_locals = []
    oembs = []
    for b in range(_TB):
        h_locals.append(_dot(sm[2 * b * _L:(2 * b + 1) * _L], hs[b]))
        oembs.append(_dot(sm[(2 * b + 1) * _L:(2 * b + 2) * _L], item_es[b]))
    hl_ref[...] = jnp.concatenate(h_locals, axis=0)
    oemb_ref[...] = jnp.concatenate(oembs, axis=0)
    sie_ref[...] = jnp.stack(sies)


def _tc_b_body(h_ref, hl_ref, sie_ref, *rest):
    neigh_refs = rest[:_S]
    w1_ref, w2rep_ref, w3a_ref, w3b_ref, out_ref = rest[_S:]

    sie200 = jnp.concatenate(
        [jnp.broadcast_to(sie_ref[b][None, :], (_L, _D)) for b in range(_TB)],
        axis=0)
    neigh_all = jnp.concatenate([r[...] for r in neigh_refs], axis=0)
    sie_all = jnp.broadcast_to(sie200[None], (_S, _TB * _L, _D)
                               ).reshape(_S * _TB * _L, _D)
    al1 = _leaky(_dot(neigh_all * sie_all, w1_ref[...]))
    al2f = _dot(al1, w2rep_ref[...])
    e2f = jnp.exp(al2f)
    en = e2f * neigh_all
    nbl0 = _TB * _L
    num = en[:nbl0]
    gs = e2f[:nbl0]
    for s in range(1, _S):
        num = num + en[s * nbl0:(s + 1) * nbl0]
        gs = gs + e2f[s * nbl0:(s + 1) * nbl0]
    hgp = _dot(num, w3b_ref[...]) / gs
    hg = jax.nn.relu(_dot(h_ref[...], w3a_ref[...]) + hgp)
    out_ref[...] = hl_ref[...] + hg


def _tc_a(rows1, adj, mask_f, a_stack, rel_k_table):
    grid = (_B // _TB,)
    bs = pl.BlockSpec
    nbl = _TB * _L
    item_off = _B * _L // nbl
    return pl.pallas_call(
        _tc_a_body,
        grid=grid,
        in_specs=[
            bs((nbl, _D), lambda i: (i, 0)),
            bs((nbl, _D), lambda i: (item_off + i, 0)),
            bs((_TB, _L, _L), lambda i: (i, 0, 0)),
            bs((_TB, _L, 1), lambda i: (i, 0, 0)),
            bs((4, _D), lambda i: (0, 0)),
            bs((2 * _MAXREL + 1, _D), lambda i: (0, 0)),
        ],
        out_specs=[
            bs((nbl, _D), lambda i: (i, 0)),
            bs((nbl, _D), lambda i: (i, 0)),
            bs((_TB, _D), lambda i: (i, 0)),
        ],
        out_shape=[
            jax.ShapeDtypeStruct((_B * _L, _D), jnp.float32),
            jax.ShapeDtypeStruct((_B * _L, _D), jnp.float32),
            jax.ShapeDtypeStruct((_B, _D), jnp.float32),
        ],
        compiler_params=pltpu.CompilerParams(
            dimension_semantics=("arbitrary",),
        ),
    )(rows1, rows1, adj, mask_f, a_stack, rel_k_table)


def _tc_b(rows1, h_local, sie, rows2, agg_w1, agg_w2rep, w3a, w3b):
    grid = (_B // _TB,)
    bs = pl.BlockSpec
    nbl = _TB * _L
    slab_blocks = _B * _L // nbl
    neigh_specs = [
        bs((nbl, _D), lambda i, s=s: (slab_blocks * s + i, 0))
        for s in range(_S)
    ]
    return pl.pallas_call(
        _tc_b_body,
        grid=grid,
        in_specs=[
            bs((nbl, _D), lambda i: (i, 0)),
            bs((nbl, _D), lambda i: (i, 0)),
            bs((_TB, _D), lambda i: (i, 0)),
            *neigh_specs,
            bs((_D, _D), lambda i: (0, 0)),
            bs((_D, _D), lambda i: (0, 0)),
            bs((_D, _D), lambda i: (0, 0)),
            bs((_D, _D), lambda i: (0, 0)),
        ],
        out_specs=[bs((nbl, _D), lambda i: (i, 0))],
        out_shape=[jax.ShapeDtypeStruct((_B * _L, _D), jnp.float32)],
        compiler_params=pltpu.CompilerParams(
            dimension_semantics=("arbitrary",),
        ),
    )(rows1, h_local, sie, *([rows2] * _S), agg_w1, agg_w2rep, w3a, w3b)


def kernel(inputs, adj, mask_item, item, first_adj, embedding, rel_k_table,
           a0, a1, a2, a3, agg_w1, agg_w2, agg_w3):
    n0 = _B * _L
    idx1 = jnp.concatenate([inputs.reshape(-1), item.reshape(-1)]
                           ).astype(jnp.int32).reshape(2 * n0 // _CH, 1, _CH)
    idx2 = jnp.transpose(first_adj, (2, 0, 1)).reshape(-1).astype(
        jnp.int32).reshape(_S * n0 // _CH, 1, _CH)
    rows1 = _sc_gather(2 * n0 // _CH, 5)(idx1, embedding).reshape(2 * n0, _D)
    rows2 = _sc_gather(_S * n0 // _CH, 6)(idx2, embedding).reshape(_S * n0, _D)

    mask_f = mask_item.astype(jnp.float32).reshape(_B, _L, 1)
    a_stack = jnp.stack([a0, a1, a2, a3]).astype(jnp.bfloat16)
    h_local, oemb, sie = _tc_a(rows1, adj.astype(jnp.int32), mask_f,
                               a_stack, rel_k_table)

    w3a = agg_w3[:_D]
    w3b = agg_w3[_D:]
    w2rep = jnp.broadcast_to(agg_w2, (_D, _D))
    out, = _tc_b(rows1, h_local, sie, rows2, agg_w1, w2rep, w3a, w3b)
    return (out.reshape(_B, _L, _D), oemb.reshape(_B, _L, _D))

# --- scband reference (transcript-rebuilt; emitter-appended) ---
"""Pipeline reference for scband-session-graph-67551245632223 (READ-ONLY COPY).

The authoritative reference and input builder live on the scoring server;
editing this copy changes nothing except your own understanding.
"""

import jax, jax.numpy as jnp
import numpy as np

B, L, D = 1024, 50, 128
NUM_NODE = 100000
SAMPLE_NUM = 12
MAX_REL = 12
ALPHA = 0.2


def setup_inputs(seed: int = 0) -> dict:
    key = jax.random.key(seed)
    ks = jax.random.split(key, 16)
    inputs = jax.random.randint(ks[0], (B, L), 0, NUM_NODE)
    adj = jax.random.randint(ks[1], (B, L, L), 0, 5)
    mask_item = jax.random.randint(ks[2], (B, L), 0, 2).astype(jnp.int32)
    item = jax.random.randint(ks[3], (B, L), 0, NUM_NODE)
    first_adj = jax.random.randint(ks[4], (B, L, SAMPLE_NUM), 0, NUM_NODE)
    s = 1.0 / np.sqrt(D)

    def u(k, shape):
        return jax.random.uniform(k, shape, jnp.float32, -s, s)

    embedding = u(ks[5], (NUM_NODE, D))
    rel_k_table = u(ks[6], (2 * MAX_REL + 1, D))
    a0 = u(ks[7], (D,))
    a1 = u(ks[8], (D,))
    a2 = u(ks[9], (D,))
    a3 = u(ks[10], (D,))
    agg_w1 = u(ks[11], (D, D))
    agg_w2 = u(ks[12], (D, 1))
    agg_w3 = u(ks[13], (2 * D, D))
    return {"inputs": inputs, "adj": adj, "mask_item": mask_item, "item": item,
            "first_adj": first_adj, "embedding": embedding, "rel_k_table": rel_k_table,
            "a0": a0, "a1": a1, "a2": a2, "a3": a3,
            "agg_w1": agg_w1, "agg_w2": agg_w2, "agg_w3": agg_w3}


def reference(inputs, adj, mask_item, item, first_adj, embedding, rel_k_table,
              a0, a1, a2, a3, agg_w1, agg_w2, agg_w3):
    B_, L_ = inputs.shape
    D_ = embedding.shape[1]
    # --- embedding gather ---
    h = embedding[inputs]  # [B, L, D]
    # --- LocalAggregator: pairwise-product GAT with 4 relation types ---
    # e_k[b,i,j] = leaky_relu(sum_d h[b,i,d]*h[b,j,d]*a_k[d])  (same math as a_input @ a_k)
    es = []
    for a in (a0, a1, a2, a3):
        hw = h * a.reshape(1, 1, -1)
        e = jax.nn.leaky_relu(jnp.einsum('bid,bjd->bij', hw, h), ALPHA)
        es.append(e)
    neg = jnp.full((B_, L_, L_), -9e15, dtype=h.dtype)
    att = jnp.where(adj == 1, es[0], neg)
    att = jnp.where(adj == 2, es[1], att)
    att = jnp.where(adj == 3, es[2], att)
    att = jnp.where(adj == 4, es[3], att)
    att = jax.nn.softmax(att, axis=-1)
    h_local = jnp.matmul(att, h)
    # --- session mean embedding ---
    m = mask_item.astype(jnp.float32)[..., None]
    item_emb = embedding[item] * m
    sum_item_emb = jnp.sum(item_emb, axis=1) / jnp.sum(m, axis=1)
    sum_item_emb = sum_item_emb[:, None, :]  # [B, 1, D]
    # --- self attention with relative-position keys ---
    attn1 = jnp.matmul(item_emb, jnp.swapaxes(item_emb, 1, 2))  # [B, L, L]
    rq = jnp.transpose(item_emb, (1, 0, 2))  # [L, B, D]
    dist = jnp.arange(L_)[None, :] - jnp.arange(L_)[:, None]
    idx = jnp.clip(dist, -MAX_REL, MAX_REL) + MAX_REL
    rk = rel_k_table[idx]  # [L, L, D]
    attn2 = jnp.transpose(jnp.matmul(rq, jnp.swapaxes(rk, 1, 2)), (1, 0, 2))  # [B, L, L]
    attn = (attn1 + attn2) / jnp.sqrt(jnp.float32(D_))
    attn = jax.nn.softmax(attn, axis=-1)
    output_emb = jnp.matmul(attn, item_emb)
    # --- GlobalAggregator (hop=1): attention over sampled global neighbors ---
    self_vec = embedding[inputs]
    neigh = embedding[first_adj.reshape(B_, L_ * SAMPLE_NUM)].reshape(B_, L_, SAMPLE_NUM, D_)
    extra = jnp.broadcast_to(sum_item_emb, (B_, L_, D_))
    ext = extra[:, :, None, :] * neigh  # [B, L, S, D]
    al = jax.nn.leaky_relu(jnp.matmul(ext, agg_w1), 0.2)
    al = jnp.squeeze(jnp.matmul(al, agg_w2), -1)  # [B, L, S]
    al = jax.nn.softmax(al, axis=-1)[..., None]
    neigh_agg = jnp.sum(al * neigh, axis=-2)  # [B, L, D]
    h_global = jax.nn.relu(jnp.matmul(jnp.concatenate([self_vec, neigh_agg], axis=-1), agg_w3))
    # dropouts are identity in eval mode
    output = h_local + h_global
    return (output, output_emb)

if __name__ == "__main__":
    import jax
    _d = setup_inputs()
    print(jax.jit(kernel)(*tuple(_d.values())))

</pallas_src>

<mosaic_0001>
#map = affine_map<(d0, d1) -> (0, 0, 0)>
#map1 = affine_map<(d0, d1) -> (0, 0)>
module attributes {stable_mosaic.version = 14 : i64} {
  func.func @body(%arg0: i32, %arg1: i32, %arg2: memref<4800x1x128xi32, #tpu.memory_space<hbm>>, %arg3: memref<100000x128xf32, #tpu.memory_space<hbm>>, %arg4: memref<4800x128x128xf32, #tpu.memory_space<hbm>>, %arg5: memref<150x1x128xi32, #tpu.memory_space<vmem>>, %arg6: memref<6x128x128xf32, #tpu.memory_space<vmem>>, %arg7: memref<!tpu.dma_semaphore, #tpu.memory_space<semaphore_mem>>, %arg8: memref<!tpu.dma_semaphore, #tpu.memory_space<semaphore_mem>>) attributes {dimension_semantics = [#tpu.dimension_semantics<core_parallel>, #tpu.dimension_semantics<subcore_parallel>], iteration_bounds = array<i64: 2, 16>, scalar_prefetch = 0 : i64, scratch_operands = 4 : i64, tpu.core_type = #tpu.core_type<sc_vector_subcore>, window_params = [{transform_indices = #map}, {transform_indices = #map1}, {transform_indices = #map}]} {
    %mul3A = arith.constant 2 : i32
    %mul3A_0 = arith.muli %arg1, %mul3A : i32
    %add3A = arith.addi %mul3A_0, %arg0 : i32
    %mul3A_1 = arith.constant 150 : i32
    %mul3A_2 = arith.muli %add3A, %mul3A_1 : i32
    "tpu.region"() ({
      %run_scoped3A = tpu.sem_alloc : memref<!tpu.dma_semaphore, #tpu.memory_space<semaphore_mem>>
      %dma_start3A = arith.constant 0 : i32
      %dma_start3A_15 = arith.constant 0 : i32
      %dma_start3A_16 = tpu.memref_slice %arg2[%mul3A_2, %dma_start3A, %dma_start3A_15] : memref<4800x1x128xi32, #tpu.memory_space<hbm>> -> memref<150x1x128xi32, #tpu.memory_space<hbm>>
      %dma_start3A_17 = arith.constant 0 : i32
      %dma_start3A_18 = arith.constant 0 : i32
      %dma_start3A_19 = tpu.memref_slice %arg2[%mul3A_2, %dma_start3A_17, %dma_start3A_18] : memref<4800x1x128xi32, #tpu.memory_space<hbm>> -> memref<150x1x128xi32, #tpu.memory_space<hbm>>
      tpu.enqueue_dma source(%dma_start3A_19 : memref<150x1x128xi32, #tpu.memory_space<hbm>>) target(%arg5 : memref<150x1x128xi32, #tpu.memory_space<vmem>>) target_semaphore(%run_scoped3A : memref<!tpu.dma_semaphore, #tpu.memory_space<semaphore_mem>>)
      %dma_wait3A_20 = arith.constant 0 : i32
      %dma_wait3A_21 = arith.constant 0 : i32
      %dma_wait3A_22 = tpu.memref_slice %arg2[%mul3A_2, %dma_wait3A_20, %dma_wait3A_21] : memref<4800x1x128xi32, #tpu.memory_space<hbm>> -> memref<150x1x128xi32, #tpu.memory_space<hbm>>
      %dma_wait3A_23 = arith.constant 0 : i32
      %dma_wait3A_24 = arith.constant 0 : i32
      %dma_wait3A_25 = tpu.memref_slice %arg2[%mul3A_2, %dma_wait3A_23, %dma_wait3A_24] : memref<4800x1x128xi32, #tpu.memory_space<hbm>> -> memref<150x1x128xi32, #tpu.memory_space<hbm>>
      tpu.wait_dma2 semaphore(%run_scoped3A : memref<!tpu.dma_semaphore, #tpu.memory_space<semaphore_mem>>) src(%dma_wait3A_25 : memref<150x1x128xi32, #tpu.memory_space<hbm>>) dst(%arg5 : memref<150x1x128xi32, #tpu.memory_space<vmem>>)
      tpu.yield
    }) : () -> ()
    %scan3A = arith.constant 0 : i32
    %scan3A_3 = arith.constant 0 : i32
    %scan3A_4 = arith.constant 25 : i32
    %scan3A_5 = arith.addi %scan3A_3, %scan3A_4 : i32
    %scan3A_6 = arith.constant 1 : i32
    scf.for %scan3A_15 = %scan3A_3 to %scan3A_5 step %scan3A_6  : i32 {
      %mul3A_16 = arith.constant 6 : i32
      %mul3A_17 = arith.muli %scan3A_15, %mul3A_16 : i32
      %add3A_18 = arith.addi %mul3A_2, %mul3A_17 : i32
      %gt3A = arith.constant 0 : i32
      %gt3A_19 = arith.cmpi sgt, %scan3A_15, %gt3A : i32
      %convert_element_type3A = arith.extui %gt3A_19 : i1 to i32
      %cond3A = arith.constant 0 : i32
      %cond3A_20 = arith.cmpi ne, %convert_element_type3A, %cond3A : i32
      scf.if %cond3A_20 {
        %sub3A = arith.constant 6 : i32
        %sub3A_194 = arith.subi %add3A_18, %sub3A : i32
        %dma_wait3A_195 = arith.constant 0 : i32
        %dma_wait3A_196 = arith.constant 0 : i32
        %dma_wait3A_197 = tpu.memref_slice %arg4[%sub3A_194, %dma_wait3A_195, %dma_wait3A_196] : memref<4800x128x128xf32, #tpu.memory_space<hbm>> -> memref<6x128x128xf32, #tpu.memory_space<hbm>>
        %dma_wait3A_198 = arith.constant 0 : i32
        %dma_wait3A_199 = arith.constant 0 : i32
        %dma_wait3A_200 = tpu.memref_slice %arg4[%sub3A_194, %dma_wait3A_198, %dma_wait3A_199] : memref<4800x128x128xf32, #tpu.memory_space<hbm>> -> memref<6x128x128xf32, #tpu.memory_space<hbm>>
        tpu.wait_dma2 semaphore(%arg8 : memref<!tpu.dma_semaphore, #tpu.memory_space<semaphore_mem>>) src(%arg6 : memref<6x128x128xf32, #tpu.memory_space<vmem>>) dst(%dma_wait3A_200 : memref<6x128x128xf32, #tpu.memory_space<hbm>>)
      } else {
      }
      %mul3A_21 = arith.constant 6 : i32
      %mul3A_22 = arith.muli %scan3A_15, %mul3A_21 : i32
      %add3A_23 = arith.constant 0 : i32
      %add3A_24 = arith.addi %mul3A_22, %add3A_23 : i32
      %dma_start3A = arith.constant 0 : i32
      %dma_start3A_25 = arith.constant 0 : i32
      %dma_start3A_26 = arith.constant 0 : i32
      %dma_start3A_27 = arith.constant 0 : i32
      %dma_start3A_28 = tpu.memref_slice %arg6[%dma_start3A_25, %dma_start3A_26, %dma_start3A_27] : memref<6x128x128xf32, #tpu.memory_space<vmem>> -> memref<1x128x128xf32, #tpu.memory_space<vmem>>
      %dma_start3A_29 = tpu.memref_squeeze %dma_start3A_28 : memref<1x128x128xf32, #tpu.memory_space<vmem>> -> memref<128x128xf32, #tpu.memory_space<vmem>>
      %dma_start3A_30 = arith.constant 0 : i32
      %dma_start3A_31 = tpu.memref_slice %arg5[%add3A_24, %dma_start3A, %dma_start3A_30] : memref<150x1x128xi32, #tpu.memory_space<vmem>> -> memref<1x1x128xi32, #tpu.memory_space<vmem>>
      %dma_start3A_32 = tpu.memref_squeeze %dma_start3A_31 : memref<1x1x128xi32, #tpu.memory_space<vmem>> -> memref<128xi32, #tpu.memory_space<vmem>>
      %dma_start3A_33 = arith.constant 0 : i32
      %dma_start3A_34 = arith.constant 0 : i32
      %dma_start3A_35 = tpu.memref_slice %arg3[%dma_start3A_33, %dma_start3A_34] : memref<100000x128xf32, #tpu.memory_space<hbm>> -> memref<100000x128xf32, #tpu.memory_space<hbm>>
      tpu.enqueue_indirect_dma source(%dma_start3A_35 : memref<100000x128xf32, #tpu.memory_space<hbm>>) target(%dma_start3A_29 : memref<128x128xf32, #tpu.memory_space<vmem>>) offsets(%dma_start3A_32 : memref<128xi32, #tpu.memory_space<vmem>>) semaphore(%arg7 : memref<!tpu.dma_semaphore, #tpu.memory_space<semaphore_mem>>)
      %mul3A_36 = arith.constant 6 : i32
      %mul3A_37 = arith.muli %scan3A_15, %mul3A_36 : i32
      %add3A_38 = arith.constant 1 : i32
      %add3A_39 = arith.addi %mul3A_37, %add3A_38 : i32
      %dma_start3A_40 = arith.constant 0 : i32
      %dma_start3A_41 = arith.constant 1 : i32
      %dma_start3A_42 = arith.constant 0 : i32
      %dma_start3A_43 = arith.constant 0 : i32
      %dma_start3A_44 = tpu.memref_slice %arg6[%dma_start3A_41, %dma_start3A_42, %dma_start3A_43] : memref<6x128x128xf32, #tpu.memory_space<vmem>> -> memref<1x128x128xf32, #tpu.memory_space<vmem>>
      %dma_start3A_45 = tpu.memref_squeeze %dma_start3A_44 : memref<1x128x128xf32, #tpu.memory_space<vmem>> -> memref<128x128xf32, #tpu.memory_space<vmem>>
      %dma_start3A_46 = arith.constant 0 : i32
      %dma_start3A_47 = tpu.memref_slice %arg5[%add3A_39, %dma_start3A_40, %dma_start3A_46] : memref<150x1x128xi32, #tpu.memory_space<vmem>> -> memref<1x1x128xi32, #tpu.memory_space<vmem>>
      %dma_start3A_48 = tpu.memref_squeeze %dma_start3A_47 : memref<1x1x128xi32, #tpu.memory_space<vmem>> -> memref<128xi32, #tpu.memory_space<vmem>>
      %dma_start3A_49 = arith.constant 0 : i32
      %dma_start3A_50 = arith.constant 0 : i32
      %dma_start3A_51 = tpu.memref_slice %arg3[%dma_start3A_49, %dma_start3A_50] : memref<100000x128xf32, #tpu.memory_space<hbm>> -> memref<100000x128xf32, #tpu.memory_space<hbm>>
      tpu.enqueue_indirect_dma source(%dma_start3A_51 : memref<100000x128xf32, #tpu.memory_space<hbm>>) target(%dma_start3A_45 : memref<128x128xf32, #tpu.memory_space<vmem>>) offsets(%dma_start3A_48 : memref<128xi32, #tpu.memory_space<vmem>>) semaphore(%arg7 : memref<!tpu.dma_semaphore, #tpu.memory_space<semaphore_mem>>)
      %mul3A_52 = arith.constant 6 : i32
      %mul3A_53 = arith.muli %scan3A_15, %mul3A_52 : i32
      %add3A_54 = arith.constant 2 : i32
      %add3A_55 = arith.addi %mul3A_53, %add3A_54 : i32
      %dma_start3A_56 = arith.constant 0 : i32
      %dma_start3A_57 = arith.constant 2 : i32
      %dma_start3A_58 = arith.constant 0 : i32
      %dma_start3A_59 = arith.constant 0 : i32
      %dma_start3A_60 = tpu.memref_slice %arg6[%dma_start3A_57, %dma_start3A_58, %dma_start3A_59] : memref<6x128x128xf32, #tpu.memory_space<vmem>> -> memref<1x128x128xf32, #tpu.memory_space<vmem>>
      %dma_start3A_61 = tpu.memref_squeeze %dma_start3A_60 : memref<1x128x128xf32, #tpu.memory_space<vmem>> -> memref<128x128xf32, #tpu.memory_space<vmem>>
      %dma_start3A_62 = arith.constant 0 : i32
      %dma_start3A_63 = tpu.memref_slice %arg5[%add3A_55, %dma_start3A_56, %dma_start3A_62] : memref<150x1x128xi32, #tpu.memory_space<vmem>> -> memref<1x1x128xi32, #tpu.memory_space<vmem>>
      %dma_start3A_64 = tpu.memref_squeeze %dma_start3A_63 : memref<1x1x128xi32, #tpu.memory_space<vmem>> -> memref<128xi32, #tpu.memory_space<vmem>>
      %dma_start3A_65 = arith.constant 0 : i32
      %dma_start3A_66 = arith.constant 0 : i32
      %dma_start3A_67 = tpu.memref_slice %arg3[%dma_start3A_65, %dma_start3A_66] : memref<100000x128xf32, #tpu.memory_space<hbm>> -> memref<100000x128xf32, #tpu.memory_space<hbm>>
      tpu.enqueue_indirect_dma source(%dma_start3A_67 : memref<100000x128xf32, #tpu.memory_space<hbm>>) target(%dma_start3A_61 : memref<128x128xf32, #tpu.memory_space<vmem>>) offsets(%dma_start3A_64 : memref<128xi32, #tpu.memory_space<vmem>>) semaphore(%arg7 : memref<!tpu.dma_semaphore, #tpu.memory_space<semaphore_mem>>)
      %mul3A_68 = arith.constant 6 : i32
      %mul3A_69 = arith.muli %scan3A_15, %mul3A_68 : i32
      %add3A_70 = arith.constant 3 : i32
      %add3A_71 = arith.addi %mul3A_69, %add3A_70 : i32
      %dma_start3A_72 = arith.constant 0 : i32
      %dma_start3A_73 = arith.constant 3 : i32
      %dma_start3A_74 = arith.constant 0 : i32
      %dma_start3A_75 = arith.constant 0 : i32
      %dma_start3A_76 = tpu.memref_slice %arg6[%dma_start3A_73, %dma_start3A_74, %dma_start3A_75] : memref<6x128x128xf32, #tpu.memory_space<vmem>> -> memref<1x128x128xf32, #tpu.memory_space<vmem>>
      %dma_start3A_77 = tpu.memref_squeeze %dma_start3A_76 : memref<1x128x128xf32, #tpu.memory_space<vmem>> -> memref<128x128xf32, #tpu.memory_space<vmem>>
      %dma_start3A_78 = arith.constant 0 : i32
      %dma_start3A_79 = tpu.memref_slice %arg5[%add3A_71, %dma_start3A_72, %dma_start3A_78] : memref<150x1x128xi32, #tpu.memory_space<vmem>> -> memref<1x1x128xi32, #tpu.memory_space<vmem>>
      %dma_start3A_80 = tpu.memref_squeeze %dma_start3A_79 : memref<1x1x128xi32, #tpu.memory_space<vmem>> -> memref<128xi32, #tpu.memory_space<vmem>>
      %dma_start3A_81 = arith.constant 0 : i32
      %dma_start3A_82 = arith.constant 0 : i32
      %dma_start3A_83 = tpu.memref_slice %arg3[%dma_start3A_81, %dma_start3A_82] : memref<100000x128xf32, #tpu.memory_space<hbm>> -> memref<100000x128xf32, #tpu.memory_space<hbm>>
      tpu.enqueue_indirect_dma source(%dma_start3A_83 : memref<100000x128xf32, #tpu.memory_space<hbm>>) target(%dma_start3A_77 : memref<128x128xf32, #tpu.memory_space<vmem>>) offsets(%dma_start3A_80 : memref<128xi32, #tpu.memory_space<vmem>>) semaphore(%arg7 : memref<!tpu.dma_semaphore, #tpu.memory_space<semaphore_mem>>)
      %mul3A_84 = arith.constant 6 : i32
      %mul3A_85 = arith.muli %scan3A_15, %mul3A_84 : i32
      %add3A_86 = arith.constant 4 : i32
      %add3A_87 = arith.addi %mul3A_85, %add3A_86 : i32
      %dma_start3A_88 = arith.constant 0 : i32
      %dma_start3A_89 = arith.constant 4 : i32
      %dma_start3A_90 = arith.constant 0 : i32
      %dma_start3A_91 = arith.constant 0 : i32
      %dma_start3A_92 = tpu.memref_slice %arg6[%dma_start3A_89, %dma_start3A_90, %dma_start3A_91] : memref<6x128x128xf32, #tpu.memory_space<vmem>> -> memref<1x128x128xf32, #tpu.memory_space<vmem>>
      %dma_start3A_93 = tpu.memref_squeeze %dma_start3A_92 : memref<1x128x128xf32, #tpu.memory_space<vmem>> -> memref<128x128xf32, #tpu.memory_space<vmem>>
      %dma_start3A_94 = arith.constant 0 : i32
      %dma_start3A_95 = tpu.memref_slice %arg5[%add3A_87, %dma_start3A_88, %dma_start3A_94] : memref<150x1x128xi32, #tpu.memory_space<vmem>> -> memref<1x1x128xi32, #tpu.memory_space<vmem>>
      %dma_start3A_96 = tpu.memref_squeeze %dma_start3A_95 : memref<1x1x128xi32, #tpu.memory_space<vmem>> -> memref<128xi32, #tpu.memory_space<vmem>>
      %dma_start3A_97 = arith.constant 0 : i32
      %dma_start3A_98 = arith.constant 0 : i32
      %dma_start3A_99 = tpu.memref_slice %arg3[%dma_start3A_97, %dma_start3A_98] : memref<100000x128xf32, #tpu.memory_space<hbm>> -> memref<100000x128xf32, #tpu.memory_space<hbm>>
      tpu.enqueue_indirect_dma source(%dma_start3A_99 : memref<100000x128xf32, #tpu.memory_space<hbm>>) target(%dma_start3A_93 : memref<128x128xf32, #tpu.memory_space<vmem>>) offsets(%dma_start3A_96 : memref<128xi32, #tpu.memory_space<vmem>>) semaphore(%arg7 : memref<!tpu.dma_semaphore, #tpu.memory_space<semaphore_mem>>)
      %mul3A_100 = arith.constant 6 : i32
      %mul3A_101 = arith.muli %scan3A_15, %mul3A_100 : i32
      %add3A_102 = arith.constant 5 : i32
      %add3A_103 = arith.addi %mul3A_101, %add3A_102 : i32
      %dma_start3A_104 = arith.constant 0 : i32
      %dma_start3A_105 = arith.constant 5 : i32
      %dma_start3A_106 = arith.constant 0 : i32
      %dma_start3A_107 = arith.constant 0 : i32
      %dma_start3A_108 = tpu.memref_slice %arg6[%dma_start3A_105, %dma_start3A_106, %dma_start3A_107] : memref<6x128x128xf32, #tpu.memory_space<vmem>> -> memref<1x128x128xf32, #tpu.memory_space<vmem>>
      %dma_start3A_109 = tpu.memref_squeeze %dma_start3A_108 : memref<1x128x128xf32, #tpu.memory_space<vmem>> -> memref<128x128xf32, #tpu.memory_space<vmem>>
      %dma_start3A_110 = arith.constant 0 : i32
      %dma_start3A_111 = tpu.memref_slice %arg5[%add3A_103, %dma_start3A_104, %dma_start3A_110] : memref<150x1x128xi32, #tpu.memory_space<vmem>> -> memref<1x1x128xi32, #tpu.memory_space<vmem>>
      %dma_start3A_112 = tpu.memref_squeeze %dma_start3A_111 : memref<1x1x128xi32, #tpu.memory_space<vmem>> -> memref<128xi32, #tpu.memory_space<vmem>>
      %dma_start3A_113 = arith.constant 0 : i32
      %dma_start3A_114 = arith.constant 0 : i32
      %dma_start3A_115 = tpu.memref_slice %arg3[%dma_start3A_113, %dma_start3A_114] : memref<100000x128xf32, #tpu.memory_space<hbm>> -> memref<100000x128xf32, #tpu.memory_space<hbm>>
      tpu.enqueue_indirect_dma source(%dma_start3A_115 : memref<100000x128xf32, #tpu.memory_space<hbm>>) target(%dma_start3A_109 : memref<128x128xf32, #tpu.memory_space<vmem>>) offsets(%dma_start3A_112 : memref<128xi32, #tpu.memory_space<vmem>>) semaphore(%arg7 : memref<!tpu.dma_semaphore, #tpu.memory_space<semaphore_mem>>)
      %dma_wait3A_116 = arith.constant 0 : i32
      %dma_wait3A_117 = arith.constant 0 : i32
      %dma_wait3A_118 = arith.constant 0 : i32
      %dma_wait3A_119 = arith.constant 0 : i32
      %dma_wait3A_120 = tpu.memref_slice %arg6[%dma_wait3A_117, %dma_wait3A_118, %dma_wait3A_119] : memref<6x128x128xf32, #tpu.memory_space<vmem>> -> memref<1x128x128xf32, #tpu.memory_space<vmem>>
      %dma_wait3A_121 = tpu.memref_squeeze %dma_wait3A_120 : memref<1x128x128xf32, #tpu.memory_space<vmem>> -> memref<128x128xf32, #tpu.memory_space<vmem>>
      %dma_wait3A_122 = arith.constant 0 : i32
      %dma_wait3A_123 = tpu.memref_slice %arg5[%add3A_24, %dma_wait3A_116, %dma_wait3A_122] : memref<150x1x128xi32, #tpu.memory_space<vmem>> -> memref<1x1x128xi32, #tpu.memory_space<vmem>>
      %dma_wait3A_124 = tpu.memref_squeeze %dma_wait3A_123 : memref<1x1x128xi32, #tpu.memory_space<vmem>> -> memref<128xi32, #tpu.memory_space<vmem>>
      %dma_wait3A_125 = arith.constant 0 : i32
      %dma_wait3A_126 = arith.constant 0 : i32
      %dma_wait3A_127 = tpu.memref_slice %arg3[%dma_wait3A_125, %dma_wait3A_126] : memref<100000x128xf32, #tpu.memory_space<hbm>> -> memref<100000x128xf32, #tpu.memory_space<hbm>>
      tpu.wait_indirect_dma semaphore(%arg7 : memref<!tpu.dma_semaphore, #tpu.memory_space<semaphore_mem>>) src(%dma_wait3A_127 : memref<100000x128xf32, #tpu.memory_space<hbm>>) dst(%dma_wait3A_121 : memref<128x128xf32, #tpu.memory_space<vmem>>)
      %dma_wait3A_128 = arith.constant 0 : i32
      %dma_wait3A_129 = arith.constant 1 : i32
      %dma_wait3A_130 = arith.constant 0 : i32
      %dma_wait3A_131 = arith.constant 0 : i32
      %dma_wait3A_132 = tpu.memref_slice %arg6[%dma_wait3A_129, %dma_wait3A_130, %dma_wait3A_131] : memref<6x128x128xf32, #tpu.memory_space<vmem>> -> memref<1x128x128xf32, #tpu.memory_space<vmem>>
      %dma_wait3A_133 = tpu.memref_squeeze %dma_wait3A_132 : memref<1x128x128xf32, #tpu.memory_space<vmem>> -> memref<128x128xf32, #tpu.memory_space<vmem>>
      %dma_wait3A_134 = arith.constant 0 : i32
      %dma_wait3A_135 = tpu.memref_slice %arg5[%add3A_39, %dma_wait3A_128, %dma_wait3A_134] : memref<150x1x128xi32, #tpu.memory_space<vmem>> -> memref<1x1x128xi32, #tpu.memory_space<vmem>>
      %dma_wait3A_136 = tpu.memref_squeeze %dma_wait3A_135 : memref<1x1x128xi32, #tpu.memory_space<vmem>> -> memref<128xi32, #tpu.memory_space<vmem>>
      %dma_wait3A_137 = arith.constant 0 : i32
      %dma_wait3A_138 = arith.constant 0 : i32
      %dma_wait3A_139 = tpu.memref_slice %arg3[%dma_wait3A_137, %dma_wait3A_138] : memref<100000x128xf32, #tpu.memory_space<hbm>> -> memref<100000x128xf32, #tpu.memory_space<hbm>>
      tpu.wait_indirect_dma semaphore(%arg7 : memref<!tpu.dma_semaphore, #tpu.memory_space<semaphore_mem>>) src(%dma_wait3A_139 : memref<100000x128xf32, #tpu.memory_space<hbm>>) dst(%dma_wait3A_133 : memref<128x128xf32, #tpu.memory_space<vmem>>)
      %dma_wait3A_140 = arith.constant 0 : i32
      %dma_wait3A_141 = arith.constant 2 : i32
      %dma_wait3A_142 = arith.constant 0 : i32
      %dma_wait3A_143 = arith.constant 0 : i32
      %dma_wait3A_144 = tpu.memref_slice %arg6[%dma_wait3A_141, %dma_wait3A_142, %dma_wait3A_143] : memref<6x128x128xf32, #tpu.memory_space<vmem>> -> memref<1x128x128xf32, #tpu.memory_space<vmem>>
      %dma_wait3A_145 = tpu.memref_squeeze %dma_wait3A_144 : memref<1x128x128xf32, #tpu.memory_space<vmem>> -> memref<128x128xf32, #tpu.memory_space<vmem>>
      %dma_wait3A_146 = arith.constant 0 : i32
      %dma_wait3A_147 = tpu.memref_slice %arg5[%add3A_55, %dma_wait3A_140, %dma_wait3A_146] : memref<150x1x128xi32, #tpu.memory_space<vmem>> -> memref<1x1x128xi32, #tpu.memory_space<vmem>>
      %dma_wait3A_148 = tpu.memref_squeeze %dma_wait3A_147 : memref<1x1x128xi32, #tpu.memory_space<vmem>> -> memref<128xi32, #tpu.memory_space<vmem>>
      %dma_wait3A_149 = arith.constant 0 : i32
      %dma_wait3A_150 = arith.constant 0 : i32
      %dma_wait3A_151 = tpu.memref_slice %arg3[%dma_wait3A_149, %dma_wait3A_150] : memref<100000x128xf32, #tpu.memory_space<hbm>> -> memref<100000x128xf32, #tpu.memory_space<hbm>>
      tpu.wait_indirect_dma semaphore(%arg7 : memref<!tpu.dma_semaphore, #tpu.memory_space<semaphore_mem>>) src(%dma_wait3A_151 : memref<100000x128xf32, #tpu.memory_space<hbm>>) dst(%dma_wait3A_145 : memref<128x128xf32, #tpu.memory_space<vmem>>)
      %dma_wait3A_152 = arith.constant 0 : i32
      %dma_wait3A_153 = arith.constant 3 : i32
      %dma_wait3A_154 = arith.constant 0 : i32
      %dma_wait3A_155 = arith.constant 0 : i32
      %dma_wait3A_156 = tpu.memref_slice %arg6[%dma_wait3A_153, %dma_wait3A_154, %dma_wait3A_155] : memref<6x128x128xf32, #tpu.memory_space<vmem>> -> memref<1x128x128xf32, #tpu.memory_space<vmem>>
      %dma_wait3A_157 = tpu.memref_squeeze %dma_wait3A_156 : memref<1x128x128xf32, #tpu.memory_space<vmem>> -> memref<128x128xf32, #tpu.memory_space<vmem>>
      %dma_wait3A_158 = arith.constant 0 : i32
      %dma_wait3A_159 = tpu.memref_slice %arg5[%add3A_71, %dma_wait3A_152, %dma_wait3A_158] : memref<150x1x128xi32, #tpu.memory_space<vmem>> -> memref<1x1x128xi32, #tpu.memory_space<vmem>>
      %dma_wait3A_160 = tpu.memref_squeeze %dma_wait3A_159 : memref<1x1x128xi32, #tpu.memory_space<vmem>> -> memref<128xi32, #tpu.memory_space<vmem>>
      %dma_wait3A_161 = arith.constant 0 : i32
      %dma_wait3A_162 = arith.constant 0 : i32
      %dma_wait3A_163 = tpu.memref_slice %arg3[%dma_wait3A_161, %dma_wait3A_162] : memref<100000x128xf32, #tpu.memory_space<hbm>> -> memref<100000x128xf32, #tpu.memory_space<hbm>>
      tpu.wait_indirect_dma semaphore(%arg7 : memref<!tpu.dma_semaphore, #tpu.memory_space<semaphore_mem>>) src(%dma_wait3A_163 : memref<100000x128xf32, #tpu.memory_space<hbm>>) dst(%dma_wait3A_157 : memref<128x128xf32, #tpu.memory_space<vmem>>)
      %dma_wait3A_164 = arith.constant 0 : i32
      %dma_wait3A_165 = arith.constant 4 : i32
      %dma_wait3A_166 = arith.constant 0 : i32
      %dma_wait3A_167 = arith.constant 0 : i32
      %dma_wait3A_168 = tpu.memref_slice %arg6[%dma_wait3A_165, %dma_wait3A_166, %dma_wait3A_167] : memref<6x128x128xf32, #tpu.memory_space<vmem>> -> memref<1x128x128xf32, #tpu.memory_space<vmem>>
      %dma_wait3A_169 = tpu.memref_squeeze %dma_wait3A_168 : memref<1x128x128xf32, #tpu.memory_space<vmem>> -> memref<128x128xf32, #tpu.memory_space<vmem>>
      %dma_wait3A_170 = arith.constant 0 : i32
      %dma_wait3A_171 = tpu.memref_slice %arg5[%add3A_87, %dma_wait3A_164, %dma_wait3A_170] : memref<150x1x128xi32, #tpu.memory_space<vmem>> -> memref<1x1x128xi32, #tpu.memory_space<vmem>>
      %dma_wait3A_172 = tpu.memref_squeeze %dma_wait3A_171 : memref<1x1x128xi32, #tpu.memory_space<vmem>> -> memref<128xi32, #tpu.memory_space<vmem>>
      %dma_wait3A_173 = arith.constant 0 : i32
      %dma_wait3A_174 = arith.constant 0 : i32
      %dma_wait3A_175 = tpu.memref_slice %arg3[%dma_wait3A_173, %dma_wait3A_174] : memref<100000x128xf32, #tpu.memory_space<hbm>> -> memref<100000x128xf32, #tpu.memory_space<hbm>>
      tpu.wait_indirect_dma semaphore(%arg7 : memref<!tpu.dma_semaphore, #tpu.memory_space<semaphore_mem>>) src(%dma_wait3A_175 : memref<100000x128xf32, #tpu.memory_space<hbm>>) dst(%dma_wait3A_169 : memref<128x128xf32, #tpu.memory_space<vmem>>)
      %dma_wait3A_176 = arith.constant 0 : i32
      %dma_wait3A_177 = arith.constant 5 : i32
      %dma_wait3A_178 = arith.constant 0 : i32
      %dma_wait3A_179 = arith.constant 0 : i32
      %dma_wait3A_180 = tpu.memref_slice %arg6[%dma_wait3A_177, %dma_wait3A_178, %dma_wait3A_179] : memref<6x128x128xf32, #tpu.memory_space<vmem>> -> memref<1x128x128xf32, #tpu.memory_space<vmem>>
      %dma_wait3A_181 = tpu.memref_squeeze %dma_wait3A_180 : memref<1x128x128xf32, #tpu.memory_space<vmem>> -> memref<128x128xf32, #tpu.memory_space<vmem>>
      %dma_wait3A_182 = arith.constant 0 : i32
      %dma_wait3A_183 = tpu.memref_slice %arg5[%add3A_103, %dma_wait3A_176, %dma_wait3A_182] : memref<150x1x128xi32, #tpu.memory_space<vmem>> -> memref<1x1x128xi32, #tpu.memory_space<vmem>>
      %dma_wait3A_184 = tpu.memref_squeeze %dma_wait3A_183 : memref<1x1x128xi32, #tpu.memory_space<vmem>> -> memref<128xi32, #tpu.memory_space<vmem>>
      %dma_wait3A_185 = arith.constant 0 : i32
      %dma_wait3A_186 = arith.constant 0 : i32
      %dma_wait3A_187 = tpu.memref_slice %arg3[%dma_wait3A_185, %dma_wait3A_186] : memref<100000x128xf32, #tpu.memory_space<hbm>> -> memref<100000x128xf32, #tpu.memory_space<hbm>>
      tpu.wait_indirect_dma semaphore(%arg7 : memref<!tpu.dma_semaphore, #tpu.memory_space<semaphore_mem>>) src(%dma_wait3A_187 : memref<100000x128xf32, #tpu.memory_space<hbm>>) dst(%dma_wait3A_181 : memref<128x128xf32, #tpu.memory_space<vmem>>)
      %dma_start3A_188 = arith.constant 0 : i32
      %dma_start3A_189 = arith.constant 0 : i32
      %dma_start3A_190 = tpu.memref_slice %arg4[%add3A_18, %dma_start3A_188, %dma_start3A_189] : memref<4800x128x128xf32, #tpu.memory_space<hbm>> -> memref<6x128x128xf32, #tpu.memory_space<hbm>>
      %dma_start3A_191 = arith.constant 0 : i32
      %dma_start3A_192 = arith.constant 0 : i32
      %dma_start3A_193 = tpu.memref_slice %arg4[%add3A_18, %dma_start3A_191, %dma_start3A_192] : memref<4800x128x128xf32, #tpu.memory_space<hbm>> -> memref<6x128x128xf32, #tpu.memory_space<hbm>>
      tpu.enqueue_dma source(%arg6 : memref<6x128x128xf32, #tpu.memory_space<vmem>>) target(%dma_start3A_193 : memref<6x128x128xf32, #tpu.memory_space<hbm>>) target_semaphore(%arg8 : memref<!tpu.dma_semaphore, #tpu.memory_space<semaphore_mem>>)
    }
    %scan3A_7 = arith.constant 25 : i32
    %add3A_8 = arith.constant 144 : i32
    %add3A_9 = arith.addi %mul3A_2, %add3A_8 : i32
    %dma_wait3A = arith.constant 0 : i32
    %dma_wait3A_10 = arith.constant 0 : i32
    %dma_wait3A_11 = tpu.memref_slice %arg4[%add3A_9, %dma_wait3A, %dma_wait3A_10] : memref<4800x128x128xf32, #tpu.memory_space<hbm>> -> memref<6x128x128xf32, #tpu.memory_space<hbm>>
    %dma_wait3A_12 = arith.constant 0 : i32
    %dma_wait3A_13 = arith.constant 0 : i32
    %dma_wait3A_14 = tpu.memref_slice %arg4[%add3A_9, %dma_wait3A_12, %dma_wait3A_13] : memref<4800x128x128xf32, #tpu.memory_space<hbm>> -> memref<6x128x128xf32, #tpu.memory_space<hbm>>
    tpu.wait_dma2 semaphore(%arg8 : memref<!tpu.dma_semaphore, #tpu.memory_space<semaphore_mem>>) src(%arg6 : memref<6x128x128xf32, #tpu.memory_space<vmem>>) dst(%dma_wait3A_14 : memref<6x128x128xf32, #tpu.memory_space<hbm>>)
    return
  }
}

#map = affine_map<(d0, d1) -> (0, 0, 0)>
#map1 = affine_map<(d0, d1) -> (0, 0)>
module attributes {stable_mosaic.version = 14 : i64} {
  func.func @body(%arg0: i32, %arg1: i32, %arg2: memref<800x1x128xi32, #tpu.memory_space<hbm>>, %arg3: memref<100000x128xf32, #tpu.memory_space<hbm>>, %arg4: memref<800x128x128xf32, #tpu.memory_space<hbm>>, %arg5: memref<25x1x128xi32, #tpu.memory_space<vmem>>, %arg6: memref<5x128x128xf32, #tpu.memory_space<vmem>>, %arg7: memref<!tpu.dma_semaphore, #tpu.memory_space<semaphore_mem>>, %arg8: memref<!tpu.dma_semaphore, #tpu.memory_space<semaphore_mem>>) attributes {dimension_semantics = [#tpu.dimension_semantics<core_parallel>, #tpu.dimension_semantics<subcore_parallel>], iteration_bounds = array<i64: 2, 16>, scalar_prefetch = 0 : i64, scratch_operands = 4 : i64, tpu.core_type = #tpu.core_type<sc_vector_subcore>, window_params = [{transform_indices = #map}, {transform_indices = #map1}, {transform_indices = #map}]} {
    %mul3A = arith.constant 2 : i32
    %mul3A_0 = arith.muli %arg1, %mul3A : i32
    %add3A = arith.addi %mul3A_0, %arg0 : i32
    %mul3A_1 = arith.constant 25 : i32
    %mul3A_2 = arith.muli %add3A, %mul3A_1 : i32
    "tpu.region"() ({
      %run_scoped3A = tpu.sem_alloc : memref<!tpu.dma_semaphore, #tpu.memory_space<semaphore_mem>>
      %dma_start3A = arith.constant 0 : i32
      %dma_start3A_15 = arith.constant 0 : i32
      %dma_start3A_16 = tpu.memref_slice %arg2[%mul3A_2, %dma_start3A, %dma_start3A_15] : memref<800x1x128xi32, #tpu.memory_space<hbm>> -> memref<25x1x128xi32, #tpu.memory_space<hbm>>
      %dma_start3A_17 = arith.constant 0 : i32
      %dma_start3A_18 = arith.constant 0 : i32
      %dma_start3A_19 = tpu.memref_slice %arg2[%mul3A_2, %dma_start3A_17, %dma_start3A_18] : memref<800x1x128xi32, #tpu.memory_space<hbm>> -> memref<25x1x128xi32, #tpu.memory_space<hbm>>
      tpu.enqueue_dma source(%dma_start3A_19 : memref<25x1x128xi32, #tpu.memory_space<hbm>>) target(%arg5 : memref<25x1x128xi32, #tpu.memory_space<vmem>>) target_semaphore(%run_scoped3A : memref<!tpu.dma_semaphore, #tpu.memory_space<semaphore_mem>>)
      %dma_wait3A_20 = arith.constant 0 : i32
      %dma_wait3A_21 = arith.constant 0 : i32
      %dma_wait3A_22 = tpu.memref_slice %arg2[%mul3A_2, %dma_wait3A_20, %dma_wait3A_21] : memref<800x1x128xi32, #tpu.memory_space<hbm>> -> memref<25x1x128xi32, #tpu.memory_space<hbm>>
      %dma_wait3A_23 = arith.constant 0 : i32
      %dma_wait3A_24 = arith.constant 0 : i32
      %dma_wait3A_25 = tpu.memref_slice %arg2[%mul3A_2, %dma_wait3A_23, %dma_wait3A_24] : memref<800x1x128xi32, #tpu.memory_space<hbm>> -> memref<25x1x128xi32, #tpu.memory_space<hbm>>
      tpu.wait_dma2 semaphore(%run_scoped3A : memref<!tpu.dma_semaphore, #tpu.memory_space<semaphore_mem>>) src(%dma_wait3A_25 : memref<25x1x128xi32, #tpu.memory_space<hbm>>) dst(%arg5 : memref<25x1x128xi32, #tpu.memory_space<vmem>>)
      tpu.yield
    }) : () -> ()
    %scan3A = arith.constant 0 : i32
    %scan3A_3 = arith.constant 0 : i32
    %scan3A_4 = arith.constant 5 : i32
    %scan3A_5 = arith.addi %scan3A_3, %scan3A_4 : i32
    %scan3A_6 = arith.constant 1 : i32
    scf.for %scan3A_15 = %scan3A_3 to %scan3A_5 step %scan3A_6  : i32 {
      %mul3A_16 = arith.constant 5 : i32
      %mul3A_17 = arith.muli %scan3A_15, %mul3A_16 : i32
      %add3A_18 = arith.addi %mul3A_2, %mul3A_17 : i32
      %gt3A = arith.constant 0 : i32
      %gt3A_19 = arith.cmpi sgt, %scan3A_15, %gt3A : i32
      %convert_element_type3A = arith.extui %gt3A_19 : i1 to i32
      %cond3A = arith.constant 0 : i32
      %cond3A_20 = arith.cmpi ne, %convert_element_type3A, %cond3A : i32
      scf.if %cond3A_20 {
        %sub3A = arith.constant 5 : i32
        %sub3A_166 = arith.subi %add3A_18, %sub3A : i32
        %dma_wait3A_167 = arith.constant 0 : i32
        %dma_wait3A_168 = arith.constant 0 : i32
        %dma_wait3A_169 = tpu.memref_slice %arg4[%sub3A_166, %dma_wait3A_167, %dma_wait3A_168] : memref<800x128x128xf32, #tpu.memory_space<hbm>> -> memref<5x128x128xf32, #tpu.memory_space<hbm>>
        %dma_wait3A_170 = arith.constant 0 : i32
        %dma_wait3A_171 = arith.constant 0 : i32
        %dma_wait3A_172 = tpu.memref_slice %arg4[%sub3A_166, %dma_wait3A_170, %dma_wait3A_171] : memref<800x128x128xf32, #tpu.memory_space<hbm>> -> memref<5x128x128xf32, #tpu.memory_space<hbm>>
        tpu.wait_dma2 semaphore(%arg8 : memref<!tpu.dma_semaphore, #tpu.memory_space<semaphore_mem>>) src(%arg6 : memref<5x128x128xf32, #tpu.memory_space<vmem>>) dst(%dma_wait3A_172 : memref<5x128x128xf32, #tpu.memory_space<hbm>>)
      } else {
      }
      %mul3A_21 = arith.constant 5 : i32
      %mul3A_22 = arith.muli %scan3A_15, %mul3A_21 : i32
      %add3A_23 = arith.constant 0 : i32
      %add3A_24 = arith.addi %mul3A_22, %add3A_23 : i32
      %dma_start3A = arith.constant 0 : i32
      %dma_start3A_25 = arith.constant 0 : i32
      %dma_start3A_26 = arith.constant 0 : i32
      %dma_start3A_27 = arith.constant 0 : i32
      %dma_start3A_28 = tpu.memref_slice %arg6[%dma_start3A_25, %dma_start3A_26, %dma_start3A_27] : memref<5x128x128xf32, #tpu.memory_space<vmem>> -> memref<1x128x128xf32, #tpu.memory_space<vmem>>
      %dma_start3A_29 = tpu.memref_squeeze %dma_start3A_28 : memref<1x128x128xf32, #tpu.memory_space<vmem>> -> memref<128x128xf32, #tpu.memory_space<vmem>>
      %dma_start3A_30 = arith.constant 0 : i32
      %dma_start3A_31 = tpu.memref_slice %arg5[%add3A_24, %dma_start3A, %dma_start3A_30] : memref<25x1x128xi32, #tpu.memory_space<vmem>> -> memref<1x1x128xi32, #tpu.memory_space<vmem>>
      %dma_start3A_32 = tpu.memref_squeeze %dma_start3A_31 : memref<1x1x128xi32, #tpu.memory_space<vmem>> -> memref<128xi32, #tpu.memory_space<vmem>>
      %dma_start3A_33 = arith.constant 0 : i32
      %dma_start3A_34 = arith.constant 0 : i32
      %dma_start3A_35 = tpu.memref_slice %arg3[%dma_start3A_33, %dma_start3A_34] : memref<100000x128xf32, #tpu.memory_space<hbm>> -> memref<100000x128xf32, #tpu.memory_space<hbm>>
      tpu.enqueue_indirect_dma source(%dma_start3A_35 : memref<100000x128xf32, #tpu.memory_space<hbm>>) target(%dma_start3A_29 : memref<128x128xf32, #tpu.memory_space<vmem>>) offsets(%dma_start3A_32 : memref<128xi32, #tpu.memory_space<vmem>>) semaphore(%arg7 : memref<!tpu.dma_semaphore, #tpu.memory_space<semaphore_mem>>)
      %mul3A_36 = arith.constant 5 : i32
      %mul3A_37 = arith.muli %scan3A_15, %mul3A_36 : i32
      %add3A_38 = arith.constant 1 : i32
      %add3A_39 = arith.addi %mul3A_37, %add3A_38 : i32
      %dma_start3A_40 = arith.constant 0 : i32
      %dma_start3A_41 = arith.constant 1 : i32
      %dma_start3A_42 = arith.constant 0 : i32
      %dma_start3A_43 = arith.constant 0 : i32
      %dma_start3A_44 = tpu.memref_slice %arg6[%dma_start3A_41, %dma_start3A_42, %dma_start3A_43] : memref<5x128x128xf32, #tpu.memory_space<vmem>> -> memref<1x128x128xf32, #tpu.memory_space<vmem>>
      %dma_start3A_45 = tpu.memref_squeeze %dma_start3A_44 : memref<1x128x128xf32, #tpu.memory_space<vmem>> -> memref<128x128xf32, #tpu.memory_space<vmem>>
      %dma_start3A_46 = arith.constant 0 : i32
      %dma_start3A_47 = tpu.memref_slice %arg5[%add3A_39, %dma_start3A_40, %dma_start3A_46] : memref<25x1x128xi32, #tpu.memory_space<vmem>> -> memref<1x1x128xi32, #tpu.memory_space<vmem>>
      %dma_start3A_48 = tpu.memref_squeeze %dma_start3A_47 : memref<1x1x128xi32, #tpu.memory_space<vmem>> -> memref<128xi32, #tpu.memory_space<vmem>>
      %dma_start3A_49 = arith.constant 0 : i32
      %dma_start3A_50 = arith.constant 0 : i32
      %dma_start3A_51 = tpu.memref_slice %arg3[%dma_start3A_49, %dma_start3A_50] : memref<100000x128xf32, #tpu.memory_space<hbm>> -> memref<100000x128xf32, #tpu.memory_space<hbm>>
      tpu.enqueue_indirect_dma source(%dma_start3A_51 : memref<100000x128xf32, #tpu.memory_space<hbm>>) target(%dma_start3A_45 : memref<128x128xf32, #tpu.memory_space<vmem>>) offsets(%dma_start3A_48 : memref<128xi32, #tpu.memory_space<vmem>>) semaphore(%arg7 : memref<!tpu.dma_semaphore, #tpu.memory_space<semaphore_mem>>)
      %mul3A_52 = arith.constant 5 : i32
      %mul3A_53 = arith.muli %scan3A_15, %mul3A_52 : i32
      %add3A_54 = arith.constant 2 : i32
      %add3A_55 = arith.addi %mul3A_53, %add3A_54 : i32
      %dma_start3A_56 = arith.constant 0 : i32
      %dma_start3A_57 = arith.constant 2 : i32
      %dma_start3A_58 = arith.constant 0 : i32
      %dma_start3A_59 = arith.constant 0 : i32
      %dma_start3A_60 = tpu.memref_slice %arg6[%dma_start3A_57, %dma_start3A_58, %dma_start3A_59] : memref<5x128x128xf32, #tpu.memory_space<vmem>> -> memref<1x128x128xf32, #tpu.memory_space<vmem>>
      %dma_start3A_61 = tpu.memref_squeeze %dma_start3A_60 : memref<1x128x128xf32, #tpu.memory_space<vmem>> -> memref<128x128xf32, #tpu.memory_space<vmem>>
      %dma_start3A_62 = arith.constant 0 : i32
      %dma_start3A_63 = tpu.memref_slice %arg5[%add3A_55, %dma_start3A_56, %dma_start3A_62] : memref<25x1x128xi32, #tpu.memory_space<vmem>> -> memref<1x1x128xi32, #tpu.memory_space<vmem>>
      %dma_start3A_64 = tpu.memref_squeeze %dma_start3A_63 : memref<1x1x128xi32, #tpu.memory_space<vmem>> -> memref<128xi32, #tpu.memory_space<vmem>>
      %dma_start3A_65 = arith.constant 0 : i32
      %dma_start3A_66 = arith.constant 0 : i32
      %dma_start3A_67 = tpu.memref_slice %arg3[%dma_start3A_65, %dma_start3A_66] : memref<100000x128xf32, #tpu.memory_space<hbm>> -> memref<100000x128xf32, #tpu.memory_space<hbm>>
      tpu.enqueue_indirect_dma source(%dma_start3A_67 : memref<100000x128xf32, #tpu.memory_space<hbm>>) target(%dma_start3A_61 : memref<128x128xf32, #tpu.memory_space<vmem>>) offsets(%dma_start3A_64 : memref<128xi32, #tpu.memory_space<vmem>>) semaphore(%arg7 : memref<!tpu.dma_semaphore, #tpu.memory_space<semaphore_mem>>)
      %mul3A_68 = arith.constant 5 : i32
      %mul3A_69 = arith.muli %scan3A_15, %mul3A_68 : i32
      %add3A_70 = arith.constant 3 : i32
      %add3A_71 = arith.addi %mul3A_69, %add3A_70 : i32
      %dma_start3A_72 = arith.constant 0 : i32
      %dma_start3A_73 = arith.constant 3 : i32
      %dma_start3A_74 = arith.constant 0 : i32
      %dma_start3A_75 = arith.constant 0 : i32
      %dma_start3A_76 = tpu.memref_slice %arg6[%dma_start3A_73, %dma_start3A_74, %dma_start3A_75] : memref<5x128x128xf32, #tpu.memory_space<vmem>> -> memref<1x128x128xf32, #tpu.memory_space<vmem>>
      %dma_start3A_77 = tpu.memref_squeeze %dma_start3A_76 : memref<1x128x128xf32, #tpu.memory_space<vmem>> -> memref<128x128xf32, #tpu.memory_space<vmem>>
      %dma_start3A_78 = arith.constant 0 : i32
      %dma_start3A_79 = tpu.memref_slice %arg5[%add3A_71, %dma_start3A_72, %dma_start3A_78] : memref<25x1x128xi32, #tpu.memory_space<vmem>> -> memref<1x1x128xi32, #tpu.memory_space<vmem>>
      %dma_start3A_80 = tpu.memref_squeeze %dma_start3A_79 : memref<1x1x128xi32, #tpu.memory_space<vmem>> -> memref<128xi32, #tpu.memory_space<vmem>>
      %dma_start3A_81 = arith.constant 0 : i32
      %dma_start3A_82 = arith.constant 0 : i32
      %dma_start3A_83 = tpu.memref_slice %arg3[%dma_start3A_81, %dma_start3A_82] : memref<100000x128xf32, #tpu.memory_space<hbm>> -> memref<100000x128xf32, #tpu.memory_space<hbm>>
      tpu.enqueue_indirect_dma source(%dma_start3A_83 : memref<100000x128xf32, #tpu.memory_space<hbm>>) target(%dma_start3A_77 : memref<128x128xf32, #tpu.memory_space<vmem>>) offsets(%dma_start3A_80 : memref<128xi32, #tpu.memory_space<vmem>>) semaphore(%arg7 : memref<!tpu.dma_semaphore, #tpu.memory_space<semaphore_mem>>)
      %mul3A_84 = arith.constant 5 : i32
      %mul3A_85 = arith.muli %scan3A_15, %mul3A_84 : i32
      %add3A_86 = arith.constant 4 : i32
      %add3A_87 = arith.addi %mul3A_85, %add3A_86 : i32
      %dma_start3A_88 = arith.constant 0 : i32
      %dma_start3A_89 = arith.constant 4 : i32
      %dma_start3A_90 = arith.constant 0 : i32
      %dma_start3A_91 = arith.constant 0 : i32
      %dma_start3A_92 = tpu.memref_slice %arg6[%dma_start3A_89, %dma_start3A_90, %dma_start3A_91] : memref<5x128x128xf32, #tpu.memory_space<vmem>> -> memref<1x128x128xf32, #tpu.memory_space<vmem>>
      %dma_start3A_93 = tpu.memref_squeeze %dma_start3A_92 : memref<1x128x128xf32, #tpu.memory_space<vmem>> -> memref<128x128xf32, #tpu.memory_space<vmem>>
      %dma_start3A_94 = arith.constant 0 : i32
      %dma_start3A_95 = tpu.memref_slice %arg5[%add3A_87, %dma_start3A_88, %dma_start3A_94] : memref<25x1x128xi32, #tpu.memory_space<vmem>> -> memref<1x1x128xi32, #tpu.memory_space<vmem>>
      %dma_start3A_96 = tpu.memref_squeeze %dma_start3A_95 : memref<1x1x128xi32, #tpu.memory_space<vmem>> -> memref<128xi32, #tpu.memory_space<vmem>>
      %dma_start3A_97 = arith.constant 0 : i32
      %dma_start3A_98 = arith.constant 0 : i32
      %dma_start3A_99 = tpu.memref_slice %arg3[%dma_start3A_97, %dma_start3A_98] : memref<100000x128xf32, #tpu.memory_space<hbm>> -> memref<100000x128xf32, #tpu.memory_space<hbm>>
      tpu.enqueue_indirect_dma source(%dma_start3A_99 : memref<100000x128xf32, #tpu.memory_space<hbm>>) target(%dma_start3A_93 : memref<128x128xf32, #tpu.memory_space<vmem>>) offsets(%dma_start3A_96 : memref<128xi32, #tpu.memory_space<vmem>>) semaphore(%arg7 : memref<!tpu.dma_semaphore, #tpu.memory_space<semaphore_mem>>)
      %dma_wait3A_100 = arith.constant 0 : i32
      %dma_wait3A_101 = arith.constant 0 : i32
      %dma_wait3A_102 = arith.constant 0 : i32
      %dma_wait3A_103 = arith.constant 0 : i32
      %dma_wait3A_104 = tpu.memref_slice %arg6[%dma_wait3A_101, %dma_wait3A_102, %dma_wait3A_103] : memref<5x128x128xf32, #tpu.memory_space<vmem>> -> memref<1x128x128xf32, #tpu.memory_space<vmem>>
      %dma_wait3A_105 = tpu.memref_squeeze %dma_wait3A_104 : memref<1x128x128xf32, #tpu.memory_space<vmem>> -> memref<128x128xf32, #tpu.memory_space<vmem>>
      %dma_wait3A_106 = arith.constant 0 : i32
      %dma_wait3A_107 = tpu.memref_slice %arg5[%add3A_24, %dma_wait3A_100, %dma_wait3A_106] : memref<25x1x128xi32, #tpu.memory_space<vmem>> -> memref<1x1x128xi32, #tpu.memory_space<vmem>>
      %dma_wait3A_108 = tpu.memref_squeeze %dma_wait3A_107 : memref<1x1x128xi32, #tpu.memory_space<vmem>> -> memref<128xi32, #tpu.memory_space<vmem>>
      %dma_wait3A_109 = arith.constant 0 : i32
      %dma_wait3A_110 = arith.constant 0 : i32
      %dma_wait3A_111 = tpu.memref_slice %arg3[%dma_wait3A_109, %dma_wait3A_110] : memref<100000x128xf32, #tpu.memory_space<hbm>> -> memref<100000x128xf32, #tpu.memory_space<hbm>>
      tpu.wait_indirect_dma semaphore(%arg7 : memref<!tpu.dma_semaphore, #tpu.memory_space<semaphore_mem>>) src(%dma_wait3A_111 : memref<100000x128xf32, #tpu.memory_space<hbm>>) dst(%dma_wait3A_105 : memref<128x128xf32, #tpu.memory_space<vmem>>)
      %dma_wait3A_112 = arith.constant 0 : i32
      %dma_wait3A_113 = arith.constant 1 : i32
      %dma_wait3A_114 = arith.constant 0 : i32
      %dma_wait3A_115 = arith.constant 0 : i32
      %dma_wait3A_116 = tpu.memref_slice %arg6[%dma_wait3A_113, %dma_wait3A_114, %dma_wait3A_115] : memref<5x128x128xf32, #tpu.memory_space<vmem>> -> memref<1x128x128xf32, #tpu.memory_space<vmem>>
      %dma_wait3A_117 = tpu.memref_squeeze %dma_wait3A_116 : memref<1x128x128xf32, #tpu.memory_space<vmem>> -> memref<128x128xf32, #tpu.memory_space<vmem>>
      %dma_wait3A_118 = arith.constant 0 : i32
      %dma_wait3A_119 = tpu.memref_slice %arg5[%add3A_39, %dma_wait3A_112, %dma_wait3A_118] : memref<25x1x128xi32, #tpu.memory_space<vmem>> -> memref<1x1x128xi32, #tpu.memory_space<vmem>>
      %dma_wait3A_120 = tpu.memref_squeeze %dma_wait3A_119 : memref<1x1x128xi32, #tpu.memory_space<vmem>> -> memref<128xi32, #tpu.memory_space<vmem>>
      %dma_wait3A_121 = arith.constant 0 : i32
      %dma_wait3A_122 = arith.constant 0 : i32
      %dma_wait3A_123 = tpu.memref_slice %arg3[%dma_wait3A_121, %dma_wait3A_122] : memref<100000x128xf32, #tpu.memory_space<hbm>> -> memref<100000x128xf32, #tpu.memory_space<hbm>>
      tpu.wait_indirect_dma semaphore(%arg7 : memref<!tpu.dma_semaphore, #tpu.memory_space<semaphore_mem>>) src(%dma_wait3A_123 : memref<100000x128xf32, #tpu.memory_space<hbm>>) dst(%dma_wait3A_117 : memref<128x128xf32, #tpu.memory_space<vmem>>)
      %dma_wait3A_124 = arith.constant 0 : i32
      %dma_wait3A_125 = arith.constant 2 : i32
      %dma_wait3A_126 = arith.constant 0 : i32
      %dma_wait3A_127 = arith.constant 0 : i32
      %dma_wait3A_128 = tpu.memref_slice %arg6[%dma_wait3A_125, %dma_wait3A_126, %dma_wait3A_127] : memref<5x128x128xf32, #tpu.memory_space<vmem>> -> memref<1x128x128xf32, #tpu.memory_space<vmem>>
      %dma_wait3A_129 = tpu.memref_squeeze %dma_wait3A_128 : memref<1x128x128xf32, #tpu.memory_space<vmem>> -> memref<128x128xf32, #tpu.memory_space<vmem>>
      %dma_wait3A_130 = arith.constant 0 : i32
      %dma_wait3A_131 = tpu.memref_slice %arg5[%add3A_55, %dma_wait3A_124, %dma_wait3A_130] : memref<25x1x128xi32, #tpu.memory_space<vmem>> -> memref<1x1x128xi32, #tpu.memory_space<vmem>>
      %dma_wait3A_132 = tpu.memref_squeeze %dma_wait3A_131 : memref<1x1x128xi32, #tpu.memory_space<vmem>> -> memref<128xi32, #tpu.memory_space<vmem>>
      %dma_wait3A_133 = arith.constant 0 : i32
      %dma_wait3A_134 = arith.constant 0 : i32
      %dma_wait3A_135 = tpu.memref_slice %arg3[%dma_wait3A_133, %dma_wait3A_134] : memref<100000x128xf32, #tpu.memory_space<hbm>> -> memref<100000x128xf32, #tpu.memory_space<hbm>>
      tpu.wait_indirect_dma semaphore(%arg7 : memref<!tpu.dma_semaphore, #tpu.memory_space<semaphore_mem>>) src(%dma_wait3A_135 : memref<100000x128xf32, #tpu.memory_space<hbm>>) dst(%dma_wait3A_129 : memref<128x128xf32, #tpu.memory_space<vmem>>)
      %dma_wait3A_136 = arith.constant 0 : i32
      %dma_wait3A_137 = arith.constant 3 : i32
      %dma_wait3A_138 = arith.constant 0 : i32
      %dma_wait3A_139 = arith.constant 0 : i32
      %dma_wait3A_140 = tpu.memref_slice %arg6[%dma_wait3A_137, %dma_wait3A_138, %dma_wait3A_139] : memref<5x128x128xf32, #tpu.memory_space<vmem>> -> memref<1x128x128xf32, #tpu.memory_space<vmem>>
      %dma_wait3A_141 = tpu.memref_squeeze %dma_wait3A_140 : memref<1x128x128xf32, #tpu.memory_space<vmem>> -> memref<128x128xf32, #tpu.memory_space<vmem>>
      %dma_wait3A_142 = arith.constant 0 : i32
      %dma_wait3A_143 = tpu.memref_slice %arg5[%add3A_71, %dma_wait3A_136, %dma_wait3A_142] : memref<25x1x128xi32, #tpu.memory_space<vmem>> -> memref<1x1x128xi32, #tpu.memory_space<vmem>>
      %dma_wait3A_144 = tpu.memref_squeeze %dma_wait3A_143 : memref<1x1x128xi32, #tpu.memory_space<vmem>> -> memref<128xi32, #tpu.memory_space<vmem>>
      %dma_wait3A_145 = arith.constant 0 : i32
      %dma_wait3A_146 = arith.constant 0 : i32
      %dma_wait3A_147 = tpu.memref_slice %arg3[%dma_wait3A_145, %dma_wait3A_146] : memref<100000x128xf32, #tpu.memory_space<hbm>> -> memref<100000x128xf32, #tpu.memory_space<hbm>>
      tpu.wait_indirect_dma semaphore(%arg7 : memref<!tpu.dma_semaphore, #tpu.memory_space<semaphore_mem>>) src(%dma_wait3A_147 : memref<100000x128xf32, #tpu.memory_space<hbm>>) dst(%dma_wait3A_141 : memref<128x128xf32, #tpu.memory_space<vmem>>)
      %dma_wait3A_148 = arith.constant 0 : i32
      %dma_wait3A_149 = arith.constant 4 : i32
      %dma_wait3A_150 = arith.constant 0 : i32
      %dma_wait3A_151 = arith.constant 0 : i32
      %dma_wait3A_152 = tpu.memref_slice %arg6[%dma_wait3A_149, %dma_wait3A_150, %dma_wait3A_151] : memref<5x128x128xf32, #tpu.memory_space<vmem>> -> memref<1x128x128xf32, #tpu.memory_space<vmem>>
      %dma_wait3A_153 = tpu.memref_squeeze %dma_wait3A_152 : memref<1x128x128xf32, #tpu.memory_space<vmem>> -> memref<128x128xf32, #tpu.memory_space<vmem>>
      %dma_wait3A_154 = arith.constant 0 : i32
      %dma_wait3A_155 = tpu.memref_slice %arg5[%add3A_87, %dma_wait3A_148, %dma_wait3A_154] : memref<25x1x128xi32, #tpu.memory_space<vmem>> -> memref<1x1x128xi32, #tpu.memory_space<vmem>>
      %dma_wait3A_156 = tpu.memref_squeeze %dma_wait3A_155 : memref<1x1x128xi32, #tpu.memory_space<vmem>> -> memref<128xi32, #tpu.memory_space<vmem>>
      %dma_wait3A_157 = arith.constant 0 : i32
      %dma_wait3A_158 = arith.constant 0 : i32
      %dma_wait3A_159 = tpu.memref_slice %arg3[%dma_wait3A_157, %dma_wait3A_158] : memref<100000x128xf32, #tpu.memory_space<hbm>> -> memref<100000x128xf32, #tpu.memory_space<hbm>>
      tpu.wait_indirect_dma semaphore(%arg7 : memref<!tpu.dma_semaphore, #tpu.memory_space<semaphore_mem>>) src(%dma_wait3A_159 : memref<100000x128xf32, #tpu.memory_space<hbm>>) dst(%dma_wait3A_153 : memref<128x128xf32, #tpu.memory_space<vmem>>)
      %dma_start3A_160 = arith.constant 0 : i32
      %dma_start3A_161 = arith.constant 0 : i32
      %dma_start3A_162 = tpu.memref_slice %arg4[%add3A_18, %dma_start3A_160, %dma_start3A_161] : memref<800x128x128xf32, #tpu.memory_space<hbm>> -> memref<5x128x128xf32, #tpu.memory_space<hbm>>
      %dma_start3A_163 = arith.constant 0 : i32
      %dma_start3A_164 = arith.constant 0 : i32
      %dma_start3A_165 = tpu.memref_slice %arg4[%add3A_18, %dma_start3A_163, %dma_start3A_164] : memref<800x128x128xf32, #tpu.memory_space<hbm>> -> memref<5x128x128xf32, #tpu.memory_space<hbm>>
      tpu.enqueue_dma source(%arg6 : memref<5x128x128xf32, #tpu.memory_space<vmem>>) target(%dma_start3A_165 : memref<5x128x128xf32, #tpu.memory_space<hbm>>) target_semaphore(%arg8 : memref<!tpu.dma_semaphore, #tpu.memory_space<semaphore_mem>>)
    }
    %scan3A_7 = arith.constant 5 : i32
    %add3A_8 = arith.constant 20 : i32
    %add3A_9 = arith.addi %mul3A_2, %add3A_8 : i32
    %dma_wait3A = arith.constant 0 : i32
    %dma_wait3A_10 = arith.constant 0 : i32
    %dma_wait3A_11 = tpu.memref_slice %arg4[%add3A_9, %dma_wait3A, %dma_wait3A_10] : memref<800x128x128xf32, #tpu.memory_space<hbm>> -> memref<5x128x128xf32, #tpu.memory_space<hbm>>
    %dma_wait3A_12 = arith.constant 0 : i32
    %dma_wait3A_13 = arith.constant 0 : i32
    %dma_wait3A_14 = tpu.memref_slice %arg4[%add3A_9, %dma_wait3A_12, %dma_wait3A_13] : memref<800x128x128xf32, #tpu.memory_space<hbm>> -> memref<5x128x128xf32, #tpu.memory_space<hbm>>
    tpu.wait_dma2 semaphore(%arg8 : memref<!tpu.dma_semaphore, #tpu.memory_space<semaphore_mem>>) src(%arg6 : memref<5x128x128xf32, #tpu.memory_space<vmem>>) dst(%dma_wait3A_14 : memref<5x128x128xf32, #tpu.memory_space<hbm>>)
    return
  }
}

module attributes {stable_mosaic.version = 14 : i64} {
  func.func @_tc_a_body(%arg0: i32, %arg1: memref<400x128xf32, #tpu.memory_space<vmem>>, %arg2: memref<400x128xf32, #tpu.memory_space<vmem>>, %arg3: memref<8x50x50xi32, #tpu.memory_space<vmem>>, %arg4: memref<8x50x1xf32, #tpu.memory_space<vmem>>, %arg5: memref<4x128xbf16, #tpu.memory_space<vmem>>, %arg6: memref<25x128xf32, #tpu.memory_space<vmem>>, %arg7: memref<400x128xf32, #tpu.memory_space<vmem>>, %arg8: memref<400x128xf32, #tpu.memory_space<vmem>>, %arg9: memref<8x128xf32, #tpu.memory_space<vmem>>) attributes {dimension_semantics = [#tpu.dimension_semantics<arbitrary>], iteration_bounds = array<i64: 128>, scalar_prefetch = 0 : i64, scratch_operands = 0 : i64, tpu.core_type = #tpu.core_type<tc>, window_params = [{transform_indices = @transform_0, window_bounds = array<i64: 400, 128>}, {transform_indices = @transform_1, window_bounds = array<i64: 400, 128>}, {transform_indices = @transform_2, window_bounds = array<i64: 8, 50, 50>}, {transform_indices = @transform_3, window_bounds = array<i64: 8, 50, 1>}, {pipeline_mode = #tpu.pipeline_mode<synchronous>, transform_indices = @transform_4, window_bounds = array<i64: 4, 128>}, {pipeline_mode = #tpu.pipeline_mode<synchronous>, transform_indices = @transform_5, window_bounds = array<i64: 25, 128>}, {transform_indices = @transform_6, window_bounds = array<i64: 400, 128>}, {transform_indices = @transform_7, window_bounds = array<i64: 400, 128>}, {transform_indices = @transform_8, window_bounds = array<i64: 8, 128>}]} {
    %get3A = arith.constant 0 : index
    %get3A_0 = arith.constant 0 : index
    %get3A_1 = vector.load %arg6[%get3A, %get3A_0] : memref<25x128xf32, #tpu.memory_space<vmem>>, vector<25x128xf32>
    %iota3A = tpu.iota {dimensions = array<i32: 0>} : vector<50x50xi32>
    %iota3A_2 = tpu.iota {dimensions = array<i32: 1>} : vector<50x50xi32>
    %sub3A = arith.subi %iota3A_2, %iota3A : vector<50x50xi32>
    %jit3A = arith.constant -12 : i32
    %jit3A_3 = arith.constant 12 : i32
    %max3A = vector.broadcast %jit3A : i32 to vector<50x50xi32>
    %max3A_4 = arith.maxsi %max3A, %sub3A : vector<50x50xi32>
    %min3A = vector.broadcast %jit3A_3 : i32 to vector<50x50xi32>
    %min3A_5 = arith.minsi %min3A, %max3A_4 : vector<50x50xi32>
    %add3A = arith.constant 12 : i32
    %add3A_6 = vector.broadcast %add3A : i32 to vector<50x50xi32>
    %add3A_7 = arith.addi %min3A_5, %add3A_6 : vector<50x50xi32>
    %get3A_8 = arith.constant 0 : index
    %get3A_9 = arith.constant 0 : index
    %get3A_10 = vector.load %arg1[%get3A_8, %get3A_9] : memref<400x128xf32, #tpu.memory_space<vmem>>, vector<400x128xf32>
    %get3A_11 = arith.constant 0 : index
    %get3A_12 = arith.constant 0 : index
    %get3A_13 = vector.load %arg2[%get3A_11, %get3A_12] : memref<400x128xf32, #tpu.memory_space<vmem>>, vector<400x128xf32>
    %convert_element_type3A = arith.truncf %get3A_10 : vector<400x128xf32> to vector<400x128xbf16>
    %convert_element_type3A_14 = arith.truncf %get3A_1 : vector<25x128xf32> to vector<25x128xbf16>
    %slice3A = vector.extract_strided_slice %convert_element_type3A {offsets = [0, 0], sizes = [50, 128], strides = [1, 1]} : vector<400x128xbf16> to vector<50x128xbf16>
    %get3A_15 = arith.constant 0 : index
    %get3A_16 = arith.constant 0 : index
    %get3A_17 = arith.constant 0 : index
    %get3A_18 = vector.load %arg3[%get3A_15, %get3A_16, %get3A_17] : memref<8x50x50xi32, #tpu.memory_space<vmem>>, vector<1x50x50xi32>
    %get3A_19 = vector.shape_cast %get3A_18 : vector<1x50x50xi32> to vector<50x50xi32>
    %get3A_20 = arith.constant 0 : index
    %get3A_21 = arith.constant 0 : index
    %get3A_22 = arith.constant 0 : index
    %get3A_23 = vector.load %arg4[%get3A_20, %get3A_21, %get3A_22] : memref<8x50x1xf32, #tpu.memory_space<vmem>>, vector<1x50x1xf32>
    %get3A_24 = vector.shape_cast %get3A_23 : vector<1x50x1xf32> to vector<50x1xf32>
    %slice3A_25 = vector.extract_strided_slice %get3A_13 {offsets = [0, 0], sizes = [50, 128], strides = [1, 1]} : vector<400x128xf32> to vector<50x128xf32>
    %mul3A = vector.broadcast %get3A_24 : vector<50x1xf32> to vector<50x128xf32>
    %mul3A_26 = arith.mulf %slice3A_25, %mul3A : vector<50x128xf32>
    %convert_element_type3A_27 = arith.truncf %mul3A_26 : vector<50x128xf32> to vector<50x128xbf16>
    %get3A_28 = arith.constant 0 : index
    %get3A_29 = arith.constant 0 : index
    %get3A_30 = vector.load %arg5[%get3A_28, %get3A_29] : memref<4x128xbf16, #tpu.memory_space<vmem>>, vector<1x128xbf16>
    %get3A_31 = vector.shape_cast %get3A_30 : vector<1x128xbf16> to vector<128xbf16>
    %broadcast_in_dim3A = vector.shape_cast %get3A_31 : vector<128xbf16> to vector<1x128xbf16>
    %mul3A_32 = vector.broadcast %broadcast_in_dim3A : vector<1x128xbf16> to vector<50x128xbf16>
    %mul3A_33 = arith.mulf %slice3A, %mul3A_32 : vector<50x128xbf16>
    %get3A_34 = arith.constant 1 : index
    %get3A_35 = arith.constant 0 : index
    %get3A_36 = vector.load %arg5[%get3A_34, %get3A_35] : memref<4x128xbf16, #tpu.memory_space<vmem>>, vector<1x128xbf16>
    %get3A_37 = vector.shape_cast %get3A_36 : vector<1x128xbf16> to vector<128xbf16>
    %broadcast_in_dim3A_38 = vector.shape_cast %get3A_37 : vector<128xbf16> to vector<1x128xbf16>
    %mul3A_39 = vector.broadcast %broadcast_in_dim3A_38 : vector<1x128xbf16> to vector<50x128xbf16>
    %mul3A_40 = arith.mulf %slice3A, %mul3A_39 : vector<50x128xbf16>
    %get3A_41 = arith.constant 2 : index
    %get3A_42 = arith.constant 0 : index
    %get3A_43 = vector.load %arg5[%get3A_41, %get3A_42] : memref<4x128xbf16, #tpu.memory_space<vmem>>, vector<1x128xbf16>
    %get3A_44 = vector.shape_cast %get3A_43 : vector<1x128xbf16> to vector<128xbf16>
    %broadcast_in_dim3A_45 = vector.shape_cast %get3A_44 : vector<128xbf16> to vector<1x128xbf16>
    %mul3A_46 = vector.broadcast %broadcast_in_dim3A_45 : vector<1x128xbf16> to vector<50x128xbf16>
    %mul3A_47 = arith.mulf %slice3A, %mul3A_46 : vector<50x128xbf16>
    %get3A_48 = arith.constant 3 : index
    %get3A_49 = arith.constant 0 : index
    %get3A_50 = vector.load %arg5[%get3A_48, %get3A_49] : memref<4x128xbf16, #tpu.memory_space<vmem>>, vector<1x128xbf16>
    %get3A_51 = vector.shape_cast %get3A_50 : vector<1x128xbf16> to vector<128xbf16>
    %broadcast_in_dim3A_52 = vector.shape_cast %get3A_51 : vector<128xbf16> to vector<1x128xbf16>
    %mul3A_53 = vector.broadcast %broadcast_in_dim3A_52 : vector<1x128xbf16> to vector<50x128xbf16>
    %mul3A_54 = arith.mulf %slice3A, %mul3A_53 : vector<50x128xbf16>
    %concatenate3A = tpu.concatenate %mul3A_33, %mul3A_40, %mul3A_47, %mul3A_54, %convert_element_type3A_27 in 0 : vector<50x128xbf16>, vector<50x128xbf16>, vector<50x128xbf16>, vector<50x128xbf16>, vector<50x128xbf16> -> vector<250x128xbf16>
    %concatenate3A_55 = tpu.concatenate %slice3A, %convert_element_type3A_27, %convert_element_type3A_14 in 0 : vector<50x128xbf16>, vector<50x128xbf16>, vector<25x128xbf16> -> vector<125x128xbf16>
    %dot_general3A = arith.constant dense<0.000000e+00> : vector<250x125xf32>
    %dot_general3A_56 = tpu.matmul %concatenate3A, %concatenate3A_55, %dot_general3A {dimension_numbers = #tpu.dot_dimension_numbers<[1], [1], [0], [0], [0, 0, 1, 0], [], []>, transpose_lhs_hint = false} : vector<250x128xbf16>, vector<125x128xbf16>, vector<250x125xf32> -> vector<250x125xf32>
    %broadcast_in_dim3A_57 = arith.constant -9.000000e+15 : f32
    %broadcast_in_dim3A_58 = vector.broadcast %broadcast_in_dim3A_57 : f32 to vector<50x50xf32>
    %eq3A = arith.constant 1 : i32
    %eq3A_59 = vector.broadcast %eq3A : i32 to vector<50x50xi32>
    %eq3A_60 = arith.cmpi eq, %get3A_19, %eq3A_59 : vector<50x50xi32>
    %slice3A_61 = vector.extract_strided_slice %dot_general3A_56 {offsets = [0, 0], sizes = [50, 50], strides = [1, 1]} : vector<250x125xf32> to vector<50x50xf32>
    %select_n3A = arith.select %eq3A_60, %slice3A_61, %broadcast_in_dim3A_58 : vector<50x50xi1>, vector<50x50xf32>
    %eq3A_62 = arith.constant 2 : i32
    %eq3A_63 = vector.broadcast %eq3A_62 : i32 to vector<50x50xi32>
    %eq3A_64 = arith.cmpi eq, %get3A_19, %eq3A_63 : vector<50x50xi32>
    %slice3A_65 = vector.extract_strided_slice %dot_general3A_56 {offsets = [50, 0], sizes = [50, 50], strides = [1, 1]} : vector<250x125xf32> to vector<50x50xf32>
    %select_n3A_66 = arith.select %eq3A_64, %slice3A_65, %select_n3A : vector<50x50xi1>, vector<50x50xf32>
    %eq3A_67 = arith.constant 3 : i32
    %eq3A_68 = vector.broadcast %eq3A_67 : i32 to vector<50x50xi32>
    %eq3A_69 = arith.cmpi eq, %get3A_19, %eq3A_68 : vector<50x50xi32>
    %slice3A_70 = vector.extract_strided_slice %dot_general3A_56 {offsets = [100, 0], sizes = [50, 50], strides = [1, 1]} : vector<250x125xf32> to vector<50x50xf32>
    %select_n3A_71 = arith.select %eq3A_69, %slice3A_70, %select_n3A_66 : vector<50x50xi1>, vector<50x50xf32>
    %eq3A_72 = arith.constant 4 : i32
    %eq3A_73 = vector.broadcast %eq3A_72 : i32 to vector<50x50xi32>
    %eq3A_74 = arith.cmpi eq, %get3A_19, %eq3A_73 : vector<50x50xi32>
    %slice3A_75 = vector.extract_strided_slice %dot_general3A_56 {offsets = [150, 0], sizes = [50, 50], strides = [1, 1]} : vector<250x125xf32> to vector<50x50xf32>
    %select_n3A_76 = arith.select %eq3A_74, %slice3A_75, %select_n3A_71 : vector<50x50xi1>, vector<50x50xf32>
    %ge3A = arith.constant 0.000000e+00 : f32
    %ge3A_77 = vector.broadcast %ge3A : f32 to vector<50x50xf32>
    %ge3A_78 = arith.cmpf oge, %select_n3A_76, %ge3A_77 : vector<50x50xf32>
    %mul3A_79 = arith.constant 2.000000e-01 : f32
    %mul3A_80 = vector.broadcast %mul3A_79 : f32 to vector<50x50xf32>
    %mul3A_81 = arith.mulf %mul3A_80, %select_n3A_76 : vector<50x50xf32>
    %select_n3A_82 = arith.select %ge3A_78, %select_n3A_76, %mul3A_81 : vector<50x50xi1>, vector<50x50xf32>
    %reduce_sum3A = arith.constant dense<0.000000e+00> : vector<128xf32>
    %reduce_sum3A_83 = vector.multi_reduction <add>, %mul3A_26, %reduce_sum3A [0] : vector<50x128xf32> to vector<128xf32>
    %reduce_sum3A_84 = vector.shape_cast %get3A_24 : vector<50x1xf32> to vector<1x50x1xf32>
    %reduce_sum3A_85 = arith.constant dense<0.000000e+00> : vector<1xf32>
    %reduce_sum3A_86 = vector.multi_reduction <add>, %reduce_sum3A_84, %reduce_sum3A_85 [1, 2] : vector<1x50x1xf32> to vector<1xf32>
    %reduce_sum3A_87 = vector.shape_cast %reduce_sum3A_86 : vector<1xf32> to vector<1x1x1xf32>
    %reduce_sum3A_88 = vector.extract %reduce_sum3A_87[0, 0, 0] : f32 from vector<1x1x1xf32>
    %div3A = vector.broadcast %reduce_sum3A_88 : f32 to vector<128xf32>
    %div3A_89 = arith.divf %reduce_sum3A_83, %div3A : vector<128xf32>
    %slice3A_90 = vector.extract_strided_slice %dot_general3A_56 {offsets = [200, 50], sizes = [50, 50], strides = [1, 1]} : vector<250x125xf32> to vector<50x50xf32>
    %slice3A_91 = vector.extract_strided_slice %dot_general3A_56 {offsets = [200, 100], sizes = [50, 25], strides = [1, 1]} : vector<250x125xf32> to vector<50x25xf32>
    %lt3A = arith.constant 0 : i32
    %lt3A_92 = vector.broadcast %lt3A : i32 to vector<50x50xi32>
    %lt3A_93 = arith.cmpi slt, %add3A_7, %lt3A_92 : vector<50x50xi32>
    %add3A_94 = arith.constant 25 : i32
    %add3A_95 = vector.broadcast %add3A_94 : i32 to vector<50x50xi32>
    %add3A_96 = arith.addi %add3A_7, %add3A_95 : vector<50x50xi32>
    %select_n3A_97 = arith.select %lt3A_93, %add3A_96, %add3A_7 : vector<50x50xi1>, vector<50x50xi32>
    %reshape3A = vector.shape_cast %select_n3A_97 : vector<50x50xi32> to vector<50x50x1xi32>
    %gather3A = vector.shape_cast %reshape3A : vector<50x50x1xi32> to vector<50x50xi32>
    %gather3A_98 = tpu.dynamic_gather %slice3A_91[%gather3A] in [1] : vector<50x25xf32>, vector<50x50xi32> -> vector<50x50xf32>
    %add3A_99 = arith.addf %slice3A_90, %gather3A_98 : vector<50x50xf32>
    %mul3A_100 = arith.constant 0.0883883461 : f32
    %mul3A_101 = vector.broadcast %mul3A_100 : f32 to vector<50x50xf32>
    %mul3A_102 = arith.mulf %add3A_99, %mul3A_101 : vector<50x50xf32>
    %slice3A_103 = vector.extract_strided_slice %convert_element_type3A {offsets = [50, 0], sizes = [50, 128], strides = [1, 1]} : vector<400x128xbf16> to vector<50x128xbf16>
    %get3A_104 = arith.constant 1 : index
    %get3A_105 = arith.constant 0 : index
    %get3A_106 = arith.constant 0 : index
    %get3A_107 = vector.load %arg3[%get3A_104, %get3A_105, %get3A_106] : memref<8x50x50xi32, #tpu.memory_space<vmem>>, vector<1x50x50xi32>
    %get3A_108 = vector.shape_cast %get3A_107 : vector<1x50x50xi32> to vector<50x50xi32>
    %get3A_109 = arith.constant 1 : index
    %get3A_110 = arith.constant 0 : index
    %get3A_111 = arith.constant 0 : index
    %get3A_112 = vector.load %arg4[%get3A_109, %get3A_110, %get3A_111] : memref<8x50x1xf32, #tpu.memory_space<vmem>>, vector<1x50x1xf32>
    %get3A_113 = vector.shape_cast %get3A_112 : vector<1x50x1xf32> to vector<50x1xf32>
    %slice3A_114 = vector.extract_strided_slice %get3A_13 {offsets = [50, 0], sizes = [50, 128], strides = [1, 1]} : vector<400x128xf32> to vector<50x128xf32>
    %mul3A_115 = vector.broadcast %get3A_113 : vector<50x1xf32> to vector<50x128xf32>
    %mul3A_116 = arith.mulf %slice3A_114, %mul3A_115 : vector<50x128xf32>
    %convert_element_type3A_117 = arith.truncf %mul3A_116 : vector<50x128xf32> to vector<50x128xbf16>
    %get3A_118 = arith.constant 0 : index
    %get3A_119 = arith.constant 0 : index
    %get3A_120 = vector.load %arg5[%get3A_118, %get3A_119] : memref<4x128xbf16, #tpu.memory_space<vmem>>, vector<1x128xbf16>
    %get3A_121 = vector.shape_cast %get3A_120 : vector<1x128xbf16> to vector<128xbf16>
    %broadcast_in_dim3A_122 = vector.shape_cast %get3A_121 : vector<128xbf16> to vector<1x128xbf16>
    %mul3A_123 = vector.broadcast %broadcast_in_dim3A_122 : vector<1x128xbf16> to vector<50x128xbf16>
    %mul3A_124 = arith.mulf %slice3A_103, %mul3A_123 : vector<50x128xbf16>
    %get3A_125 = arith.constant 1 : index
    %get3A_126 = arith.constant 0 : index
    %get3A_127 = vector.load %arg5[%get3A_125, %get3A_126] : memref<4x128xbf16, #tpu.memory_space<vmem>>, vector<1x128xbf16>
    %get3A_128 = vector.shape_cast %get3A_127 : vector<1x128xbf16> to vector<128xbf16>
    %broadcast_in_dim3A_129 = vector.shape_cast %get3A_128 : vector<128xbf16> to vector<1x128xbf16>
    %mul3A_130 = vector.broadcast %broadcast_in_dim3A_129 : vector<1x128xbf16> to vector<50x128xbf16>
    %mul3A_131 = arith.mulf %slice3A_103, %mul3A_130 : vector<50x128xbf16>
    %get3A_132 = arith.constant 2 : index
    %get3A_133 = arith.constant 0 : index
    %get3A_134 = vector.load %arg5[%get3A_132, %get3A_133] : memref<4x128xbf16, #tpu.memory_space<vmem>>, vector<1x128xbf16>
    %get3A_135 = vector.shape_cast %get3A_134 : vector<1x128xbf16> to vector<128xbf16>
    %broadcast_in_dim3A_136 = vector.shape_cast %get3A_135 : vector<128xbf16> to vector<1x128xbf16>
    %mul3A_137 = vector.broadcast %broadcast_in_dim3A_136 : vector<1x128xbf16> to vector<50x128xbf16>
    %mul3A_138 = arith.mulf %slice3A_103, %mul3A_137 : vector<50x128xbf16>
    %get3A_139 = arith.constant 3 : index
    %get3A_140 = arith.constant 0 : index
    %get3A_141 = vector.load %arg5[%get3A_139, %get3A_140] : memref<4x128xbf16, #tpu.memory_space<vmem>>, vector<1x128xbf16>
    %get3A_142 = vector.shape_cast %get3A_141 : vector<1x128xbf16> to vector<128xbf16>
    %broadcast_in_dim3A_143 = vector.shape_cast %get3A_142 : vector<128xbf16> to vector<1x128xbf16>
    %mul3A_144 = vector.broadcast %broadcast_in_dim3A_143 : vector<1x128xbf16> to vector<50x128xbf16>
    %mul3A_145 = arith.mulf %slice3A_103, %mul3A_144 : vector<50x128xbf16>
    %concatenate3A_146 = tpu.concatenate %mul3A_124, %mul3A_131, %mul3A_138, %mul3A_145, %convert_element_type3A_117 in 0 : vector<50x128xbf16>, vector<50x128xbf16>, vector<50x128xbf16>, vector<50x128xbf16>, vector<50x128xbf16> -> vector<250x128xbf16>
    %concatenate3A_147 = tpu.concatenate %slice3A_103, %convert_element_type3A_117, %convert_element_type3A_14 in 0 : vector<50x128xbf16>, vector<50x128xbf16>, vector<25x128xbf16> -> vector<125x128xbf16>
    %dot_general3A_148 = arith.constant dense<0.000000e+00> : vector<250x125xf32>
    %dot_general3A_149 = tpu.matmul %concatenate3A_146, %concatenate3A_147, %dot_general3A_148 {dimension_numbers = #tpu.dot_dimension_numbers<[1], [1], [0], [0], [0, 0, 1, 0], [], []>, transpose_lhs_hint = false} : vector<250x128xbf16>, vector<125x128xbf16>, vector<250x125xf32> -> vector<250x125xf32>
    %broadcast_in_dim3A_150 = arith.constant -9.000000e+15 : f32
    %broadcast_in_dim3A_151 = vector.broadcast %broadcast_in_dim3A_150 : f32 to vector<50x50xf32>
    %eq3A_152 = arith.constant 1 : i32
    %eq3A_153 = vector.broadcast %eq3A_152 : i32 to vector<50x50xi32>
    %eq3A_154 = arith.cmpi eq, %get3A_108, %eq3A_153 : vector<50x50xi32>
    %slice3A_155 = vector.extract_strided_slice %dot_general3A_149 {offsets = [0, 0], sizes = [50, 50], strides = [1, 1]} : vector<250x125xf32> to vector<50x50xf32>
    %select_n3A_156 = arith.select %eq3A_154, %slice3A_155, %broadcast_in_dim3A_151 : vector<50x50xi1>, vector<50x50xf32>
    %eq3A_157 = arith.constant 2 : i32
    %eq3A_158 = vector.broadcast %eq3A_157 : i32 to vector<50x50xi32>
    %eq3A_159 = arith.cmpi eq, %get3A_108, %eq3A_158 : vector<50x50xi32>
    %slice3A_160 = vector.extract_strided_slice %dot_general3A_149 {offsets = [50, 0], sizes = [50, 50], strides = [1, 1]} : vector<250x125xf32> to vector<50x50xf32>
    %select_n3A_161 = arith.select %eq3A_159, %slice3A_160, %select_n3A_156 : vector<50x50xi1>, vector<50x50xf32>
    %eq3A_162 = arith.constant 3 : i32
    %eq3A_163 = vector.broadcast %eq3A_162 : i32 to vector<50x50xi32>
    %eq3A_164 = arith.cmpi eq, %get3A_108, %eq3A_163 : vector<50x50xi32>
    %slice3A_165 = vector.extract_strided_slice %dot_general3A_149 {offsets = [100, 0], sizes = [50, 50], strides = [1, 1]} : vector<250x125xf32> to vector<50x50xf32>
    %select_n3A_166 = arith.select %eq3A_164, %slice3A_165, %select_n3A_161 : vector<50x50xi1>, vector<50x50xf32>
    %eq3A_167 = arith.constant 4 : i32
    %eq3A_168 = vector.broadcast %eq3A_167 : i32 to vector<50x50xi32>
    %eq3A_169 = arith.cmpi eq, %get3A_108, %eq3A_168 : vector<50x50xi32>
    %slice3A_170 = vector.extract_strided_slice %dot_general3A_149 {offsets = [150, 0], sizes = [50, 50], strides = [1, 1]} : vector<250x125xf32> to vector<50x50xf32>
    %select_n3A_171 = arith.select %eq3A_169, %slice3A_170, %select_n3A_166 : vector<50x50xi1>, vector<50x50xf32>
    %ge3A_172 = arith.constant 0.000000e+00 : f32
    %ge3A_173 = vector.broadcast %ge3A_172 : f32 to vector<50x50xf32>
    %ge3A_174 = arith.cmpf oge, %select_n3A_171, %ge3A_173 : vector<50x50xf32>
    %mul3A_175 = arith.constant 2.000000e-01 : f32
    %mul3A_176 = vector.broadcast %mul3A_175 : f32 to vector<50x50xf32>
    %mul3A_177 = arith.mulf %mul3A_176, %select_n3A_171 : vector<50x50xf32>
    %select_n3A_178 = arith.select %ge3A_174, %select_n3A_171, %mul3A_177 : vector<50x50xi1>, vector<50x50xf32>
    %reduce_sum3A_179 = arith.constant dense<0.000000e+00> : vector<128xf32>
    %reduce_sum3A_180 = vector.multi_reduction <add>, %mul3A_116, %reduce_sum3A_179 [0] : vector<50x128xf32> to vector<128xf32>
    %reduce_sum3A_181 = vector.shape_cast %get3A_113 : vector<50x1xf32> to vector<1x50x1xf32>
    %reduce_sum3A_182 = arith.constant dense<0.000000e+00> : vector<1xf32>
    %reduce_sum3A_183 = vector.multi_reduction <add>, %reduce_sum3A_181, %reduce_sum3A_182 [1, 2] : vector<1x50x1xf32> to vector<1xf32>
    %reduce_sum3A_184 = vector.shape_cast %reduce_sum3A_183 : vector<1xf32> to vector<1x1x1xf32>
    %reduce_sum3A_185 = vector.extract %reduce_sum3A_184[0, 0, 0] : f32 from vector<1x1x1xf32>
    %div3A_186 = vector.broadcast %reduce_sum3A_185 : f32 to vector<128xf32>
    %div3A_187 = arith.divf %reduce_sum3A_180, %div3A_186 : vector<128xf32>
    %slice3A_188 = vector.extract_strided_slice %dot_general3A_149 {offsets = [200, 50], sizes = [50, 50], strides = [1, 1]} : vector<250x125xf32> to vector<50x50xf32>
    %slice3A_189 = vector.extract_strided_slice %dot_general3A_149 {offsets = [200, 100], sizes = [50, 25], strides = [1, 1]} : vector<250x125xf32> to vector<50x25xf32>
    %lt3A_190 = arith.constant 0 : i32
    %lt3A_191 = vector.broadcast %lt3A_190 : i32 to vector<50x50xi32>
    %lt3A_192 = arith.cmpi slt, %add3A_7, %lt3A_191 : vector<50x50xi32>
    %add3A_193 = arith.constant 25 : i32
    %add3A_194 = vector.broadcast %add3A_193 : i32 to vector<50x50xi32>
    %add3A_195 = arith.addi %add3A_7, %add3A_194 : vector<50x50xi32>
    %select_n3A_196 = arith.select %lt3A_192, %add3A_195, %add3A_7 : vector<50x50xi1>, vector<50x50xi32>
    %reshape3A_197 = vector.shape_cast %select_n3A_196 : vector<50x50xi32> to vector<50x50x1xi32>
    %gather3A_198 = vector.shape_cast %reshape3A_197 : vector<50x50x1xi32> to vector<50x50xi32>
    %gather3A_199 = tpu.dynamic_gather %slice3A_189[%gather3A_198] in [1] : vector<50x25xf32>, vector<50x50xi32> -> vector<50x50xf32>
    %add3A_200 = arith.addf %slice3A_188, %gather3A_199 : vector<50x50xf32>
    %mul3A_201 = arith.constant 0.0883883461 : f32
    %mul3A_202 = vector.broadcast %mul3A_201 : f32 to vector<50x50xf32>
    %mul3A_203 = arith.mulf %add3A_200, %mul3A_202 : vector<50x50xf32>
    %slice3A_204 = vector.extract_strided_slice %convert_element_type3A {offsets = [100, 0], sizes = [50, 128], strides = [1, 1]} : vector<400x128xbf16> to vector<50x128xbf16>
    %get3A_205 = arith.constant 2 : index
    %get3A_206 = arith.constant 0 : index
    %get3A_207 = arith.constant 0 : index
    %get3A_208 = vector.load %arg3[%get3A_205, %get3A_206, %get3A_207] : memref<8x50x50xi32, #tpu.memory_space<vmem>>, vector<1x50x50xi32>
    %get3A_209 = vector.shape_cast %get3A_208 : vector<1x50x50xi32> to vector<50x50xi32>
    %get3A_210 = arith.constant 2 : index
    %get3A_211 = arith.constant 0 : index
    %get3A_212 = arith.constant 0 : index
    %get3A_213 = vector.load %arg4[%get3A_210, %get3A_211, %get3A_212] : memref<8x50x1xf32, #tpu.memory_space<vmem>>, vector<1x50x1xf32>
    %get3A_214 = vector.shape_cast %get3A_213 : vector<1x50x1xf32> to vector<50x1xf32>
    %slice3A_215 = vector.extract_strided_slice %get3A_13 {offsets = [100, 0], sizes = [50, 128], strides = [1, 1]} : vector<400x128xf32> to vector<50x128xf32>
    %mul3A_216 = vector.broadcast %get3A_214 : vector<50x1xf32> to vector<50x128xf32>
    %mul3A_217 = arith.mulf %slice3A_215, %mul3A_216 : vector<50x128xf32>
    %convert_element_type3A_218 = arith.truncf %mul3A_217 : vector<50x128xf32> to vector<50x128xbf16>
    %get3A_219 = arith.constant 0 : index
    %get3A_220 = arith.constant 0 : index
    %get3A_221 = vector.load %arg5[%get3A_219, %get3A_220] : memref<4x128xbf16, #tpu.memory_space<vmem>>, vector<1x128xbf16>
    %get3A_222 = vector.shape_cast %get3A_221 : vector<1x128xbf16> to vector<128xbf16>
    %broadcast_in_dim3A_223 = vector.shape_cast %get3A_222 : vector<128xbf16> to vector<1x128xbf16>
    %mul3A_224 = vector.broadcast %broadcast_in_dim3A_223 : vector<1x128xbf16> to vector<50x128xbf16>
    %mul3A_225 = arith.mulf %slice3A_204, %mul3A_224 : vector<50x128xbf16>
    %get3A_226 = arith.constant 1 : index
    %get3A_227 = arith.constant 0 : index
    %get3A_228 = vector.load %arg5[%get3A_226, %get3A_227] : memref<4x128xbf16, #tpu.memory_space<vmem>>, vector<1x128xbf16>
    %get3A_229 = vector.shape_cast %get3A_228 : vector<1x128xbf16> to vector<128xbf16>
    %broadcast_in_dim3A_230 = vector.shape_cast %get3A_229 : vector<128xbf16> to vector<1x128xbf16>
    %mul3A_231 = vector.broadcast %broadcast_in_dim3A_230 : vector<1x128xbf16> to vector<50x128xbf16>
    %mul3A_232 = arith.mulf %slice3A_204, %mul3A_231 : vector<50x128xbf16>
    %get3A_233 = arith.constant 2 : index
    %get3A_234 = arith.constant 0 : index
    %get3A_235 = vector.load %arg5[%get3A_233, %get3A_234] : memref<4x128xbf16, #tpu.memory_space<vmem>>, vector<1x128xbf16>
    %get3A_236 = vector.shape_cast %get3A_235 : vector<1x128xbf16> to vector<128xbf16>
    %broadcast_in_dim3A_237 = vector.shape_cast %get3A_236 : vector<128xbf16> to vector<1x128xbf16>
    %mul3A_238 = vector.broadcast %broadcast_in_dim3A_237 : vector<1x128xbf16> to vector<50x128xbf16>
    %mul3A_239 = arith.mulf %slice3A_204, %mul3A_238 : vector<50x128xbf16>
    %get3A_240 = arith.constant 3 : index
    %get3A_241 = arith.constant 0 : index
    %get3A_242 = vector.load %arg5[%get3A_240, %get3A_241] : memref<4x128xbf16, #tpu.memory_space<vmem>>, vector<1x128xbf16>
    %get3A_243 = vector.shape_cast %get3A_242 : vector<1x128xbf16> to vector<128xbf16>
    %broadcast_in_dim3A_244 = vector.shape_cast %get3A_243 : vector<128xbf16> to vector<1x128xbf16>
    %mul3A_245 = vector.broadcast %broadcast_in_dim3A_244 : vector<1x128xbf16> to vector<50x128xbf16>
    %mul3A_246 = arith.mulf %slice3A_204, %mul3A_245 : vector<50x128xbf16>
    %concatenate3A_247 = tpu.concatenate %mul3A_225, %mul3A_232, %mul3A_239, %mul3A_246, %convert_element_type3A_218 in 0 : vector<50x128xbf16>, vector<50x128xbf16>, vector<50x128xbf16>, vector<50x128xbf16>, vector<50x128xbf16> -> vector<250x128xbf16>
    %concatenate3A_248 = tpu.concatenate %slice3A_204, %convert_element_type3A_218, %convert_element_type3A_14 in 0 : vector<50x128xbf16>, vector<50x128xbf16>, vector<25x128xbf16> -> vector<125x128xbf16>
    %dot_general3A_249 = arith.constant dense<0.000000e+00> : vector<250x125xf32>
    %dot_general3A_250 = tpu.matmul %concatenate3A_247, %concatenate3A_248, %dot_general3A_249 {dimension_numbers = #tpu.dot_dimension_numbers<[1], [1], [0], [0], [0, 0, 1, 0], [], []>, transpose_lhs_hint = false} : vector<250x128xbf16>, vector<125x128xbf16>, vector<250x125xf32> -> vector<250x125xf32>
    %broadcast_in_dim3A_251 = arith.constant -9.000000e+15 : f32
    %broadcast_in_dim3A_252 = vector.broadcast %broadcast_in_dim3A_251 : f32 to vector<50x50xf32>
    %eq3A_253 = arith.constant 1 : i32
    %eq3A_254 = vector.broadcast %eq3A_253 : i32 to vector<50x50xi32>
    %eq3A_255 = arith.cmpi eq, %get3A_209, %eq3A_254 : vector<50x50xi32>
    %slice3A_256 = vector.extract_strided_slice %dot_general3A_250 {offsets = [0, 0], sizes = [50, 50], strides = [1, 1]} : vector<250x125xf32> to vector<50x50xf32>
    %select_n3A_257 = arith.select %eq3A_255, %slice3A_256, %broadcast_in_dim3A_252 : vector<50x50xi1>, vector<50x50xf32>
    %eq3A_258 = arith.constant 2 : i32
    %eq3A_259 = vector.broadcast %eq3A_258 : i32 to vector<50x50xi32>
    %eq3A_260 = arith.cmpi eq, %get3A_209, %eq3A_259 : vector<50x50xi32>
    %slice3A_261 = vector.extract_strided_slice %dot_general3A_250 {offsets = [50, 0], sizes = [50, 50], strides = [1, 1]} : vector<250x125xf32> to vector<50x50xf32>
    %select_n3A_262 = arith.select %eq3A_260, %slice3A_261, %select_n3A_257 : vector<50x50xi1>, vector<50x50xf32>
    %eq3A_263 = arith.constant 3 : i32
    %eq3A_264 = vector.broadcast %eq3A_263 : i32 to vector<50x50xi32>
    %eq3A_265 = arith.cmpi eq, %get3A_209, %eq3A_264 : vector<50x50xi32>
    %slice3A_266 = vector.extract_strided_slice %dot_general3A_250 {offsets = [100, 0], sizes = [50, 50], strides = [1, 1]} : vector<250x125xf32> to vector<50x50xf32>
    %select_n3A_267 = arith.select %eq3A_265, %slice3A_266, %select_n3A_262 : vector<50x50xi1>, vector<50x50xf32>
    %eq3A_268 = arith.constant 4 : i32
    %eq3A_269 = vector.broadcast %eq3A_268 : i32 to vector<50x50xi32>
    %eq3A_270 = arith.cmpi eq, %get3A_209, %eq3A_269 : vector<50x50xi32>
    %slice3A_271 = vector.extract_strided_slice %dot_general3A_250 {offsets = [150, 0], sizes = [50, 50], strides = [1, 1]} : vector<250x125xf32> to vector<50x50xf32>
    %select_n3A_272 = arith.select %eq3A_270, %slice3A_271, %select_n3A_267 : vector<50x50xi1>, vector<50x50xf32>
    %ge3A_273 = arith.constant 0.000000e+00 : f32
    %ge3A_274 = vector.broadcast %ge3A_273 : f32 to vector<50x50xf32>
    %ge3A_275 = arith.cmpf oge, %select_n3A_272, %ge3A_274 : vector<50x50xf32>
    %mul3A_276 = arith.constant 2.000000e-01 : f32
    %mul3A_277 = vector.broadcast %mul3A_276 : f32 to vector<50x50xf32>
    %mul3A_278 = arith.mulf %mul3A_277, %select_n3A_272 : vector<50x50xf32>
    %select_n3A_279 = arith.select %ge3A_275, %select_n3A_272, %mul3A_278 : vector<50x50xi1>, vector<50x50xf32>
    %reduce_sum3A_280 = arith.constant dense<0.000000e+00> : vector<128xf32>
    %reduce_sum3A_281 = vector.multi_reduction <add>, %mul3A_217, %reduce_sum3A_280 [0] : vector<50x128xf32> to vector<128xf32>
    %reduce_sum3A_282 = vector.shape_cast %get3A_214 : vector<50x1xf32> to vector<1x50x1xf32>
    %reduce_sum3A_283 = arith.constant dense<0.000000e+00> : vector<1xf32>
    %reduce_sum3A_284 = vector.multi_reduction <add>, %reduce_sum3A_282, %reduce_sum3A_283 [1, 2] : vector<1x50x1xf32> to vector<1xf32>
    %reduce_sum3A_285 = vector.shape_cast %reduce_sum3A_284 : vector<1xf32> to vector<1x1x1xf32>
    %reduce_sum3A_286 = vector.extract %reduce_sum3A_285[0, 0, 0] : f32 from vector<1x1x1xf32>
    %div3A_287 = vector.broadcast %reduce_sum3A_286 : f32 to vector<128xf32>
    %div3A_288 = arith.divf %reduce_sum3A_281, %div3A_287 : vector<128xf32>
    %slice3A_289 = vector.extract_strided_slice %dot_general3A_250 {offsets = [200, 50], sizes = [50, 50], strides = [1, 1]} : vector<250x125xf32> to vector<50x50xf32>
    %slice3A_290 = vector.extract_strided_slice %dot_general3A_250 {offsets = [200, 100], sizes = [50, 25], strides = [1, 1]} : vector<250x125xf32> to vector<50x25xf32>
    %lt3A_291 = arith.constant 0 : i32
    %lt3A_292 = vector.broadcast %lt3A_291 : i32 to vector<50x50xi32>
    %lt3A_293 = arith.cmpi slt, %add3A_7, %lt3A_292 : vector<50x50xi32>
    %add3A_294 = arith.constant 25 : i32
    %add3A_295 = vector.broadcast %add3A_294 : i32 to vector<50x50xi32>
    %add3A_296 = arith.addi %add3A_7, %add3A_295 : vector<50x50xi32>
    %select_n3A_297 = arith.select %lt3A_293, %add3A_296, %add3A_7 : vector<50x50xi1>, vector<50x50xi32>
    %reshape3A_298 = vector.shape_cast %select_n3A_297 : vector<50x50xi32> to vector<50x50x1xi32>
    %gather3A_299 = vector.shape_cast %reshape3A_298 : vector<50x50x1xi32> to vector<50x50xi32>
    %gather3A_300 = tpu.dynamic_gather %slice3A_290[%gather3A_299] in [1] : vector<50x25xf32>, vector<50x50xi32> -> vector<50x50xf32>
    %add3A_301 = arith.addf %slice3A_289, %gather3A_300 : vector<50x50xf32>
    %mul3A_302 = arith.constant 0.0883883461 : f32
    %mul3A_303 = vector.broadcast %mul3A_302 : f32 to vector<50x50xf32>
    %mul3A_304 = arith.mulf %add3A_301, %mul3A_303 : vector<50x50xf32>
    %slice3A_305 = vector.extract_strided_slice %convert_element_type3A {offsets = [150, 0], sizes = [50, 128], strides = [1, 1]} : vector<400x128xbf16> to vector<50x128xbf16>
    %get3A_306 = arith.constant 3 : index
    %get3A_307 = arith.constant 0 : index
    %get3A_308 = arith.constant 0 : index
    %get3A_309 = vector.load %arg3[%get3A_306, %get3A_307, %get3A_308] : memref<8x50x50xi32, #tpu.memory_space<vmem>>, vector<1x50x50xi32>
    %get3A_310 = vector.shape_cast %get3A_309 : vector<1x50x50xi32> to vector<50x50xi32>
    %get3A_311 = arith.constant 3 : index
    %get3A_312 = arith.constant 0 : index
    %get3A_313 = arith.constant 0 : index
    %get3A_314 = vector.load %arg4[%get3A_311, %get3A_312, %get3A_313] : memref<8x50x1xf32, #tpu.memory_space<vmem>>, vector<1x50x1xf32>
    %get3A_315 = vector.shape_cast %get3A_314 : vector<1x50x1xf32> to vector<50x1xf32>
    %slice3A_316 = vector.extract_strided_slice %get3A_13 {offsets = [150, 0], sizes = [50, 128], strides = [1, 1]} : vector<400x128xf32> to vector<50x128xf32>
    %mul3A_317 = vector.broadcast %get3A_315 : vector<50x1xf32> to vector<50x128xf32>
    %mul3A_318 = arith.mulf %slice3A_316, %mul3A_317 : vector<50x128xf32>
    %convert_element_type3A_319 = arith.truncf %mul3A_318 : vector<50x128xf32> to vector<50x128xbf16>
    %get3A_320 = arith.constant 0 : index
    %get3A_321 = arith.constant 0 : index
    %get3A_322 = vector.load %arg5[%get3A_320, %get3A_321] : memref<4x128xbf16, #tpu.memory_space<vmem>>, vector<1x128xbf16>
    %get3A_323 = vector.shape_cast %get3A_322 : vector<1x128xbf16> to vector<128xbf16>
    %broadcast_in_dim3A_324 = vector.shape_cast %get3A_323 : vector<128xbf16> to vector<1x128xbf16>
    %mul3A_325 = vector.broadcast %broadcast_in_dim3A_324 : vector<1x128xbf16> to vector<50x128xbf16>
    %mul3A_326 = arith.mulf %slice3A_305, %mul3A_325 : vector<50x128xbf16>
    %get3A_327 = arith.constant 1 : index
    %get3A_328 = arith.constant 0 : index
    %get3A_329 = vector.load %arg5[%get3A_327, %get3A_328] : memref<4x128xbf16, #tpu.memory_space<vmem>>, vector<1x128xbf16>
    %get3A_330 = vector.shape_cast %get3A_329 : vector<1x128xbf16> to vector<128xbf16>
    %broadcast_in_dim3A_331 = vector.shape_cast %get3A_330 : vector<128xbf16> to vector<1x128xbf16>
    %mul3A_332 = vector.broadcast %broadcast_in_dim3A_331 : vector<1x128xbf16> to vector<50x128xbf16>
    %mul3A_333 = arith.mulf %slice3A_305, %mul3A_332 : vector<50x128xbf16>
    %get3A_334 = arith.constant 2 : index
    %get3A_335 = arith.constant 0 : index
    %get3A_336 = vector.load %arg5[%get3A_334, %get3A_335] : memref<4x128xbf16, #tpu.memory_space<vmem>>, vector<1x128xbf16>
    %get3A_337 = vector.shape_cast %get3A_336 : vector<1x128xbf16> to vector<128xbf16>
    %broadcast_in_dim3A_338 = vector.shape_cast %get3A_337 : vector<128xbf16> to vector<1x128xbf16>
    %mul3A_339 = vector.broadcast %broadcast_in_dim3A_338 : vector<1x128xbf16> to vector<50x128xbf16>
    %mul3A_340 = arith.mulf %slice3A_305, %mul3A_339 : vector<50x128xbf16>
    %get3A_341 = arith.constant 3 : index
    %get3A_342 = arith.constant 0 : index
    %get3A_343 = vector.load %arg5[%get3A_341, %get3A_342] : memref<4x128xbf16, #tpu.memory_space<vmem>>, vector<1x128xbf16>
    %get3A_344 = vector.shape_cast %get3A_343 : vector<1x128xbf16> to vector<128xbf16>
    %broadcast_in_dim3A_345 = vector.shape_cast %get3A_344 : vector<128xbf16> to vector<1x128xbf16>
    %mul3A_346 = vector.broadcast %broadcast_in_dim3A_345 : vector<1x128xbf16> to vector<50x128xbf16>
    %mul3A_347 = arith.mulf %slice3A_305, %mul3A_346 : vector<50x128xbf16>
    %concatenate3A_348 = tpu.concatenate %mul3A_326, %mul3A_333, %mul3A_340, %mul3A_347, %convert_element_type3A_319 in 0 : vector<50x128xbf16>, vector<50x128xbf16>, vector<50x128xbf16>, vector<50x128xbf16>, vector<50x128xbf16> -> vector<250x128xbf16>
    %concatenate3A_349 = tpu.concatenate %slice3A_305, %convert_element_type3A_319, %convert_element_type3A_14 in 0 : vector<50x128xbf16>, vector<50x128xbf16>, vector<25x128xbf16> -> vector<125x128xbf16>
    %dot_general3A_350 = arith.constant dense<0.000000e+00> : vector<250x125xf32>
    %dot_general3A_351 = tpu.matmul %concatenate3A_348, %concatenate3A_349, %dot_general3A_350 {dimension_numbers = #tpu.dot_dimension_numbers<[1], [1], [0], [0], [0, 0, 1, 0], [], []>, transpose_lhs_hint = false} : vector<250x128xbf16>, vector<125x128xbf16>, vector<250x125xf32> -> vector<250x125xf32>
    %broadcast_in_dim3A_352 = arith.constant -9.000000e+15 : f32
    %broadcast_in_dim3A_353 = vector.broadcast %broadcast_in_dim3A_352 : f32 to vector<50x50xf32>
    %eq3A_354 = arith.constant 1 : i32
    %eq3A_355 = vector.broadcast %eq3A_354 : i32 to vector<50x50xi32>
    %eq3A_356 = arith.cmpi eq, %get3A_310, %eq3A_355 : vector<50x50xi32>
    %slice3A_357 = vector.extract_strided_slice %dot_general3A_351 {offsets = [0, 0], sizes = [50, 50], strides = [1, 1]} : vector<250x125xf32> to vector<50x50xf32>
    %select_n3A_358 = arith.select %eq3A_356, %slice3A_357, %broadcast_in_dim3A_353 : vector<50x50xi1>, vector<50x50xf32>
    %eq3A_359 = arith.constant 2 : i32
    %eq3A_360 = vector.broadcast %eq3A_359 : i32 to vector<50x50xi32>
    %eq3A_361 = arith.cmpi eq, %get3A_310, %eq3A_360 : vector<50x50xi32>
    %slice3A_362 = vector.extract_strided_slice %dot_general3A_351 {offsets = [50, 0], sizes = [50, 50], strides = [1, 1]} : vector<250x125xf32> to vector<50x50xf32>
    %select_n3A_363 = arith.select %eq3A_361, %slice3A_362, %select_n3A_358 : vector<50x50xi1>, vector<50x50xf32>
    %eq3A_364 = arith.constant 3 : i32
    %eq3A_365 = vector.broadcast %eq3A_364 : i32 to vector<50x50xi32>
    %eq3A_366 = arith.cmpi eq, %get3A_310, %eq3A_365 : vector<50x50xi32>
    %slice3A_367 = vector.extract_strided_slice %dot_general3A_351 {offsets = [100, 0], sizes = [50, 50], strides = [1, 1]} : vector<250x125xf32> to vector<50x50xf32>
    %select_n3A_368 = arith.select %eq3A_366, %slice3A_367, %select_n3A_363 : vector<50x50xi1>, vector<50x50xf32>
    %eq3A_369 = arith.constant 4 : i32
    %eq3A_370 = vector.broadcast %eq3A_369 : i32 to vector<50x50xi32>
    %eq3A_371 = arith.cmpi eq, %get3A_310, %eq3A_370 : vector<50x50xi32>
    %slice3A_372 = vector.extract_strided_slice %dot_general3A_351 {offsets = [150, 0], sizes = [50, 50], strides = [1, 1]} : vector<250x125xf32> to vector<50x50xf32>
    %select_n3A_373 = arith.select %eq3A_371, %slice3A_372, %select_n3A_368 : vector<50x50xi1>, vector<50x50xf32>
    %ge3A_374 = arith.constant 0.000000e+00 : f32
    %ge3A_375 = vector.broadcast %ge3A_374 : f32 to vector<50x50xf32>
    %ge3A_376 = arith.cmpf oge, %select_n3A_373, %ge3A_375 : vector<50x50xf32>
    %mul3A_377 = arith.constant 2.000000e-01 : f32
    %mul3A_378 = vector.broadcast %mul3A_377 : f32 to vector<50x50xf32>
    %mul3A_379 = arith.mulf %mul3A_378, %select_n3A_373 : vector<50x50xf32>
    %select_n3A_380 = arith.select %ge3A_376, %select_n3A_373, %mul3A_379 : vector<50x50xi1>, vector<50x50xf32>
    %reduce_sum3A_381 = arith.constant dense<0.000000e+00> : vector<128xf32>
    %reduce_sum3A_382 = vector.multi_reduction <add>, %mul3A_318, %reduce_sum3A_381 [0] : vector<50x128xf32> to vector<128xf32>
    %reduce_sum3A_383 = vector.shape_cast %get3A_315 : vector<50x1xf32> to vector<1x50x1xf32>
    %reduce_sum3A_384 = arith.constant dense<0.000000e+00> : vector<1xf32>
    %reduce_sum3A_385 = vector.multi_reduction <add>, %reduce_sum3A_383, %reduce_sum3A_384 [1, 2] : vector<1x50x1xf32> to vector<1xf32>
    %reduce_sum3A_386 = vector.shape_cast %reduce_sum3A_385 : vector<1xf32> to vector<1x1x1xf32>
    %reduce_sum3A_387 = vector.extract %reduce_sum3A_386[0, 0, 0] : f32 from vector<1x1x1xf32>
    %div3A_388 = vector.broadcast %reduce_sum3A_387 : f32 to vector<128xf32>
    %div3A_389 = arith.divf %reduce_sum3A_382, %div3A_388 : vector<128xf32>
    %slice3A_390 = vector.extract_strided_slice %dot_general3A_351 {offsets = [200, 50], sizes = [50, 50], strides = [1, 1]} : vector<250x125xf32> to vector<50x50xf32>
    %slice3A_391 = vector.extract_strided_slice %dot_general3A_351 {offsets = [200, 100], sizes = [50, 25], strides = [1, 1]} : vector<250x125xf32> to vector<50x25xf32>
    %lt3A_392 = arith.constant 0 : i32
    %lt3A_393 = vector.broadcast %lt3A_392 : i32 to vector<50x50xi32>
    %lt3A_394 = arith.cmpi slt, %add3A_7, %lt3A_393 : vector<50x50xi32>
    %add3A_395 = arith.constant 25 : i32
    %add3A_396 = vector.broadcast %add3A_395 : i32 to vector<50x50xi32>
    %add3A_397 = arith.addi %add3A_7, %add3A_396 : vector<50x50xi32>
    %select_n3A_398 = arith.select %lt3A_394, %add3A_397, %add3A_7 : vector<50x50xi1>, vector<50x50xi32>
    %reshape3A_399 = vector.shape_cast %select_n3A_398 : vector<50x50xi32> to vector<50x50x1xi32>
    %gather3A_400 = vector.shape_cast %reshape3A_399 : vector<50x50x1xi32> to vector<50x50xi32>
    %gather3A_401 = tpu.dynamic_gather %slice3A_391[%gather3A_400] in [1] : vector<50x25xf32>, vector<50x50xi32> -> vector<50x50xf32>
    %add3A_402 = arith.addf %slice3A_390, %gather3A_401 : vector<50x50xf32>
    %mul3A_403 = arith.constant 0.0883883461 : f32
    %mul3A_404 = vector.broadcast %mul3A_403 : f32 to vector<50x50xf32>
    %mul3A_405 = arith.mulf %add3A_402, %mul3A_404 : vector<50x50xf32>
    %slice3A_406 = vector.extract_strided_slice %convert_element_type3A {offsets = [200, 0], sizes = [50, 128], strides = [1, 1]} : vector<400x128xbf16> to vector<50x128xbf16>
    %get3A_407 = arith.constant 4 : index
    %get3A_408 = arith.constant 0 : index
    %get3A_409 = arith.constant 0 : index
    %get3A_410 = vector.load %arg3[%get3A_407, %get3A_408, %get3A_409] : memref<8x50x50xi32, #tpu.memory_space<vmem>>, vector<1x50x50xi32>
    %get3A_411 = vector.shape_cast %get3A_410 : vector<1x50x50xi32> to vector<50x50xi32>
    %get3A_412 = arith.constant 4 : index
    %get3A_413 = arith.constant 0 : index
    %get3A_414 = arith.constant 0 : index
    %get3A_415 = vector.load %arg4[%get3A_412, %get3A_413, %get3A_414] : memref<8x50x1xf32, #tpu.memory_space<vmem>>, vector<1x50x1xf32>
    %get3A_416 = vector.shape_cast %get3A_415 : vector<1x50x1xf32> to vector<50x1xf32>
    %slice3A_417 = vector.extract_strided_slice %get3A_13 {offsets = [200, 0], sizes = [50, 128], strides = [1, 1]} : vector<400x128xf32> to vector<50x128xf32>
    %mul3A_418 = vector.broadcast %get3A_416 : vector<50x1xf32> to vector<50x128xf32>
    %mul3A_419 = arith.mulf %slice3A_417, %mul3A_418 : vector<50x128xf32>
    %convert_element_type3A_420 = arith.truncf %mul3A_419 : vector<50x128xf32> to vector<50x128xbf16>
    %get3A_421 = arith.constant 0 : index
    %get3A_422 = arith.constant 0 : index
    %get3A_423 = vector.load %arg5[%get3A_421, %get3A_422] : memref<4x128xbf16, #tpu.memory_space<vmem>>, vector<1x128xbf16>
    %get3A_424 = vector.shape_cast %get3A_423 : vector<1x128xbf16> to vector<128xbf16>
    %broadcast_in_dim3A_425 = vector.shape_cast %get3A_424 : vector<128xbf16> to vector<1x128xbf16>
    %mul3A_426 = vector.broadcast %broadcast_in_dim3A_425 : vector<1x128xbf16> to vector<50x128xbf16>
    %mul3A_427 = arith.mulf %slice3A_406, %mul3A_426 : vector<50x128xbf16>
    %get3A_428 = arith.constant 1 : index
    %get3A_429 = arith.constant 0 : index
    %get3A_430 = vector.load %arg5[%get3A_428, %get3A_429] : memref<4x128xbf16, #tpu.memory_space<vmem>>, vector<1x128xbf16>
    %get3A_431 = vector.shape_cast %get3A_430 : vector<1x128xbf16> to vector<128xbf16>
    %broadcast_in_dim3A_432 = vector.shape_cast %get3A_431 : vector<128xbf16> to vector<1x128xbf16>
    %mul3A_433 = vector.broadcast %broadcast_in_dim3A_432 : vector<1x128xbf16> to vector<50x128xbf16>
    %mul3A_434 = arith.mulf %slice3A_406, %mul3A_433 : vector<50x128xbf16>
    %get3A_435 = arith.constant 2 : index
    %get3A_436 = arith.constant 0 : index
    %get3A_437 = vector.load %arg5[%get3A_435, %get3A_436] : memref<4x128xbf16, #tpu.memory_space<vmem>>, vector<1x128xbf16>
    %get3A_438 = vector.shape_cast %get3A_437 : vector<1x128xbf16> to vector<128xbf16>
    %broadcast_in_dim3A_439 = vector.shape_cast %get3A_438 : vector<128xbf16> to vector<1x128xbf16>
    %mul3A_440 = vector.broadcast %broadcast_in_dim3A_439 : vector<1x128xbf16> to vector<50x128xbf16>
    %mul3A_441 = arith.mulf %slice3A_406, %mul3A_440 : vector<50x128xbf16>
    %get3A_442 = arith.constant 3 : index
    %get3A_443 = arith.constant 0 : index
    %get3A_444 = vector.load %arg5[%get3A_442, %get3A_443] : memref<4x128xbf16, #tpu.memory_space<vmem>>, vector<1x128xbf16>
    %get3A_445 = vector.shape_cast %get3A_444 : vector<1x128xbf16> to vector<128xbf16>
    %broadcast_in_dim3A_446 = vector.shape_cast %get3A_445 : vector<128xbf16> to vector<1x128xbf16>
    %mul3A_447 = vector.broadcast %broadcast_in_dim3A_446 : vector<1x128xbf16> to vector<50x128xbf16>
    %mul3A_448 = arith.mulf %slice3A_406, %mul3A_447 : vector<50x128xbf16>
    %concatenate3A_449 = tpu.concatenate %mul3A_427, %mul3A_434, %mul3A_441, %mul3A_448, %convert_element_type3A_420 in 0 : vector<50x128xbf16>, vector<50x128xbf16>, vector<50x128xbf16>, vector<50x128xbf16>, vector<50x128xbf16> -> vector<250x128xbf16>
    %concatenate3A_450 = tpu.concatenate %slice3A_406, %convert_element_type3A_420, %convert_element_type3A_14 in 0 : vector<50x128xbf16>, vector<50x128xbf16>, vector<25x128xbf16> -> vector<125x128xbf16>
    %dot_general3A_451 = arith.constant dense<0.000000e+00> : vector<250x125xf32>
    %dot_general3A_452 = tpu.matmul %concatenate3A_449, %concatenate3A_450, %dot_general3A_451 {dimension_numbers = #tpu.dot_dimension_numbers<[1], [1], [0], [0], [0, 0, 1, 0], [], []>, transpose_lhs_hint = false} : vector<250x128xbf16>, vector<125x128xbf16>, vector<250x125xf32> -> vector<250x125xf32>
    %broadcast_in_dim3A_453 = arith.constant -9.000000e+15 : f32
    %broadcast_in_dim3A_454 = vector.broadcast %broadcast_in_dim3A_453 : f32 to vector<50x50xf32>
    %eq3A_455 = arith.constant 1 : i32
    %eq3A_456 = vector.broadcast %eq3A_455 : i32 to vector<50x50xi32>
    %eq3A_457 = arith.cmpi eq, %get3A_411, %eq3A_456 : vector<50x50xi32>
    %slice3A_458 = vector.extract_strided_slice %dot_general3A_452 {offsets = [0, 0], sizes = [50, 50], strides = [1, 1]} : vector<250x125xf32> to vector<50x50xf32>
    %select_n3A_459 = arith.select %eq3A_457, %slice3A_458, %broadcast_in_dim3A_454 : vector<50x50xi1>, vector<50x50xf32>
    %eq3A_460 = arith.constant 2 : i32
    %eq3A_461 = vector.broadcast %eq3A_460 : i32 to vector<50x50xi32>
    %eq3A_462 = arith.cmpi eq, %get3A_411, %eq3A_461 : vector<50x50xi32>
    %slice3A_463 = vector.extract_strided_slice %dot_general3A_452 {offsets = [50, 0], sizes = [50, 50], strides = [1, 1]} : vector<250x125xf32> to vector<50x50xf32>
    %select_n3A_464 = arith.select %eq3A_462, %slice3A_463, %select_n3A_459 : vector<50x50xi1>, vector<50x50xf32>
    %eq3A_465 = arith.constant 3 : i32
    %eq3A_466 = vector.broadcast %eq3A_465 : i32 to vector<50x50xi32>
    %eq3A_467 = arith.cmpi eq, %get3A_411, %eq3A_466 : vector<50x50xi32>
    %slice3A_468 = vector.extract_strided_slice %dot_general3A_452 {offsets = [100, 0], sizes = [50, 50], strides = [1, 1]} : vector<250x125xf32> to vector<50x50xf32>
    %select_n3A_469 = arith.select %eq3A_467, %slice3A_468, %select_n3A_464 : vector<50x50xi1>, vector<50x50xf32>
    %eq3A_470 = arith.constant 4 : i32
    %eq3A_471 = vector.broadcast %eq3A_470 : i32 to vector<50x50xi32>
    %eq3A_472 = arith.cmpi eq, %get3A_411, %eq3A_471 : vector<50x50xi32>
    %slice3A_473 = vector.extract_strided_slice %dot_general3A_452 {offsets = [150, 0], sizes = [50, 50], strides = [1, 1]} : vector<250x125xf32> to vector<50x50xf32>
    %select_n3A_474 = arith.select %eq3A_472, %slice3A_473, %select_n3A_469 : vector<50x50xi1>, vector<50x50xf32>
    %ge3A_475 = arith.constant 0.000000e+00 : f32
    %ge3A_476 = vector.broadcast %ge3A_475 : f32 to vector<50x50xf32>
    %ge3A_477 = arith.cmpf oge, %select_n3A_474, %ge3A_476 : vector<50x50xf32>
    %mul3A_478 = arith.constant 2.000000e-01 : f32
    %mul3A_479 = vector.broadcast %mul3A_478 : f32 to vector<50x50xf32>
    %mul3A_480 = arith.mulf %mul3A_479, %select_n3A_474 : vector<50x50xf32>
    %select_n3A_481 = arith.select %ge3A_477, %select_n3A_474, %mul3A_480 : vector<50x50xi1>, vector<50x50xf32>
    %reduce_sum3A_482 = arith.constant dense<0.000000e+00> : vector<128xf32>
    %reduce_sum3A_483 = vector.multi_reduction <add>, %mul3A_419, %reduce_sum3A_482 [0] : vector<50x128xf32> to vector<128xf32>
    %reduce_sum3A_484 = vector.shape_cast %get3A_416 : vector<50x1xf32> to vector<1x50x1xf32>
    %reduce_sum3A_485 = arith.constant dense<0.000000e+00> : vector<1xf32>
    %reduce_sum3A_486 = vector.multi_reduction <add>, %reduce_sum3A_484, %reduce_sum3A_485 [1, 2] : vector<1x50x1xf32> to vector<1xf32>
    %reduce_sum3A_487 = vector.shape_cast %reduce_sum3A_486 : vector<1xf32> to vector<1x1x1xf32>
    %reduce_sum3A_488 = vector.extract %reduce_sum3A_487[0, 0, 0] : f32 from vector<1x1x1xf32>
    %div3A_489 = vector.broadcast %reduce_sum3A_488 : f32 to vector<128xf32>
    %div3A_490 = arith.divf %reduce_sum3A_483, %div3A_489 : vector<128xf32>
    %slice3A_491 = vector.extract_strided_slice %dot_general3A_452 {offsets = [200, 50], sizes = [50, 50], strides = [1, 1]} : vector<250x125xf32> to vector<50x50xf32>
    %slice3A_492 = vector.extract_strided_slice %dot_general3A_452 {offsets = [200, 100], sizes = [50, 25], strides = [1, 1]} : vector<250x125xf32> to vector<50x25xf32>
    %lt3A_493 = arith.constant 0 : i32
    %lt3A_494 = vector.broadcast %lt3A_493 : i32 to vector<50x50xi32>
    %lt3A_495 = arith.cmpi slt, %add3A_7, %lt3A_494 : vector<50x50xi32>
    %add3A_496 = arith.constant 25 : i32
    %add3A_497 = vector.broadcast %add3A_496 : i32 to vector<50x50xi32>
    %add3A_498 = arith.addi %add3A_7, %add3A_497 : vector<50x50xi32>
    %select_n3A_499 = arith.select %lt3A_495, %add3A_498, %add3A_7 : vector<50x50xi1>, vector<50x50xi32>
    %reshape3A_500 = vector.shape_cast %select_n3A_499 : vector<50x50xi32> to vector<50x50x1xi32>
    %gather3A_501 = vector.shape_cast %reshape3A_500 : vector<50x50x1xi32> to vector<50x50xi32>
    %gather3A_502 = tpu.dynamic_gather %slice3A_492[%gather3A_501] in [1] : vector<50x25xf32>, vector<50x50xi32> -> vector<50x50xf32>
    %add3A_503 = arith.addf %slice3A_491, %gather3A_502 : vector<50x50xf32>
    %mul3A_504 = arith.constant 0.0883883461 : f32
    %mul3A_505 = vector.broadcast %mul3A_504 : f32 to vector<50x50xf32>
    %mul3A_506 = arith.mulf %add3A_503, %mul3A_505 : vector<50x50xf32>
    %slice3A_507 = vector.extract_strided_slice %convert_element_type3A {offsets = [250, 0], sizes = [50, 128], strides = [1, 1]} : vector<400x128xbf16> to vector<50x128xbf16>
    %get3A_508 = arith.constant 5 : index
    %get3A_509 = arith.constant 0 : index
    %get3A_510 = arith.constant 0 : index
    %get3A_511 = vector.load %arg3[%get3A_508, %get3A_509, %get3A_510] : memref<8x50x50xi32, #tpu.memory_space<vmem>>, vector<1x50x50xi32>
    %get3A_512 = vector.shape_cast %get3A_511 : vector<1x50x50xi32> to vector<50x50xi32>
    %get3A_513 = arith.constant 5 : index
    %get3A_514 = arith.constant 0 : index
    %get3A_515 = arith.constant 0 : index
    %get3A_516 = vector.load %arg4[%get3A_513, %get3A_514, %get3A_515] : memref<8x50x1xf32, #tpu.memory_space<vmem>>, vector<1x50x1xf32>
    %get3A_517 = vector.shape_cast %get3A_516 : vector<1x50x1xf32> to vector<50x1xf32>
    %slice3A_518 = vector.extract_strided_slice %get3A_13 {offsets = [250, 0], sizes = [50, 128], strides = [1, 1]} : vector<400x128xf32> to vector<50x128xf32>
    %mul3A_519 = vector.broadcast %get3A_517 : vector<50x1xf32> to vector<50x128xf32>
    %mul3A_520 = arith.mulf %slice3A_518, %mul3A_519 : vector<50x128xf32>
    %convert_element_type3A_521 = arith.truncf %mul3A_520 : vector<50x128xf32> to vector<50x128xbf16>
    %get3A_522 = arith.constant 0 : index
    %get3A_523 = arith.constant 0 : index
    %get3A_524 = vector.load %arg5[%get3A_522, %get3A_523] : memref<4x128xbf16, #tpu.memory_space<vmem>>, vector<1x128xbf16>
    %get3A_525 = vector.shape_cast %get3A_524 : vector<1x128xbf16> to vector<128xbf16>
    %broadcast_in_dim3A_526 = vector.shape_cast %get3A_525 : vector<128xbf16> to vector<1x128xbf16>
    %mul3A_527 = vector.broadcast %broadcast_in_dim3A_526 : vector<1x128xbf16> to vector<50x128xbf16>
    %mul3A_528 = arith.mulf %slice3A_507, %mul3A_527 : vector<50x128xbf16>
    %get3A_529 = arith.constant 1 : index
    %get3A_530 = arith.constant 0 : index
    %get3A_531 = vector.load %arg5[%get3A_529, %get3A_530] : memref<4x128xbf16, #tpu.memory_space<vmem>>, vector<1x128xbf16>
    %get3A_532 = vector.shape_cast %get3A_531 : vector<1x128xbf16> to vector<128xbf16>
    %broadcast_in_dim3A_533 = vector.shape_cast %get3A_532 : vector<128xbf16> to vector<1x128xbf16>
    %mul3A_534 = vector.broadcast %broadcast_in_dim3A_533 : vector<1x128xbf16> to vector<50x128xbf16>
    %mul3A_535 = arith.mulf %slice3A_507, %mul3A_534 : vector<50x128xbf16>
    %get3A_536 = arith.constant 2 : index
    %get3A_537 = arith.constant 0 : index
    %get3A_538 = vector.load %arg5[%get3A_536, %get3A_537] : memref<4x128xbf16, #tpu.memory_space<vmem>>, vector<1x128xbf16>
    %get3A_539 = vector.shape_cast %get3A_538 : vector<1x128xbf16> to vector<128xbf16>
    %broadcast_in_dim3A_540 = vector.shape_cast %get3A_539 : vector<128xbf16> to vector<1x128xbf16>
    %mul3A_541 = vector.broadcast %broadcast_in_dim3A_540 : vector<1x128xbf16> to vector<50x128xbf16>
    %mul3A_542 = arith.mulf %slice3A_507, %mul3A_541 : vector<50x128xbf16>
    %get3A_543 = arith.constant 3 : index
    %get3A_544 = arith.constant 0 : index
    %get3A_545 = vector.load %arg5[%get3A_543, %get3A_544] : memref<4x128xbf16, #tpu.memory_space<vmem>>, vector<1x128xbf16>
    %get3A_546 = vector.shape_cast %get3A_545 : vector<1x128xbf16> to vector<128xbf16>
    %broadcast_in_dim3A_547 = vector.shape_cast %get3A_546 : vector<128xbf16> to vector<1x128xbf16>
    %mul3A_548 = vector.broadcast %broadcast_in_dim3A_547 : vector<1x128xbf16> to vector<50x128xbf16>
    %mul3A_549 = arith.mulf %slice3A_507, %mul3A_548 : vector<50x128xbf16>
    %concatenate3A_550 = tpu.concatenate %mul3A_528, %mul3A_535, %mul3A_542, %mul3A_549, %convert_element_type3A_521 in 0 : vector<50x128xbf16>, vector<50x128xbf16>, vector<50x128xbf16>, vector<50x128xbf16>, vector<50x128xbf16> -> vector<250x128xbf16>
    %concatenate3A_551 = tpu.concatenate %slice3A_507, %convert_element_type3A_521, %convert_element_type3A_14 in 0 : vector<50x128xbf16>, vector<50x128xbf16>, vector<25x128xbf16> -> vector<125x128xbf16>
    %dot_general3A_552 = arith.constant dense<0.000000e+00> : vector<250x125xf32>
    %dot_general3A_553 = tpu.matmul %concatenate3A_550, %concatenate3A_551, %dot_general3A_552 {dimension_numbers = #tpu.dot_dimension_numbers<[1], [1], [0], [0], [0, 0, 1, 0], [], []>, transpose_lhs_hint = false} : vector<250x128xbf16>, vector<125x128xbf16>, vector<250x125xf32> -> vector<250x125xf32>
    %broadcast_in_dim3A_554 = arith.constant -9.000000e+15 : f32
    %broadcast_in_dim3A_555 = vector.broadcast %broadcast_in_dim3A_554 : f32 to vector<50x50xf32>
    %eq3A_556 = arith.constant 1 : i32
    %eq3A_557 = vector.broadcast %eq3A_556 : i32 to vector<50x50xi32>
    %eq3A_558 = arith.cmpi eq, %get3A_512, %eq3A_557 : vector<50x50xi32>
    %slice3A_559 = vector.extract_strided_slice %dot_general3A_553 {offsets = [0, 0], sizes = [50, 50], strides = [1, 1]} : vector<250x125xf32> to vector<50x50xf32>
    %select_n3A_560 = arith.select %eq3A_558, %slice3A_559, %broadcast_in_dim3A_555 : vector<50x50xi1>, vector<50x50xf32>
    %eq3A_561 = arith.constant 2 : i32
    %eq3A_562 = vector.broadcast %eq3A_561 : i32 to vector<50x50xi32>
    %eq3A_563 = arith.cmpi eq, %get3A_512, %eq3A_562 : vector<50x50xi32>
    %slice3A_564 = vector.extract_strided_slice %dot_general3A_553 {offsets = [50, 0], sizes = [50, 50], strides = [1, 1]} : vector<250x125xf32> to vector<50x50xf32>
    %select_n3A_565 = arith.select %eq3A_563, %slice3A_564, %select_n3A_560 : vector<50x50xi1>, vector<50x50xf32>
    %eq3A_566 = arith.constant 3 : i32
    %eq3A_567 = vector.broadcast %eq3A_566 : i32 to vector<50x50xi32>
    %eq3A_568 = arith.cmpi eq, %get3A_512, %eq3A_567 : vector<50x50xi32>
    %slice3A_569 = vector.extract_strided_slice %dot_general3A_553 {offsets = [100, 0], sizes = [50, 50], strides = [1, 1]} : vector<250x125xf32> to vector<50x50xf32>
    %select_n3A_570 = arith.select %eq3A_568, %slice3A_569, %select_n3A_565 : vector<50x50xi1>, vector<50x50xf32>
    %eq3A_571 = arith.constant 4 : i32
    %eq3A_572 = vector.broadcast %eq3A_571 : i32 to vector<50x50xi32>
    %eq3A_573 = arith.cmpi eq, %get3A_512, %eq3A_572 : vector<50x50xi32>
    %slice3A_574 = vector.extract_strided_slice %dot_general3A_553 {offsets = [150, 0], sizes = [50, 50], strides = [1, 1]} : vector<250x125xf32> to vector<50x50xf32>
    %select_n3A_575 = arith.select %eq3A_573, %slice3A_574, %select_n3A_570 : vector<50x50xi1>, vector<50x50xf32>
    %ge3A_576 = arith.constant 0.000000e+00 : f32
    %ge3A_577 = vector.broadcast %ge3A_576 : f32 to vector<50x50xf32>
    %ge3A_578 = arith.cmpf oge, %select_n3A_575, %ge3A_577 : vector<50x50xf32>
    %mul3A_579 = arith.constant 2.000000e-01 : f32
    %mul3A_580 = vector.broadcast %mul3A_579 : f32 to vector<50x50xf32>
    %mul3A_581 = arith.mulf %mul3A_580, %select_n3A_575 : vector<50x50xf32>
    %select_n3A_582 = arith.select %ge3A_578, %select_n3A_575, %mul3A_581 : vector<50x50xi1>, vector<50x50xf32>
    %reduce_sum3A_583 = arith.constant dense<0.000000e+00> : vector<128xf32>
    %reduce_sum3A_584 = vector.multi_reduction <add>, %mul3A_520, %reduce_sum3A_583 [0] : vector<50x128xf32> to vector<128xf32>
    %reduce_sum3A_585 = vector.shape_cast %get3A_517 : vector<50x1xf32> to vector<1x50x1xf32>
    %reduce_sum3A_586 = arith.constant dense<0.000000e+00> : vector<1xf32>
    %reduce_sum3A_587 = vector.multi_reduction <add>, %reduce_sum3A_585, %reduce_sum3A_586 [1, 2] : vector<1x50x1xf32> to vector<1xf32>
    %reduce_sum3A_588 = vector.shape_cast %reduce_sum3A_587 : vector<1xf32> to vector<1x1x1xf32>
    %reduce_sum3A_589 = vector.extract %reduce_sum3A_588[0, 0, 0] : f32 from vector<1x1x1xf32>
    %div3A_590 = vector.broadcast %reduce_sum3A_589 : f32 to vector<128xf32>
    %div3A_591 = arith.divf %reduce_sum3A_584, %div3A_590 : vector<128xf32>
    %slice3A_592 = vector.extract_strided_slice %dot_general3A_553 {offsets = [200, 50], sizes = [50, 50], strides = [1, 1]} : vector<250x125xf32> to vector<50x50xf32>
    %slice3A_593 = vector.extract_strided_slice %dot_general3A_553 {offsets = [200, 100], sizes = [50, 25], strides = [1, 1]} : vector<250x125xf32> to vector<50x25xf32>
    %lt3A_594 = arith.constant 0 : i32
    %lt3A_595 = vector.broadcast %lt3A_594 : i32 to vector<50x50xi32>
    %lt3A_596 = arith.cmpi slt, %add3A_7, %lt3A_595 : vector<50x50xi32>
    %add3A_597 = arith.constant 25 : i32
    %add3A_598 = vector.broadcast %add3A_597 : i32 to vector<50x50xi32>
    %add3A_599 = arith.addi %add3A_7, %add3A_598 : vector<50x50xi32>
    %select_n3A_600 = arith.select %lt3A_596, %add3A_599, %add3A_7 : vector<50x50xi1>, vector<50x50xi32>
    %reshape3A_601 = vector.shape_cast %select_n3A_600 : vector<50x50xi32> to vector<50x50x1xi32>
    %gather3A_602 = vector.shape_cast %reshape3A_601 : vector<50x50x1xi32> to vector<50x50xi32>
    %gather3A_603 = tpu.dynamic_gather %slice3A_593[%gather3A_602] in [1] : vector<50x25xf32>, vector<50x50xi32> -> vector<50x50xf32>
    %add3A_604 = arith.addf %slice3A_592, %gather3A_603 : vector<50x50xf32>
    %mul3A_605 = arith.constant 0.0883883461 : f32
    %mul3A_606 = vector.broadcast %mul3A_605 : f32 to vector<50x50xf32>
    %mul3A_607 = arith.mulf %add3A_604, %mul3A_606 : vector<50x50xf32>
    %slice3A_608 = vector.extract_strided_slice %convert_element_type3A {offsets = [300, 0], sizes = [50, 128], strides = [1, 1]} : vector<400x128xbf16> to vector<50x128xbf16>
    %get3A_609 = arith.constant 6 : index
    %get3A_610 = arith.constant 0 : index
    %get3A_611 = arith.constant 0 : index
    %get3A_612 = vector.load %arg3[%get3A_609, %get3A_610, %get3A_611] : memref<8x50x50xi32, #tpu.memory_space<vmem>>, vector<1x50x50xi32>
    %get3A_613 = vector.shape_cast %get3A_612 : vector<1x50x50xi32> to vector<50x50xi32>
    %get3A_614 = arith.constant 6 : index
    %get3A_615 = arith.constant 0 : index
    %get3A_616 = arith.constant 0 : index
    %get3A_617 = vector.load %arg4[%get3A_614, %get3A_615, %get3A_616] : memref<8x50x1xf32, #tpu.memory_space<vmem>>, vector<1x50x1xf32>
    %get3A_618 = vector.shape_cast %get3A_617 : vector<1x50x1xf32> to vector<50x1xf32>
    %slice3A_619 = vector.extract_strided_slice %get3A_13 {offsets = [300, 0], sizes = [50, 128], strides = [1, 1]} : vector<400x128xf32> to vector<50x128xf32>
    %mul3A_620 = vector.broadcast %get3A_618 : vector<50x1xf32> to vector<50x128xf32>
    %mul3A_621 = arith.mulf %slice3A_619, %mul3A_620 : vector<50x128xf32>
    %convert_element_type3A_622 = arith.truncf %mul3A_621 : vector<50x128xf32> to vector<50x128xbf16>
    %get3A_623 = arith.constant 0 : index
    %get3A_624 = arith.constant 0 : index
    %get3A_625 = vector.load %arg5[%get3A_623, %get3A_624] : memref<4x128xbf16, #tpu.memory_space<vmem>>, vector<1x128xbf16>
    %get3A_626 = vector.shape_cast %get3A_625 : vector<1x128xbf16> to vector<128xbf16>
    %broadcast_in_dim3A_627 = vector.shape_cast %get3A_626 : vector<128xbf16> to vector<1x128xbf16>
    %mul3A_628 = vector.broadcast %broadcast_in_dim3A_627 : vector<1x128xbf16> to vector<50x128xbf16>
    %mul3A_629 = arith.mulf %slice3A_608, %mul3A_628 : vector<50x128xbf16>
    %get3A_630 = arith.constant 1 : index
    %get3A_631 = arith.constant 0 : index
    %get3A_632 = vector.load %arg5[%get3A_630, %get3A_631] : memref<4x128xbf16, #tpu.memory_space<vmem>>, vector<1x128xbf16>
    %get3A_633 = vector.shape_cast %get3A_632 : vector<1x128xbf16> to vector<128xbf16>
    %broadcast_in_dim3A_634 = vector.shape_cast %get3A_633 : vector<128xbf16> to vector<1x128xbf16>
    %mul3A_635 = vector.broadcast %broadcast_in_dim3A_634 : vector<1x128xbf16> to vector<50x128xbf16>
    %mul3A_636 = arith.mulf %slice3A_608, %mul3A_635 : vector<50x128xbf16>
    %get3A_637 = arith.constant 2 : index
    %get3A_638 = arith.constant 0 : index
    %get3A_639 = vector.load %arg5[%get3A_637, %get3A_638] : memref<4x128xbf16, #tpu.memory_space<vmem>>, vector<1x128xbf16>
    %get3A_640 = vector.shape_cast %get3A_639 : vector<1x128xbf16> to vector<128xbf16>
    %broadcast_in_dim3A_641 = vector.shape_cast %get3A_640 : vector<128xbf16> to vector<1x128xbf16>
    %mul3A_642 = vector.broadcast %broadcast_in_dim3A_641 : vector<1x128xbf16> to vector<50x128xbf16>
    %mul3A_643 = arith.mulf %slice3A_608, %mul3A_642 : vector<50x128xbf16>
    %get3A_644 = arith.constant 3 : index
    %get3A_645 = arith.constant 0 : index
    %get3A_646 = vector.load %arg5[%get3A_644, %get3A_645] : memref<4x128xbf16, #tpu.memory_space<vmem>>, vector<1x128xbf16>
    %get3A_647 = vector.shape_cast %get3A_646 : vector<1x128xbf16> to vector<128xbf16>
    %broadcast_in_dim3A_648 = vector.shape_cast %get3A_647 : vector<128xbf16> to vector<1x128xbf16>
    %mul3A_649 = vector.broadcast %broadcast_in_dim3A_648 : vector<1x128xbf16> to vector<50x128xbf16>
    %mul3A_650 = arith.mulf %slice3A_608, %mul3A_649 : vector<50x128xbf16>
    %concatenate3A_651 = tpu.concatenate %mul3A_629, %mul3A_636, %mul3A_643, %mul3A_650, %convert_element_type3A_622 in 0 : vector<50x128xbf16>, vector<50x128xbf16>, vector<50x128xbf16>, vector<50x128xbf16>, vector<50x128xbf16> -> vector<250x128xbf16>
    %concatenate3A_652 = tpu.concatenate %slice3A_608, %convert_element_type3A_622, %convert_element_type3A_14 in 0 : vector<50x128xbf16>, vector<50x128xbf16>, vector<25x128xbf16> -> vector<125x128xbf16>
    %dot_general3A_653 = arith.constant dense<0.000000e+00> : vector<250x125xf32>
    %dot_general3A_654 = tpu.matmul %concatenate3A_651, %concatenate3A_652, %dot_general3A_653 {dimension_numbers = #tpu.dot_dimension_numbers<[1], [1], [0], [0], [0, 0, 1, 0], [], []>, transpose_lhs_hint = false} : vector<250x128xbf16>, vector<125x128xbf16>, vector<250x125xf32> -> vector<250x125xf32>
    %broadcast_in_dim3A_655 = arith.constant -9.000000e+15 : f32
    %broadcast_in_dim3A_656 = vector.broadcast %broadcast_in_dim3A_655 : f32 to vector<50x50xf32>
    %eq3A_657 = arith.constant 1 : i32
    %eq3A_658 = vector.broadcast %eq3A_657 : i32 to vector<50x50xi32>
    %eq3A_659 = arith.cmpi eq, %get3A_613, %eq3A_658 : vector<50x50xi32>
    %slice3A_660 = vector.extract_strided_slice %dot_general3A_654 {offsets = [0, 0], sizes = [50, 50], strides = [1, 1]} : vector<250x125xf32> to vector<50x50xf32>
    %select_n3A_661 = arith.select %eq3A_659, %slice3A_660, %broadcast_in_dim3A_656 : vector<50x50xi1>, vector<50x50xf32>
    %eq3A_662 = arith.constant 2 : i32
    %eq3A_663 = vector.broadcast %eq3A_662 : i32 to vector<50x50xi32>
    %eq3A_664 = arith.cmpi eq, %get3A_613, %eq3A_663 : vector<50x50xi32>
    %slice3A_665 = vector.extract_strided_slice %dot_general3A_654 {offsets = [50, 0], sizes = [50, 50], strides = [1, 1]} : vector<250x125xf32> to vector<50x50xf32>
    %select_n3A_666 = arith.select %eq3A_664, %slice3A_665, %select_n3A_661 : vector<50x50xi1>, vector<50x50xf32>
    %eq3A_667 = arith.constant 3 : i32
    %eq3A_668 = vector.broadcast %eq3A_667 : i32 to vector<50x50xi32>
    %eq3A_669 = arith.cmpi eq, %get3A_613, %eq3A_668 : vector<50x50xi32>
    %slice3A_670 = vector.extract_strided_slice %dot_general3A_654 {offsets = [100, 0], sizes = [50, 50], strides = [1, 1]} : vector<250x125xf32> to vector<50x50xf32>
    %select_n3A_671 = arith.select %eq3A_669, %slice3A_670, %select_n3A_666 : vector<50x50xi1>, vector<50x50xf32>
    %eq3A_672 = arith.constant 4 : i32
    %eq3A_673 = vector.broadcast %eq3A_672 : i32 to vector<50x50xi32>
    %eq3A_674 = arith.cmpi eq, %get3A_613, %eq3A_673 : vector<50x50xi32>
    %slice3A_675 = vector.extract_strided_slice %dot_general3A_654 {offsets = [150, 0], sizes = [50, 50], strides = [1, 1]} : vector<250x125xf32> to vector<50x50xf32>
    %select_n3A_676 = arith.select %eq3A_674, %slice3A_675, %select_n3A_671 : vector<50x50xi1>, vector<50x50xf32>
    %ge3A_677 = arith.constant 0.000000e+00 : f32
    %ge3A_678 = vector.broadcast %ge3A_677 : f32 to vector<50x50xf32>
    %ge3A_679 = arith.cmpf oge, %select_n3A_676, %ge3A_678 : vector<50x50xf32>
    %mul3A_680 = arith.constant 2.000000e-01 : f32
    %mul3A_681 = vector.broadcast %mul3A_680 : f32 to vector<50x50xf32>
    %mul3A_682 = arith.mulf %mul3A_681, %select_n3A_676 : vector<50x50xf32>
    %select_n3A_683 = arith.select %ge3A_679, %select_n3A_676, %mul3A_682 : vector<50x50xi1>, vector<50x50xf32>
    %reduce_sum3A_684 = arith.constant dense<0.000000e+00> : vector<128xf32>
    %reduce_sum3A_685 = vector.multi_reduction <add>, %mul3A_621, %reduce_sum3A_684 [0] : vector<50x128xf32> to vector<128xf32>
    %reduce_sum3A_686 = vector.shape_cast %get3A_618 : vector<50x1xf32> to vector<1x50x1xf32>
    %reduce_sum3A_687 = arith.constant dense<0.000000e+00> : vector<1xf32>
    %reduce_sum3A_688 = vector.multi_reduction <add>, %reduce_sum3A_686, %reduce_sum3A_687 [1, 2] : vector<1x50x1xf32> to vector<1xf32>
    %reduce_sum3A_689 = vector.shape_cast %reduce_sum3A_688 : vector<1xf32> to vector<1x1x1xf32>
    %reduce_sum3A_690 = vector.extract %reduce_sum3A_689[0, 0, 0] : f32 from vector<1x1x1xf32>
    %div3A_691 = vector.broadcast %reduce_sum3A_690 : f32 to vector<128xf32>
    %div3A_692 = arith.divf %reduce_sum3A_685, %div3A_691 : vector<128xf32>
    %slice3A_693 = vector.extract_strided_slice %dot_general3A_654 {offsets = [200, 50], sizes = [50, 50], strides = [1, 1]} : vector<250x125xf32> to vector<50x50xf32>
    %slice3A_694 = vector.extract_strided_slice %dot_general3A_654 {offsets = [200, 100], sizes = [50, 25], strides = [1, 1]} : vector<250x125xf32> to vector<50x25xf32>
    %lt3A_695 = arith.constant 0 : i32
    %lt3A_696 = vector.broadcast %lt3A_695 : i32 to vector<50x50xi32>
    %lt3A_697 = arith.cmpi slt, %add3A_7, %lt3A_696 : vector<50x50xi32>
    %add3A_698 = arith.constant 25 : i32
    %add3A_699 = vector.broadcast %add3A_698 : i32 to vector<50x50xi32>
    %add3A_700 = arith.addi %add3A_7, %add3A_699 : vector<50x50xi32>
    %select_n3A_701 = arith.select %lt3A_697, %add3A_700, %add3A_7 : vector<50x50xi1>, vector<50x50xi32>
    %reshape3A_702 = vector.shape_cast %select_n3A_701 : vector<50x50xi32> to vector<50x50x1xi32>
    %gather3A_703 = vector.shape_cast %reshape3A_702 : vector<50x50x1xi32> to vector<50x50xi32>
    %gather3A_704 = tpu.dynamic_gather %slice3A_694[%gather3A_703] in [1] : vector<50x25xf32>, vector<50x50xi32> -> vector<50x50xf32>
    %add3A_705 = arith.addf %slice3A_693, %gather3A_704 : vector<50x50xf32>
    %mul3A_706 = arith.constant 0.0883883461 : f32
    %mul3A_707 = vector.broadcast %mul3A_706 : f32 to vector<50x50xf32>
    %mul3A_708 = arith.mulf %add3A_705, %mul3A_707 : vector<50x50xf32>
    %slice3A_709 = vector.extract_strided_slice %convert_element_type3A {offsets = [350, 0], sizes = [50, 128], strides = [1, 1]} : vector<400x128xbf16> to vector<50x128xbf16>
    %get3A_710 = arith.constant 7 : index
    %get3A_711 = arith.constant 0 : index
    %get3A_712 = arith.constant 0 : index
    %get3A_713 = vector.load %arg3[%get3A_710, %get3A_711, %get3A_712] : memref<8x50x50xi32, #tpu.memory_space<vmem>>, vector<1x50x50xi32>
    %get3A_714 = vector.shape_cast %get3A_713 : vector<1x50x50xi32> to vector<50x50xi32>
    %get3A_715 = arith.constant 7 : index
    %get3A_716 = arith.constant 0 : index
    %get3A_717 = arith.constant 0 : index
    %get3A_718 = vector.load %arg4[%get3A_715, %get3A_716, %get3A_717] : memref<8x50x1xf32, #tpu.memory_space<vmem>>, vector<1x50x1xf32>
    %get3A_719 = vector.shape_cast %get3A_718 : vector<1x50x1xf32> to vector<50x1xf32>
    %slice3A_720 = vector.extract_strided_slice %get3A_13 {offsets = [350, 0], sizes = [50, 128], strides = [1, 1]} : vector<400x128xf32> to vector<50x128xf32>
    %mul3A_721 = vector.broadcast %get3A_719 : vector<50x1xf32> to vector<50x128xf32>
    %mul3A_722 = arith.mulf %slice3A_720, %mul3A_721 : vector<50x128xf32>
    %convert_element_type3A_723 = arith.truncf %mul3A_722 : vector<50x128xf32> to vector<50x128xbf16>
    %get3A_724 = arith.constant 0 : index
    %get3A_725 = arith.constant 0 : index
    %get3A_726 = vector.load %arg5[%get3A_724, %get3A_725] : memref<4x128xbf16, #tpu.memory_space<vmem>>, vector<1x128xbf16>
    %get3A_727 = vector.shape_cast %get3A_726 : vector<1x128xbf16> to vector<128xbf16>
    %broadcast_in_dim3A_728 = vector.shape_cast %get3A_727 : vector<128xbf16> to vector<1x128xbf16>
    %mul3A_729 = vector.broadcast %broadcast_in_dim3A_728 : vector<1x128xbf16> to vector<50x128xbf16>
    %mul3A_730 = arith.mulf %slice3A_709, %mul3A_729 : vector<50x128xbf16>
    %get3A_731 = arith.constant 1 : index
    %get3A_732 = arith.constant 0 : index
    %get3A_733 = vector.load %arg5[%get3A_731, %get3A_732] : memref<4x128xbf16, #tpu.memory_space<vmem>>, vector<1x128xbf16>
    %get3A_734 = vector.shape_cast %get3A_733 : vector<1x128xbf16> to vector<128xbf16>
    %broadcast_in_dim3A_735 = vector.shape_cast %get3A_734 : vector<128xbf16> to vector<1x128xbf16>
    %mul3A_736 = vector.broadcast %broadcast_in_dim3A_735 : vector<1x128xbf16> to vector<50x128xbf16>
    %mul3A_737 = arith.mulf %slice3A_709, %mul3A_736 : vector<50x128xbf16>
    %get3A_738 = arith.constant 2 : index
    %get3A_739 = arith.constant 0 : index
    %get3A_740 = vector.load %arg5[%get3A_738, %get3A_739] : memref<4x128xbf16, #tpu.memory_space<vmem>>, vector<1x128xbf16>
    %get3A_741 = vector.shape_cast %get3A_740 : vector<1x128xbf16> to vector<128xbf16>
    %broadcast_in_dim3A_742 = vector.shape_cast %get3A_741 : vector<128xbf16> to vector<1x128xbf16>
    %mul3A_743 = vector.broadcast %broadcast_in_dim3A_742 : vector<1x128xbf16> to vector<50x128xbf16>
    %mul3A_744 = arith.mulf %slice3A_709, %mul3A_743 : vector<50x128xbf16>
    %get3A_745 = arith.constant 3 : index
    %get3A_746 = arith.constant 0 : index
    %get3A_747 = vector.load %arg5[%get3A_745, %get3A_746] : memref<4x128xbf16, #tpu.memory_space<vmem>>, vector<1x128xbf16>
    %get3A_748 = vector.shape_cast %get3A_747 : vector<1x128xbf16> to vector<128xbf16>
    %broadcast_in_dim3A_749 = vector.shape_cast %get3A_748 : vector<128xbf16> to vector<1x128xbf16>
    %mul3A_750 = vector.broadcast %broadcast_in_dim3A_749 : vector<1x128xbf16> to vector<50x128xbf16>
    %mul3A_751 = arith.mulf %slice3A_709, %mul3A_750 : vector<50x128xbf16>
    %concatenate3A_752 = tpu.concatenate %mul3A_730, %mul3A_737, %mul3A_744, %mul3A_751, %convert_element_type3A_723 in 0 : vector<50x128xbf16>, vector<50x128xbf16>, vector<50x128xbf16>, vector<50x128xbf16>, vector<50x128xbf16> -> vector<250x128xbf16>
    %concatenate3A_753 = tpu.concatenate %slice3A_709, %convert_element_type3A_723, %convert_element_type3A_14 in 0 : vector<50x128xbf16>, vector<50x128xbf16>, vector<25x128xbf16> -> vector<125x128xbf16>
    %dot_general3A_754 = arith.constant dense<0.000000e+00> : vector<250x125xf32>
    %dot_general3A_755 = tpu.matmul %concatenate3A_752, %concatenate3A_753, %dot_general3A_754 {dimension_numbers = #tpu.dot_dimension_numbers<[1], [1], [0], [0], [0, 0, 1, 0], [], []>, transpose_lhs_hint = false} : vector<250x128xbf16>, vector<125x128xbf16>, vector<250x125xf32> -> vector<250x125xf32>
    %broadcast_in_dim3A_756 = arith.constant -9.000000e+15 : f32
    %broadcast_in_dim3A_757 = vector.broadcast %broadcast_in_dim3A_756 : f32 to vector<50x50xf32>
    %eq3A_758 = arith.constant 1 : i32
    %eq3A_759 = vector.broadcast %eq3A_758 : i32 to vector<50x50xi32>
    %eq3A_760 = arith.cmpi eq, %get3A_714, %eq3A_759 : vector<50x50xi32>
    %slice3A_761 = vector.extract_strided_slice %dot_general3A_755 {offsets = [0, 0], sizes = [50, 50], strides = [1, 1]} : vector<250x125xf32> to vector<50x50xf32>
    %select_n3A_762 = arith.select %eq3A_760, %slice3A_761, %broadcast_in_dim3A_757 : vector<50x50xi1>, vector<50x50xf32>
    %eq3A_763 = arith.constant 2 : i32
    %eq3A_764 = vector.broadcast %eq3A_763 : i32 to vector<50x50xi32>
    %eq3A_765 = arith.cmpi eq, %get3A_714, %eq3A_764 : vector<50x50xi32>
    %slice3A_766 = vector.extract_strided_slice %dot_general3A_755 {offsets = [50, 0], sizes = [50, 50], strides = [1, 1]} : vector<250x125xf32> to vector<50x50xf32>
    %select_n3A_767 = arith.select %eq3A_765, %slice3A_766, %select_n3A_762 : vector<50x50xi1>, vector<50x50xf32>
    %eq3A_768 = arith.constant 3 : i32
    %eq3A_769 = vector.broadcast %eq3A_768 : i32 to vector<50x50xi32>
    %eq3A_770 = arith.cmpi eq, %get3A_714, %eq3A_769 : vector<50x50xi32>
    %slice3A_771 = vector.extract_strided_slice %dot_general3A_755 {offsets = [100, 0], sizes = [50, 50], strides = [1, 1]} : vector<250x125xf32> to vector<50x50xf32>
    %select_n3A_772 = arith.select %eq3A_770, %slice3A_771, %select_n3A_767 : vector<50x50xi1>, vector<50x50xf32>
    %eq3A_773 = arith.constant 4 : i32
    %eq3A_774 = vector.broadcast %eq3A_773 : i32 to vector<50x50xi32>
    %eq3A_775 = arith.cmpi eq, %get3A_714, %eq3A_774 : vector<50x50xi32>
    %slice3A_776 = vector.extract_strided_slice %dot_general3A_755 {offsets = [150, 0], sizes = [50, 50], strides = [1, 1]} : vector<250x125xf32> to vector<50x50xf32>
    %select_n3A_777 = arith.select %eq3A_775, %slice3A_776, %select_n3A_772 : vector<50x50xi1>, vector<50x50xf32>
    %ge3A_778 = arith.constant 0.000000e+00 : f32
    %ge3A_779 = vector.broadcast %ge3A_778 : f32 to vector<50x50xf32>
    %ge3A_780 = arith.cmpf oge, %select_n3A_777, %ge3A_779 : vector<50x50xf32>
    %mul3A_781 = arith.constant 2.000000e-01 : f32
    %mul3A_782 = vector.broadcast %mul3A_781 : f32 to vector<50x50xf32>
    %mul3A_783 = arith.mulf %mul3A_782, %select_n3A_777 : vector<50x50xf32>
    %select_n3A_784 = arith.select %ge3A_780, %select_n3A_777, %mul3A_783 : vector<50x50xi1>, vector<50x50xf32>
    %reduce_sum3A_785 = arith.constant dense<0.000000e+00> : vector<128xf32>
    %reduce_sum3A_786 = vector.multi_reduction <add>, %mul3A_722, %reduce_sum3A_785 [0] : vector<50x128xf32> to vector<128xf32>
    %reduce_sum3A_787 = vector.shape_cast %get3A_719 : vector<50x1xf32> to vector<1x50x1xf32>
    %reduce_sum3A_788 = arith.constant dense<0.000000e+00> : vector<1xf32>
    %reduce_sum3A_789 = vector.multi_reduction <add>, %reduce_sum3A_787, %reduce_sum3A_788 [1, 2] : vector<1x50x1xf32> to vector<1xf32>
    %reduce_sum3A_790 = vector.shape_cast %reduce_sum3A_789 : vector<1xf32> to vector<1x1x1xf32>
    %reduce_sum3A_791 = vector.extract %reduce_sum3A_790[0, 0, 0] : f32 from vector<1x1x1xf32>
    %div3A_792 = vector.broadcast %reduce_sum3A_791 : f32 to vector<128xf32>
    %div3A_793 = arith.divf %reduce_sum3A_786, %div3A_792 : vector<128xf32>
    %slice3A_794 = vector.extract_strided_slice %dot_general3A_755 {offsets = [200, 50], sizes = [50, 50], strides = [1, 1]} : vector<250x125xf32> to vector<50x50xf32>
    %slice3A_795 = vector.extract_strided_slice %dot_general3A_755 {offsets = [200, 100], sizes = [50, 25], strides = [1, 1]} : vector<250x125xf32> to vector<50x25xf32>
    %lt3A_796 = arith.constant 0 : i32
    %lt3A_797 = vector.broadcast %lt3A_796 : i32 to vector<50x50xi32>
    %lt3A_798 = arith.cmpi slt, %add3A_7, %lt3A_797 : vector<50x50xi32>
    %add3A_799 = arith.constant 25 : i32
    %add3A_800 = vector.broadcast %add3A_799 : i32 to vector<50x50xi32>
    %add3A_801 = arith.addi %add3A_7, %add3A_800 : vector<50x50xi32>
    %select_n3A_802 = arith.select %lt3A_798, %add3A_801, %add3A_7 : vector<50x50xi1>, vector<50x50xi32>
    %reshape3A_803 = vector.shape_cast %select_n3A_802 : vector<50x50xi32> to vector<50x50x1xi32>
    %gather3A_804 = vector.shape_cast %reshape3A_803 : vector<50x50x1xi32> to vector<50x50xi32>
    %gather3A_805 = tpu.dynamic_gather %slice3A_795[%gather3A_804] in [1] : vector<50x25xf32>, vector<50x50xi32> -> vector<50x50xf32>
    %add3A_806 = arith.addf %slice3A_794, %gather3A_805 : vector<50x50xf32>
    %mul3A_807 = arith.constant 0.0883883461 : f32
    %mul3A_808 = vector.broadcast %mul3A_807 : f32 to vector<50x50xf32>
    %mul3A_809 = arith.mulf %add3A_806, %mul3A_808 : vector<50x50xf32>
    %concatenate3A_810 = tpu.concatenate %select_n3A_82, %mul3A_102, %select_n3A_178, %mul3A_203, %select_n3A_279, %mul3A_304, %select_n3A_380, %mul3A_405, %select_n3A_481, %mul3A_506, %select_n3A_582, %mul3A_607, %select_n3A_683, %mul3A_708, %select_n3A_784, %mul3A_809 in 0 : vector<50x50xf32>, vector<50x50xf32>, vector<50x50xf32>, vector<50x50xf32>, vector<50x50xf32>, vector<50x50xf32>, vector<50x50xf32>, vector<50x50xf32>, vector<50x50xf32>, vector<50x50xf32>, vector<50x50xf32>, vector<50x50xf32>, vector<50x50xf32>, vector<50x50xf32>, vector<50x50xf32>, vector<50x50xf32> -> vector<800x50xf32>
    %reduce_max3A = arith.constant dense<0xFF800000> : vector<800xf32>
    %reduce_max3A_811 = vector.multi_reduction <maximumf>, %concatenate3A_810, %reduce_max3A [1] : vector<800x50xf32> to vector<800xf32>
    %broadcast_in_dim3A_812 = vector.shape_cast %reduce_max3A_811 : vector<800xf32> to vector<800x1xf32>
    %sub3A_813 = vector.broadcast %broadcast_in_dim3A_812 : vector<800x1xf32> to vector<800x50xf32>
    %sub3A_814 = arith.subf %concatenate3A_810, %sub3A_813 : vector<800x50xf32>
    %exp3A = math.exp %sub3A_814 : vector<800x50xf32>
    %reduce_sum3A_815 = arith.constant dense<0.000000e+00> : vector<800xf32>
    %reduce_sum3A_816 = vector.multi_reduction <add>, %exp3A, %reduce_sum3A_815 [1] : vector<800x50xf32> to vector<800xf32>
    %broadcast_in_dim3A_817 = vector.shape_cast %reduce_sum3A_816 : vector<800xf32> to vector<800x1xf32>
    %div3A_818 = vector.broadcast %broadcast_in_dim3A_817 : vector<800x1xf32> to vector<800x50xf32>
    %div3A_819 = arith.divf %exp3A, %div3A_818 : vector<800x50xf32>
    %convert_element_type3A_820 = arith.truncf %div3A_819 : vector<800x50xf32> to vector<800x50xbf16>
    %slice3A_821 = vector.extract_strided_slice %convert_element_type3A_820 {offsets = [0, 0], sizes = [50, 50], strides = [1, 1]} : vector<800x50xbf16> to vector<50x50xbf16>
    %dot_general3A_822 = arith.constant dense<0.000000e+00> : vector<50x128xf32>
    %dot_general3A_823 = tpu.matmul %slice3A_821, %slice3A, %dot_general3A_822 {dimension_numbers = #tpu.dot_dimension_numbers<[1], [0], [0], [1], [0, 0, 1, 1], [], []>, transpose_lhs_hint = false} : vector<50x50xbf16>, vector<50x128xbf16>, vector<50x128xf32> -> vector<50x128xf32>
    %slice3A_824 = vector.extract_strided_slice %convert_element_type3A_820 {offsets = [50, 0], sizes = [50, 50], strides = [1, 1]} : vector<800x50xbf16> to vector<50x50xbf16>
    %dot_general3A_825 = arith.constant dense<0.000000e+00> : vector<50x128xf32>
    %dot_general3A_826 = tpu.matmul %slice3A_824, %convert_element_type3A_27, %dot_general3A_825 {dimension_numbers = #tpu.dot_dimension_numbers<[1], [0], [0], [1], [0, 0, 1, 1], [], []>, transpose_lhs_hint = false} : vector<50x50xbf16>, vector<50x128xbf16>, vector<50x128xf32> -> vector<50x128xf32>
    %slice3A_827 = vector.extract_strided_slice %convert_element_type3A_820 {offsets = [100, 0], sizes = [50, 50], strides = [1, 1]} : vector<800x50xbf16> to vector<50x50xbf16>
    %dot_general3A_828 = arith.constant dense<0.000000e+00> : vector<50x128xf32>
    %dot_general3A_829 = tpu.matmul %slice3A_827, %slice3A_103, %dot_general3A_828 {dimension_numbers = #tpu.dot_dimension_numbers<[1], [0], [0], [1], [0, 0, 1, 1], [], []>, transpose_lhs_hint = false} : vector<50x50xbf16>, vector<50x128xbf16>, vector<50x128xf32> -> vector<50x128xf32>
    %slice3A_830 = vector.extract_strided_slice %convert_element_type3A_820 {offsets = [150, 0], sizes = [50, 50], strides = [1, 1]} : vector<800x50xbf16> to vector<50x50xbf16>
    %dot_general3A_831 = arith.constant dense<0.000000e+00> : vector<50x128xf32>
    %dot_general3A_832 = tpu.matmul %slice3A_830, %convert_element_type3A_117, %dot_general3A_831 {dimension_numbers = #tpu.dot_dimension_numbers<[1], [0], [0], [1], [0, 0, 1, 1], [], []>, transpose_lhs_hint = false} : vector<50x50xbf16>, vector<50x128xbf16>, vector<50x128xf32> -> vector<50x128xf32>
    %slice3A_833 = vector.extract_strided_slice %convert_element_type3A_820 {offsets = [200, 0], sizes = [50, 50], strides = [1, 1]} : vector<800x50xbf16> to vector<50x50xbf16>
    %dot_general3A_834 = arith.constant dense<0.000000e+00> : vector<50x128xf32>
    %dot_general3A_835 = tpu.matmul %slice3A_833, %slice3A_204, %dot_general3A_834 {dimension_numbers = #tpu.dot_dimension_numbers<[1], [0], [0], [1], [0, 0, 1, 1], [], []>, transpose_lhs_hint = false} : vector<50x50xbf16>, vector<50x128xbf16>, vector<50x128xf32> -> vector<50x128xf32>
    %slice3A_836 = vector.extract_strided_slice %convert_element_type3A_820 {offsets = [250, 0], sizes = [50, 50], strides = [1, 1]} : vector<800x50xbf16> to vector<50x50xbf16>
    %dot_general3A_837 = arith.constant dense<0.000000e+00> : vector<50x128xf32>
    %dot_general3A_838 = tpu.matmul %slice3A_836, %convert_element_type3A_218, %dot_general3A_837 {dimension_numbers = #tpu.dot_dimension_numbers<[1], [0], [0], [1], [0, 0, 1, 1], [], []>, transpose_lhs_hint = false} : vector<50x50xbf16>, vector<50x128xbf16>, vector<50x128xf32> -> vector<50x128xf32>
    %slice3A_839 = vector.extract_strided_slice %convert_element_type3A_820 {offsets = [300, 0], sizes = [50, 50], strides = [1, 1]} : vector<800x50xbf16> to vector<50x50xbf16>
    %dot_general3A_840 = arith.constant dense<0.000000e+00> : vector<50x128xf32>
    %dot_general3A_841 = tpu.matmul %slice3A_839, %slice3A_305, %dot_general3A_840 {dimension_numbers = #tpu.dot_dimension_numbers<[1], [0], [0], [1], [0, 0, 1, 1], [], []>, transpose_lhs_hint = false} : vector<50x50xbf16>, vector<50x128xbf16>, vector<50x128xf32> -> vector<50x128xf32>
    %slice3A_842 = vector.extract_strided_slice %convert_element_type3A_820 {offsets = [350, 0], sizes = [50, 50], strides = [1, 1]} : vector<800x50xbf16> to vector<50x50xbf16>
    %dot_general3A_843 = arith.constant dense<0.000000e+00> : vector<50x128xf32>
    %dot_general3A_844 = tpu.matmul %slice3A_842, %convert_element_type3A_319, %dot_general3A_843 {dimension_numbers = #tpu.dot_dimension_numbers<[1], [0], [0], [1], [0, 0, 1, 1], [], []>, transpose_lhs_hint = false} : vector<50x50xbf16>, vector<50x128xbf16>, vector<50x128xf32> -> vector<50x128xf32>
    %slice3A_845 = vector.extract_strided_slice %convert_element_type3A_820 {offsets = [400, 0], sizes = [50, 50], strides = [1, 1]} : vector<800x50xbf16> to vector<50x50xbf16>
    %dot_general3A_846 = arith.constant dense<0.000000e+00> : vector<50x128xf32>
    %dot_general3A_847 = tpu.matmul %slice3A_845, %slice3A_406, %dot_general3A_846 {dimension_numbers = #tpu.dot_dimension_numbers<[1], [0], [0], [1], [0, 0, 1, 1], [], []>, transpose_lhs_hint = false} : vector<50x50xbf16>, vector<50x128xbf16>, vector<50x128xf32> -> vector<50x128xf32>
    %slice3A_848 = vector.extract_strided_slice %convert_element_type3A_820 {offsets = [450, 0], sizes = [50, 50], strides = [1, 1]} : vector<800x50xbf16> to vector<50x50xbf16>
    %dot_general3A_849 = arith.constant dense<0.000000e+00> : vector<50x128xf32>
    %dot_general3A_850 = tpu.matmul %slice3A_848, %convert_element_type3A_420, %dot_general3A_849 {dimension_numbers = #tpu.dot_dimension_numbers<[1], [0], [0], [1], [0, 0, 1, 1], [], []>, transpose_lhs_hint = false} : vector<50x50xbf16>, vector<50x128xbf16>, vector<50x128xf32> -> vector<50x128xf32>
    %slice3A_851 = vector.extract_strided_slice %convert_element_type3A_820 {offsets = [500, 0], sizes = [50, 50], strides = [1, 1]} : vector<800x50xbf16> to vector<50x50xbf16>
    %dot_general3A_852 = arith.constant dense<0.000000e+00> : vector<50x128xf32>
    %dot_general3A_853 = tpu.matmul %slice3A_851, %slice3A_507, %dot_general3A_852 {dimension_numbers = #tpu.dot_dimension_numbers<[1], [0], [0], [1], [0, 0, 1, 1], [], []>, transpose_lhs_hint = false} : vector<50x50xbf16>, vector<50x128xbf16>, vector<50x128xf32> -> vector<50x128xf32>
    %slice3A_854 = vector.extract_strided_slice %convert_element_type3A_820 {offsets = [550, 0], sizes = [50, 50], strides = [1, 1]} : vector<800x50xbf16> to vector<50x50xbf16>
    %dot_general3A_855 = arith.constant dense<0.000000e+00> : vector<50x128xf32>
    %dot_general3A_856 = tpu.matmul %slice3A_854, %convert_element_type3A_521, %dot_general3A_855 {dimension_numbers = #tpu.dot_dimension_numbers<[1], [0], [0], [1], [0, 0, 1, 1], [], []>, transpose_lhs_hint = false} : vector<50x50xbf16>, vector<50x128xbf16>, vector<50x128xf32> -> vector<50x128xf32>
    %slice3A_857 = vector.extract_strided_slice %convert_element_type3A_820 {offsets = [600, 0], sizes = [50, 50], strides = [1, 1]} : vector<800x50xbf16> to vector<50x50xbf16>
    %dot_general3A_858 = arith.constant dense<0.000000e+00> : vector<50x128xf32>
    %dot_general3A_859 = tpu.matmul %slice3A_857, %slice3A_608, %dot_general3A_858 {dimension_numbers = #tpu.dot_dimension_numbers<[1], [0], [0], [1], [0, 0, 1, 1], [], []>, transpose_lhs_hint = false} : vector<50x50xbf16>, vector<50x128xbf16>, vector<50x128xf32> -> vector<50x128xf32>
    %slice3A_860 = vector.extract_strided_slice %convert_element_type3A_820 {offsets = [650, 0], sizes = [50, 50], strides = [1, 1]} : vector<800x50xbf16> to vector<50x50xbf16>
    %dot_general3A_861 = arith.constant dense<0.000000e+00> : vector<50x128xf32>
    %dot_general3A_862 = tpu.matmul %slice3A_860, %convert_element_type3A_622, %dot_general3A_861 {dimension_numbers = #tpu.dot_dimension_numbers<[1], [0], [0], [1], [0, 0, 1, 1], [], []>, transpose_lhs_hint = false} : vector<50x50xbf16>, vector<50x128xbf16>, vector<50x128xf32> -> vector<50x128xf32>
    %slice3A_863 = vector.extract_strided_slice %convert_element_type3A_820 {offsets = [700, 0], sizes = [50, 50], strides = [1, 1]} : vector<800x50xbf16> to vector<50x50xbf16>
    %dot_general3A_864 = arith.constant dense<0.000000e+00> : vector<50x128xf32>
    %dot_general3A_865 = tpu.matmul %slice3A_863, %slice3A_709, %dot_general3A_864 {dimension_numbers = #tpu.dot_dimension_numbers<[1], [0], [0], [1], [0, 0, 1, 1], [], []>, transpose_lhs_hint = false} : vector<50x50xbf16>, vector<50x128xbf16>, vector<50x128xf32> -> vector<50x128xf32>
    %slice3A_866 = vector.extract_strided_slice %convert_element_type3A_820 {offsets = [750, 0], sizes = [50, 50], strides = [1, 1]} : vector<800x50xbf16> to vector<50x50xbf16>
    %dot_general3A_867 = arith.constant dense<0.000000e+00> : vector<50x128xf32>
    %dot_general3A_868 = tpu.matmul %slice3A_866, %convert_element_type3A_723, %dot_general3A_867 {dimension_numbers = #tpu.dot_dimension_numbers<[1], [0], [0], [1], [0, 0, 1, 1], [], []>, transpose_lhs_hint = false} : vector<50x50xbf16>, vector<50x128xbf16>, vector<50x128xf32> -> vector<50x128xf32>
    %concatenate3A_869 = tpu.concatenate %dot_general3A_823, %dot_general3A_829, %dot_general3A_835, %dot_general3A_841, %dot_general3A_847, %dot_general3A_853, %dot_general3A_859, %dot_general3A_865 in 0 : vector<50x128xf32>, vector<50x128xf32>, vector<50x128xf32>, vector<50x128xf32>, vector<50x128xf32>, vector<50x128xf32>, vector<50x128xf32>, vector<50x128xf32> -> vector<400x128xf32>
    %swap3A = arith.constant 0 : index
    %swap3A_870 = arith.constant 0 : index
    %swap3A_871 = vector.load %arg7[%swap3A, %swap3A_870] : memref<400x128xf32, #tpu.memory_space<vmem>>, vector<400x128xf32>
    tpu.vector_store %arg7[%swap3A, %swap3A_870], %concatenate3A_869 {strides = array<i32>} : memref<400x128xf32, #tpu.memory_space<vmem>>, vector<400x128xf32>,
    %concatenate3A_872 = tpu.concatenate %dot_general3A_826, %dot_general3A_832, %dot_general3A_838, %dot_general3A_844, %dot_general3A_850, %dot_general3A_856, %dot_general3A_862, %dot_general3A_868 in 0 : vector<50x128xf32>, vector<50x128xf32>, vector<50x128xf32>, vector<50x128xf32>, vector<50x128xf32>, vector<50x128xf32>, vector<50x128xf32>, vector<50x128xf32> -> vector<400x128xf32>
    %swap3A_873 = arith.constant 0 : index
    %swap3A_874 = arith.constant 0 : index
    %swap3A_875 = vector.load %arg8[%swap3A_873, %swap3A_874] : memref<400x128xf32, #tpu.memory_space<vmem>>, vector<400x128xf32>
    tpu.vector_store %arg8[%swap3A_873, %swap3A_874], %concatenate3A_872 {strides = array<i32>} : memref<400x128xf32, #tpu.memory_space<vmem>>, vector<400x128xf32>,
    %stack3A = vector.shape_cast %div3A_89 : vector<128xf32> to vector<1x128xf32>
    %stack3A_876 = vector.shape_cast %div3A_187 : vector<128xf32> to vector<1x128xf32>
    %stack3A_877 = vector.shape_cast %div3A_288 : vector<128xf32> to vector<1x128xf32>
    %stack3A_878 = vector.shape_cast %div3A_389 : vector<128xf32> to vector<1x128xf32>
    %stack3A_879 = vector.shape_cast %div3A_490 : vector<128xf32> to vector<1x128xf32>
    %stack3A_880 = vector.shape_cast %div3A_591 : vector<128xf32> to vector<1x128xf32>
    %stack3A_881 = vector.shape_cast %div3A_692 : vector<128xf32> to vector<1x128xf32>
    %stack3A_882 = vector.shape_cast %div3A_793 : vector<128xf32> to vector<1x128xf32>
    %stack3A_883 = tpu.concatenate %stack3A, %stack3A_876, %stack3A_877, %stack3A_878, %stack3A_879, %stack3A_880, %stack3A_881, %stack3A_882 in 0 : vector<1x128xf32>, vector<1x128xf32>, vector<1x128xf32>, vector<1x128xf32>, vector<1x128xf32>, vector<1x128xf32>, vector<1x128xf32>, vector<1x128xf32> -> vector<8x128xf32>
    %swap3A_884 = arith.constant 0 : index
    %swap3A_885 = arith.constant 0 : index
    %swap3A_886 = vector.load %arg9[%swap3A_884, %swap3A_885] : memref<8x128xf32, #tpu.memory_space<vmem>>, vector<8x128xf32>
    tpu.vector_store %arg9[%swap3A_884, %swap3A_885], %stack3A_883 {strides = array<i32>} : memref<8x128xf32, #tpu.memory_space<vmem>>, vector<8x128xf32>,
    return
  }
  func.func @transform_0(%arg0: i32) -> (i32, i32) {
    %c0_i32 = arith.constant 0 : i32
    %c0_i32_0 = arith.constant 0 : i32
    return %arg0, %c0_i32 : i32, i32
  }
  func.func @transform_1(%arg0: i32) -> (i32, i32) {
    %add3A = arith.constant 128 : i32
    %add3A_0 = arith.addi %add3A, %arg0 : i32
    %c0_i32 = arith.constant 0 : i32
    %c0_i32_1 = arith.constant 0 : i32
    return %add3A_0, %c0_i32 : i32, i32
  }
  func.func @transform_2(%arg0: i32) -> (i32, i32, i32) {
    %c0_i32 = arith.constant 0 : i32
    %c0_i32_0 = arith.constant 0 : i32
    %c0_i32_1 = arith.constant 0 : i32
    return %arg0, %c0_i32, %c0_i32_0 : i32, i32, i32
  }
  func.func @transform_3(%arg0: i32) -> (i32, i32, i32) {
    %c0_i32 = arith.constant 0 : i32
    %c0_i32_0 = arith.constant 0 : i32
    %c0_i32_1 = arith.constant 0 : i32
    return %arg0, %c0_i32, %c0_i32_0 : i32, i32, i32
  }
  func.func @transform_4(%arg0: i32) -> (i32, i32) {
    %c0_i32 = arith.constant 0 : i32
    %c0_i32_0 = arith.constant 0 : i32
    %c0_i32_1 = arith.constant 0 : i32
    return %c0_i32, %c0_i32_0 : i32, i32
  }
  func.func @transform_5(%arg0: i32) -> (i32, i32) {
    %c0_i32 = arith.constant 0 : i32
    %c0_i32_0 = arith.constant 0 : i32
    %c0_i32_1 = arith.constant 0 : i32
    return %c0_i32, %c0_i32_0 : i32, i32
  }
  func.func @transform_6(%arg0: i32) -> (i32, i32) {
    %c0_i32 = arith.constant 0 : i32
    %c0_i32_0 = arith.constant 0 : i32
    return %arg0, %c0_i32 : i32, i32
  }
  func.func @transform_7(%arg0: i32) -> (i32, i32) {
    %c0_i32 = arith.constant 0 : i32
    %c0_i32_0 = arith.constant 0 : i32
    return %arg0, %c0_i32 : i32, i32
  }
  func.func @transform_8(%arg0: i32) -> (i32, i32) {
    %c0_i32 = arith.constant 0 : i32
    %c0_i32_0 = arith.constant 0 : i32
    return %arg0, %c0_i32 : i32, i32
  }
}

module attributes {stable_mosaic.version = 14 : i64} {
  func.func @_tc_b_body(%arg0: i32, %arg1: memref<400x128xf32, #tpu.memory_space<vmem>>, %arg2: memref<400x128xf32, #tpu.memory_space<vmem>>, %arg3: memref<8x128xf32, #tpu.memory_space<vmem>>, %arg4: memref<400x128xf32, #tpu.memory_space<vmem>>, %arg5: memref<400x128xf32, #tpu.memory_space<vmem>>, %arg6: memref<400x128xf32, #tpu.memory_space<vmem>>, %arg7: memref<400x128xf32, #tpu.memory_space<vmem>>, %arg8: memref<400x128xf32, #tpu.memory_space<vmem>>, %arg9: memref<400x128xf32, #tpu.memory_space<vmem>>, %arg10: memref<400x128xf32, #tpu.memory_space<vmem>>, %arg11: memref<400x128xf32, #tpu.memory_space<vmem>>, %arg12: memref<400x128xf32, #tpu.memory_space<vmem>>, %arg13: memref<400x128xf32, #tpu.memory_space<vmem>>, %arg14: memref<400x128xf32, #tpu.memory_space<vmem>>, %arg15: memref<400x128xf32, #tpu.memory_space<vmem>>, %arg16: memref<128x128xf32, #tpu.memory_space<vmem>>, %arg17: memref<128x128xf32, #tpu.memory_space<vmem>>, %arg18: memref<128x128xf32, #tpu.memory_space<vmem>>, %arg19: memref<128x128xf32, #tpu.memory_space<vmem>>, %arg20: memref<400x128xf32, #tpu.memory_space<vmem>>) attributes {dimension_semantics = [#tpu.dimension_semantics<arbitrary>], iteration_bounds = array<i64: 128>, scalar_prefetch = 0 : i64, scratch_operands = 0 : i64, tpu.core_type = #tpu.core_type<tc>, window_params = [{transform_indices = @transform_0, window_bounds = array<i64: 400, 128>}, {transform_indices = @transform_1, window_bounds = array<i64: 400, 128>}, {transform_indices = @transform_2, window_bounds = array<i64: 8, 128>}, {transform_indices = @transform_3, window_bounds = array<i64: 400, 128>}, {transform_indices = @transform_4, window_bounds = array<i64: 400, 128>}, {transform_indices = @transform_5, window_bounds = array<i64: 400, 128>}, {transform_indices = @transform_6, window_bounds = array<i64: 400, 128>}, {transform_indices = @transform_7, window_bounds = array<i64: 400, 128>}, {transform_indices = @transform_8, window_bounds = array<i64: 400, 128>}, {transform_indices = @transform_9, window_bounds = array<i64: 400, 128>}, {transform_indices = @transform_10, window_bounds = array<i64: 400, 128>}, {transform_indices = @transform_11, window_bounds = array<i64: 400, 128>}, {transform_indices = @transform_12, window_bounds = array<i64: 400, 128>}, {transform_indices = @transform_13, window_bounds = array<i64: 400, 128>}, {transform_indices = @transform_14, window_bounds = array<i64: 400, 128>}, {pipeline_mode = #tpu.pipeline_mode<synchronous>, transform_indices = @transform_15, window_bounds = array<i64: 128, 128>}, {pipeline_mode = #tpu.pipeline_mode<synchronous>, transform_indices = @transform_16, window_bounds = array<i64: 128, 128>}, {pipeline_mode = #tpu.pipeline_mode<synchronous>, transform_indices = @transform_17, window_bounds = array<i64: 128, 128>}, {pipeline_mode = #tpu.pipeline_mode<synchronous>, transform_indices = @transform_18, window_bounds = array<i64: 128, 128>}, {transform_indices = @transform_19, window_bounds = array<i64: 400, 128>}]} {
    %get3A = arith.constant 0 : index
    %get3A_0 = arith.constant 0 : index
    %get3A_1 = vector.load %arg3[%get3A, %get3A_0] : memref<8x128xf32, #tpu.memory_space<vmem>>, vector<1x128xf32>
    %get3A_2 = vector.shape_cast %get3A_1 : vector<1x128xf32> to vector<128xf32>
    %broadcast_in_dim3A = vector.shape_cast %get3A_2 : vector<128xf32> to vector<1x128xf32>
    %broadcast_in_dim3A_3 = vector.shape_cast %broadcast_in_dim3A : vector<1x128xf32> to vector<1x128xf32>
    %broadcast_in_dim3A_4 = vector.broadcast %broadcast_in_dim3A_3 : vector<1x128xf32> to vector<50x128xf32>
    %get3A_5 = arith.constant 1 : index
    %get3A_6 = arith.constant 0 : index
    %get3A_7 = vector.load %arg3[%get3A_5, %get3A_6] : memref<8x128xf32, #tpu.memory_space<vmem>>, vector<1x128xf32>
    %get3A_8 = vector.shape_cast %get3A_7 : vector<1x128xf32> to vector<128xf32>
    %broadcast_in_dim3A_9 = vector.shape_cast %get3A_8 : vector<128xf32> to vector<1x128xf32>
    %broadcast_in_dim3A_10 = vector.shape_cast %broadcast_in_dim3A_9 : vector<1x128xf32> to vector<1x128xf32>
    %broadcast_in_dim3A_11 = vector.broadcast %broadcast_in_dim3A_10 : vector<1x128xf32> to vector<50x128xf32>
    %get3A_12 = arith.constant 2 : index
    %get3A_13 = arith.constant 0 : index
    %get3A_14 = vector.load %arg3[%get3A_12, %get3A_13] : memref<8x128xf32, #tpu.memory_space<vmem>>, vector<1x128xf32>
    %get3A_15 = vector.shape_cast %get3A_14 : vector<1x128xf32> to vector<128xf32>
    %broadcast_in_dim3A_16 = vector.shape_cast %get3A_15 : vector<128xf32> to vector<1x128xf32>
    %broadcast_in_dim3A_17 = vector.shape_cast %broadcast_in_dim3A_16 : vector<1x128xf32> to vector<1x128xf32>
    %broadcast_in_dim3A_18 = vector.broadcast %broadcast_in_dim3A_17 : vector<1x128xf32> to vector<50x128xf32>
    %get3A_19 = arith.constant 3 : index
    %get3A_20 = arith.constant 0 : index
    %get3A_21 = vector.load %arg3[%get3A_19, %get3A_20] : memref<8x128xf32, #tpu.memory_space<vmem>>, vector<1x128xf32>
    %get3A_22 = vector.shape_cast %get3A_21 : vector<1x128xf32> to vector<128xf32>
    %broadcast_in_dim3A_23 = vector.shape_cast %get3A_22 : vector<128xf32> to vector<1x128xf32>
    %broadcast_in_dim3A_24 = vector.shape_cast %broadcast_in_dim3A_23 : vector<1x128xf32> to vector<1x128xf32>
    %broadcast_in_dim3A_25 = vector.broadcast %broadcast_in_dim3A_24 : vector<1x128xf32> to vector<50x128xf32>
    %get3A_26 = arith.constant 4 : index
    %get3A_27 = arith.constant 0 : index
    %get3A_28 = vector.load %arg3[%get3A_26, %get3A_27] : memref<8x128xf32, #tpu.memory_space<vmem>>, vector<1x128xf32>
    %get3A_29 = vector.shape_cast %get3A_28 : vector<1x128xf32> to vector<128xf32>
    %broadcast_in_dim3A_30 = vector.shape_cast %get3A_29 : vector<128xf32> to vector<1x128xf32>
    %broadcast_in_dim3A_31 = vector.shape_cast %broadcast_in_dim3A_30 : vector<1x128xf32> to vector<1x128xf32>
    %broadcast_in_dim3A_32 = vector.broadcast %broadcast_in_dim3A_31 : vector<1x128xf32> to vector<50x128xf32>
    %get3A_33 = arith.constant 5 : index
    %get3A_34 = arith.constant 0 : index
    %get3A_35 = vector.load %arg3[%get3A_33, %get3A_34] : memref<8x128xf32, #tpu.memory_space<vmem>>, vector<1x128xf32>
    %get3A_36 = vector.shape_cast %get3A_35 : vector<1x128xf32> to vector<128xf32>
    %broadcast_in_dim3A_37 = vector.shape_cast %get3A_36 : vector<128xf32> to vector<1x128xf32>
    %broadcast_in_dim3A_38 = vector.shape_cast %broadcast_in_dim3A_37 : vector<1x128xf32> to vector<1x128xf32>
    %broadcast_in_dim3A_39 = vector.broadcast %broadcast_in_dim3A_38 : vector<1x128xf32> to vector<50x128xf32>
    %get3A_40 = arith.constant 6 : index
    %get3A_41 = arith.constant 0 : index
    %get3A_42 = vector.load %arg3[%get3A_40, %get3A_41] : memref<8x128xf32, #tpu.memory_space<vmem>>, vector<1x128xf32>
    %get3A_43 = vector.shape_cast %get3A_42 : vector<1x128xf32> to vector<128xf32>
    %broadcast_in_dim3A_44 = vector.shape_cast %get3A_43 : vector<128xf32> to vector<1x128xf32>
    %broadcast_in_dim3A_45 = vector.shape_cast %broadcast_in_dim3A_44 : vector<1x128xf32> to vector<1x128xf32>
    %broadcast_in_dim3A_46 = vector.broadcast %broadcast_in_dim3A_45 : vector<1x128xf32> to vector<50x128xf32>
    %get3A_47 = arith.constant 7 : index
    %get3A_48 = arith.constant 0 : index
    %get3A_49 = vector.load %arg3[%get3A_47, %get3A_48] : memref<8x128xf32, #tpu.memory_space<vmem>>, vector<1x128xf32>
    %get3A_50 = vector.shape_cast %get3A_49 : vector<1x128xf32> to vector<128xf32>
    %broadcast_in_dim3A_51 = vector.shape_cast %get3A_50 : vector<128xf32> to vector<1x128xf32>
    %broadcast_in_dim3A_52 = vector.shape_cast %broadcast_in_dim3A_51 : vector<1x128xf32> to vector<1x128xf32>
    %broadcast_in_dim3A_53 = vector.broadcast %broadcast_in_dim3A_52 : vector<1x128xf32> to vector<50x128xf32>
    %concatenate3A = tpu.concatenate %broadcast_in_dim3A_4, %broadcast_in_dim3A_11, %broadcast_in_dim3A_18, %broadcast_in_dim3A_25, %broadcast_in_dim3A_32, %broadcast_in_dim3A_39, %broadcast_in_dim3A_46, %broadcast_in_dim3A_53 in 0 : vector<50x128xf32>, vector<50x128xf32>, vector<50x128xf32>, vector<50x128xf32>, vector<50x128xf32>, vector<50x128xf32>, vector<50x128xf32>, vector<50x128xf32> -> vector<400x128xf32>
    %get3A_54 = arith.constant 0 : index
    %get3A_55 = arith.constant 0 : index
    %get3A_56 = vector.load %arg4[%get3A_54, %get3A_55] : memref<400x128xf32, #tpu.memory_space<vmem>>, vector<400x128xf32>
    %get3A_57 = arith.constant 0 : index
    %get3A_58 = arith.constant 0 : index
    %get3A_59 = vector.load %arg5[%get3A_57, %get3A_58] : memref<400x128xf32, #tpu.memory_space<vmem>>, vector<400x128xf32>
    %get3A_60 = arith.constant 0 : index
    %get3A_61 = arith.constant 0 : index
    %get3A_62 = vector.load %arg6[%get3A_60, %get3A_61] : memref<400x128xf32, #tpu.memory_space<vmem>>, vector<400x128xf32>
    %get3A_63 = arith.constant 0 : index
    %get3A_64 = arith.constant 0 : index
    %get3A_65 = vector.load %arg7[%get3A_63, %get3A_64] : memref<400x128xf32, #tpu.memory_space<vmem>>, vector<400x128xf32>
    %get3A_66 = arith.constant 0 : index
    %get3A_67 = arith.constant 0 : index
    %get3A_68 = vector.load %arg8[%get3A_66, %get3A_67] : memref<400x128xf32, #tpu.memory_space<vmem>>, vector<400x128xf32>
    %get3A_69 = arith.constant 0 : index
    %get3A_70 = arith.constant 0 : index
    %get3A_71 = vector.load %arg9[%get3A_69, %get3A_70] : memref<400x128xf32, #tpu.memory_space<vmem>>, vector<400x128xf32>
    %get3A_72 = arith.constant 0 : index
    %get3A_73 = arith.constant 0 : index
    %get3A_74 = vector.load %arg10[%get3A_72, %get3A_73] : memref<400x128xf32, #tpu.memory_space<vmem>>, vector<400x128xf32>
    %get3A_75 = arith.constant 0 : index
    %get3A_76 = arith.constant 0 : index
    %get3A_77 = vector.load %arg11[%get3A_75, %get3A_76] : memref<400x128xf32, #tpu.memory_space<vmem>>, vector<400x128xf32>
    %get3A_78 = arith.constant 0 : index
    %get3A_79 = arith.constant 0 : index
    %get3A_80 = vector.load %arg12[%get3A_78, %get3A_79] : memref<400x128xf32, #tpu.memory_space<vmem>>, vector<400x128xf32>
    %get3A_81 = arith.constant 0 : index
    %get3A_82 = arith.constant 0 : index
    %get3A_83 = vector.load %arg13[%get3A_81, %get3A_82] : memref<400x128xf32, #tpu.memory_space<vmem>>, vector<400x128xf32>
    %get3A_84 = arith.constant 0 : index
    %get3A_85 = arith.constant 0 : index
    %get3A_86 = vector.load %arg14[%get3A_84, %get3A_85] : memref<400x128xf32, #tpu.memory_space<vmem>>, vector<400x128xf32>
    %get3A_87 = arith.constant 0 : index
    %get3A_88 = arith.constant 0 : index
    %get3A_89 = vector.load %arg15[%get3A_87, %get3A_88] : memref<400x128xf32, #tpu.memory_space<vmem>>, vector<400x128xf32>
    %concatenate3A_90 = tpu.concatenate %get3A_56, %get3A_59, %get3A_62, %get3A_65, %get3A_68, %get3A_71, %get3A_74, %get3A_77, %get3A_80, %get3A_83, %get3A_86, %get3A_89 in 0 : vector<400x128xf32>, vector<400x128xf32>, vector<400x128xf32>, vector<400x128xf32>, vector<400x128xf32>, vector<400x128xf32>, vector<400x128xf32>, vector<400x128xf32>, vector<400x128xf32>, vector<400x128xf32>, vector<400x128xf32>, vector<400x128xf32> -> vector<4800x128xf32>
    %broadcast_in_dim3A_91 = vector.shape_cast %concatenate3A : vector<400x128xf32> to vector<1x400x128xf32>
    %broadcast_in_dim3A_92 = vector.shape_cast %broadcast_in_dim3A_91 : vector<1x400x128xf32> to vector<1x400x128xf32>
    %broadcast_in_dim3A_93 = vector.broadcast %broadcast_in_dim3A_92 : vector<1x400x128xf32> to vector<12x400x128xf32>
    %reshape3A = vector.shape_cast %broadcast_in_dim3A_93 : vector<12x400x128xf32> to vector<4800x128xf32>
    %mul3A = arith.mulf %concatenate3A_90, %reshape3A : vector<4800x128xf32>
    %get3A_94 = arith.constant 0 : index
    %get3A_95 = arith.constant 0 : index
    %get3A_96 = vector.load %arg16[%get3A_94, %get3A_95] : memref<128x128xf32, #tpu.memory_space<vmem>>, vector<128x128xf32>
    %dot_general3A = arith.constant dense<0.000000e+00> : vector<4800x128xf32>
    %dot_general3A_97 = tpu.matmul %mul3A, %get3A_96, %dot_general3A {dimension_numbers = #tpu.dot_dimension_numbers<[1], [0], [0], [1], [0, 0, 1, 1], [], []>, transpose_lhs_hint = false} : vector<4800x128xf32>, vector<128x128xf32>, vector<4800x128xf32> -> vector<4800x128xf32>
    %ge3A = arith.constant 0.000000e+00 : f32
    %ge3A_98 = vector.broadcast %ge3A : f32 to vector<4800x128xf32>
    %ge3A_99 = arith.cmpf oge, %dot_general3A_97, %ge3A_98 : vector<4800x128xf32>
    %mul3A_100 = arith.constant 2.000000e-01 : f32
    %mul3A_101 = vector.broadcast %mul3A_100 : f32 to vector<4800x128xf32>
    %mul3A_102 = arith.mulf %mul3A_101, %dot_general3A_97 : vector<4800x128xf32>
    %select_n3A = arith.select %ge3A_99, %dot_general3A_97, %mul3A_102 : vector<4800x128xi1>, vector<4800x128xf32>
    %get3A_103 = arith.constant 0 : index
    %get3A_104 = arith.constant 0 : index
    %get3A_105 = vector.load %arg17[%get3A_103, %get3A_104] : memref<128x128xf32, #tpu.memory_space<vmem>>, vector<128x128xf32>
    %dot_general3A_106 = arith.constant dense<0.000000e+00> : vector<4800x128xf32>
    %dot_general3A_107 = tpu.matmul %select_n3A, %get3A_105, %dot_general3A_106 {dimension_numbers = #tpu.dot_dimension_numbers<[1], [0], [0], [1], [0, 0, 1, 1], [], []>, transpose_lhs_hint = false} : vector<4800x128xf32>, vector<128x128xf32>, vector<4800x128xf32> -> vector<4800x128xf32>
    %exp3A = math.exp %dot_general3A_107 : vector<4800x128xf32>
    %mul3A_108 = arith.mulf %exp3A, %concatenate3A_90 : vector<4800x128xf32>
    %slice3A = vector.extract_strided_slice %mul3A_108 {offsets = [0, 0], sizes = [400, 128], strides = [1, 1]} : vector<4800x128xf32> to vector<400x128xf32>
    %slice3A_109 = vector.extract_strided_slice %exp3A {offsets = [0, 0], sizes = [400, 128], strides = [1, 1]} : vector<4800x128xf32> to vector<400x128xf32>
    %slice3A_110 = vector.extract_strided_slice %mul3A_108 {offsets = [400, 0], sizes = [400, 128], strides = [1, 1]} : vector<4800x128xf32> to vector<400x128xf32>
    %add3A = arith.addf %slice3A, %slice3A_110 : vector<400x128xf32>
    %slice3A_111 = vector.extract_strided_slice %exp3A {offsets = [400, 0], sizes = [400, 128], strides = [1, 1]} : vector<4800x128xf32> to vector<400x128xf32>
    %add3A_112 = arith.addf %slice3A_109, %slice3A_111 : vector<400x128xf32>
    %slice3A_113 = vector.extract_strided_slice %mul3A_108 {offsets = [800, 0], sizes = [400, 128], strides = [1, 1]} : vector<4800x128xf32> to vector<400x128xf32>
    %add3A_114 = arith.addf %add3A, %slice3A_113 : vector<400x128xf32>
    %slice3A_115 = vector.extract_strided_slice %exp3A {offsets = [800, 0], sizes = [400, 128], strides = [1, 1]} : vector<4800x128xf32> to vector<400x128xf32>
    %add3A_116 = arith.addf %add3A_112, %slice3A_115 : vector<400x128xf32>
    %slice3A_117 = vector.extract_strided_slice %mul3A_108 {offsets = [1200, 0], sizes = [400, 128], strides = [1, 1]} : vector<4800x128xf32> to vector<400x128xf32>
    %add3A_118 = arith.addf %add3A_114, %slice3A_117 : vector<400x128xf32>
    %slice3A_119 = vector.extract_strided_slice %exp3A {offsets = [1200, 0], sizes = [400, 128], strides = [1, 1]} : vector<4800x128xf32> to vector<400x128xf32>
    %add3A_120 = arith.addf %add3A_116, %slice3A_119 : vector<400x128xf32>
    %slice3A_121 = vector.extract_strided_slice %mul3A_108 {offsets = [1600, 0], sizes = [400, 128], strides = [1, 1]} : vector<4800x128xf32> to vector<400x128xf32>
    %add3A_122 = arith.addf %add3A_118, %slice3A_121 : vector<400x128xf32>
    %slice3A_123 = vector.extract_strided_slice %exp3A {offsets = [1600, 0], sizes = [400, 128], strides = [1, 1]} : vector<4800x128xf32> to vector<400x128xf32>
    %add3A_124 = arith.addf %add3A_120, %slice3A_123 : vector<400x128xf32>
    %slice3A_125 = vector.extract_strided_slice %mul3A_108 {offsets = [2000, 0], sizes = [400, 128], strides = [1, 1]} : vector<4800x128xf32> to vector<400x128xf32>
    %add3A_126 = arith.addf %add3A_122, %slice3A_125 : vector<400x128xf32>
    %slice3A_127 = vector.extract_strided_slice %exp3A {offsets = [2000, 0], sizes = [400, 128], strides = [1, 1]} : vector<4800x128xf32> to vector<400x128xf32>
    %add3A_128 = arith.addf %add3A_124, %slice3A_127 : vector<400x128xf32>
    %slice3A_129 = vector.extract_strided_slice %mul3A_108 {offsets = [2400, 0], sizes = [400, 128], strides = [1, 1]} : vector<4800x128xf32> to vector<400x128xf32>
    %add3A_130 = arith.addf %add3A_126, %slice3A_129 : vector<400x128xf32>
    %slice3A_131 = vector.extract_strided_slice %exp3A {offsets = [2400, 0], sizes = [400, 128], strides = [1, 1]} : vector<4800x128xf32> to vector<400x128xf32>
    %add3A_132 = arith.addf %add3A_128, %slice3A_131 : vector<400x128xf32>
    %slice3A_133 = vector.extract_strided_slice %mul3A_108 {offsets = [2800, 0], sizes = [400, 128], strides = [1, 1]} : vector<4800x128xf32> to vector<400x128xf32>
    %add3A_134 = arith.addf %add3A_130, %slice3A_133 : vector<400x128xf32>
    %slice3A_135 = vector.extract_strided_slice %exp3A {offsets = [2800, 0], sizes = [400, 128], strides = [1, 1]} : vector<4800x128xf32> to vector<400x128xf32>
    %add3A_136 = arith.addf %add3A_132, %slice3A_135 : vector<400x128xf32>
    %slice3A_137 = vector.extract_strided_slice %mul3A_108 {offsets = [3200, 0], sizes = [400, 128], strides = [1, 1]} : vector<4800x128xf32> to vector<400x128xf32>
    %add3A_138 = arith.addf %add3A_134, %slice3A_137 : vector<400x128xf32>
    %slice3A_139 = vector.extract_strided_slice %exp3A {offsets = [3200, 0], sizes = [400, 128], strides = [1, 1]} : vector<4800x128xf32> to vector<400x128xf32>
    %add3A_140 = arith.addf %add3A_136, %slice3A_139 : vector<400x128xf32>
    %slice3A_141 = vector.extract_strided_slice %mul3A_108 {offsets = [3600, 0], sizes = [400, 128], strides = [1, 1]} : vector<4800x128xf32> to vector<400x128xf32>
    %add3A_142 = arith.addf %add3A_138, %slice3A_141 : vector<400x128xf32>
    %slice3A_143 = vector.extract_strided_slice %exp3A {offsets = [3600, 0], sizes = [400, 128], strides = [1, 1]} : vector<4800x128xf32> to vector<400x128xf32>
    %add3A_144 = arith.addf %add3A_140, %slice3A_143 : vector<400x128xf32>
    %slice3A_145 = vector.extract_strided_slice %mul3A_108 {offsets = [4000, 0], sizes = [400, 128], strides = [1, 1]} : vector<4800x128xf32> to vector<400x128xf32>
    %add3A_146 = arith.addf %add3A_142, %slice3A_145 : vector<400x128xf32>
    %slice3A_147 = vector.extract_strided_slice %exp3A {offsets = [4000, 0], sizes = [400, 128], strides = [1, 1]} : vector<4800x128xf32> to vector<400x128xf32>
    %add3A_148 = arith.addf %add3A_144, %slice3A_147 : vector<400x128xf32>
    %slice3A_149 = vector.extract_strided_slice %mul3A_108 {offsets = [4400, 0], sizes = [400, 128], strides = [1, 1]} : vector<4800x128xf32> to vector<400x128xf32>
    %add3A_150 = arith.addf %add3A_146, %slice3A_149 : vector<400x128xf32>
    %slice3A_151 = vector.extract_strided_slice %exp3A {offsets = [4400, 0], sizes = [400, 128], strides = [1, 1]} : vector<4800x128xf32> to vector<400x128xf32>
    %add3A_152 = arith.addf %add3A_148, %slice3A_151 : vector<400x128xf32>
    %get3A_153 = arith.constant 0 : index
    %get3A_154 = arith.constant 0 : index
    %get3A_155 = vector.load %arg19[%get3A_153, %get3A_154] : memref<128x128xf32, #tpu.memory_space<vmem>>, vector<128x128xf32>
    %dot_general3A_156 = arith.constant dense<0.000000e+00> : vector<400x128xf32>
    %dot_general3A_157 = tpu.matmul %add3A_150, %get3A_155, %dot_general3A_156 {dimension_numbers = #tpu.dot_dimension_numbers<[1], [0], [0], [1], [0, 0, 1, 1], [], []>, transpose_lhs_hint = false} : vector<400x128xf32>, vector<128x128xf32>, vector<400x128xf32> -> vector<400x128xf32>
    %div3A = arith.divf %dot_general3A_157, %add3A_152 : vector<400x128xf32>
    %get3A_158 = arith.constant 0 : index
    %get3A_159 = arith.constant 0 : index
    %get3A_160 = vector.load %arg1[%get3A_158, %get3A_159] : memref<400x128xf32, #tpu.memory_space<vmem>>, vector<400x128xf32>
    %get3A_161 = arith.constant 0 : index
    %get3A_162 = arith.constant 0 : index
    %get3A_163 = vector.load %arg18[%get3A_161, %get3A_162] : memref<128x128xf32, #tpu.memory_space<vmem>>, vector<128x128xf32>
    %dot_general3A_164 = arith.constant dense<0.000000e+00> : vector<400x128xf32>
    %dot_general3A_165 = tpu.matmul %get3A_160, %get3A_163, %dot_general3A_164 {dimension_numbers = #tpu.dot_dimension_numbers<[1], [0], [0], [1], [0, 0, 1, 1], [], []>, transpose_lhs_hint = false} : vector<400x128xf32>, vector<128x128xf32>, vector<400x128xf32> -> vector<400x128xf32>
    %add3A_166 = arith.addf %dot_general3A_165, %div3A : vector<400x128xf32>
    %max3A = arith.constant 0.000000e+00 : f32
    %max3A_167 = vector.broadcast %max3A : f32 to vector<400x128xf32>
    %max3A_168 = arith.maximumf %add3A_166, %max3A_167 : vector<400x128xf32>
    %get3A_169 = arith.constant 0 : index
    %get3A_170 = arith.constant 0 : index
    %get3A_171 = vector.load %arg2[%get3A_169, %get3A_170] : memref<400x128xf32, #tpu.memory_space<vmem>>, vector<400x128xf32>
    %add3A_172 = arith.addf %get3A_171, %max3A_168 : vector<400x128xf32>
    %swap3A = arith.constant 0 : index
    %swap3A_173 = arith.constant 0 : index
    %swap3A_174 = vector.load %arg20[%swap3A, %swap3A_173] : memref<400x128xf32, #tpu.memory_space<vmem>>, vector<400x128xf32>
    tpu.vector_store %arg20[%swap3A, %swap3A_173], %add3A_172 {strides = array<i32>} : memref<400x128xf32, #tpu.memory_space<vmem>>, vector<400x128xf32>,
    return
  }
  func.func @transform_0(%arg0: i32) -> (i32, i32) {
    %c0_i32 = arith.constant 0 : i32
    %c0_i32_0 = arith.constant 0 : i32
    return %arg0, %c0_i32 : i32, i32
  }
  func.func @transform_1(%arg0: i32) -> (i32, i32) {
    %c0_i32 = arith.constant 0 : i32
    %c0_i32_0 = arith.constant 0 : i32
    return %arg0, %c0_i32 : i32, i32
  }
  func.func @transform_2(%arg0: i32) -> (i32, i32) {
    %c0_i32 = arith.constant 0 : i32
    %c0_i32_0 = arith.constant 0 : i32
    return %arg0, %c0_i32 : i32, i32
  }
  func.func @transform_3(%arg0: i32) -> (i32, i32) {
    %add3A = arith.constant 0 : i32
    %add3A_0 = arith.addi %add3A, %arg0 : i32
    %c0_i32 = arith.constant 0 : i32
    %c0_i32_1 = arith.constant 0 : i32
    return %add3A_0, %c0_i32 : i32, i32
  }
  func.func @transform_4(%arg0: i32) -> (i32, i32) {
    %add3A = arith.constant 128 : i32
    %add3A_0 = arith.addi %add3A, %arg0 : i32
    %c0_i32 = arith.constant 0 : i32
    %c0_i32_1 = arith.constant 0 : i32
    return %add3A_0, %c0_i32 : i32, i32
  }
  func.func @transform_5(%arg0: i32) -> (i32, i32) {
    %add3A = arith.constant 256 : i32
    %add3A_0 = arith.addi %add3A, %arg0 : i32
    %c0_i32 = arith.constant 0 : i32
    %c0_i32_1 = arith.constant 0 : i32
    return %add3A_0, %c0_i32 : i32, i32
  }
  func.func @transform_6(%arg0: i32) -> (i32, i32) {
    %add3A = arith.constant 384 : i32
    %add3A_0 = arith.addi %add3A, %arg0 : i32
    %c0_i32 = arith.constant 0 : i32
    %c0_i32_1 = arith.constant 0 : i32
    return %add3A_0, %c0_i32 : i32, i32
  }
  func.func @transform_7(%arg0: i32) -> (i32, i32) {
    %add3A = arith.constant 512 : i32
    %add3A_0 = arith.addi %add3A, %arg0 : i32
    %c0_i32 = arith.constant 0 : i32
    %c0_i32_1 = arith.constant 0 : i32
    return %add3A_0, %c0_i32 : i32, i32
  }
  func.func @transform_8(%arg0: i32) -> (i32, i32) {
    %add3A = arith.constant 640 : i32
    %add3A_0 = arith.addi %add3A, %arg0 : i32
    %c0_i32 = arith.constant 0 : i32
    %c0_i32_1 = arith.constant 0 : i32
    return %add3A_0, %c0_i32 : i32, i32
  }
  func.func @transform_9(%arg0: i32) -> (i32, i32) {
    %add3A = arith.constant 768 : i32
    %add3A_0 = arith.addi %add3A, %arg0 : i32
    %c0_i32 = arith.constant 0 : i32
    %c0_i32_1 = arith.constant 0 : i32
    return %add3A_0, %c0_i32 : i32, i32
  }
  func.func @transform_10(%arg0: i32) -> (i32, i32) {
    %add3A = arith.constant 896 : i32
    %add3A_0 = arith.addi %add3A, %arg0 : i32
    %c0_i32 = arith.constant 0 : i32
    %c0_i32_1 = arith.constant 0 : i32
    return %add3A_0, %c0_i32 : i32, i32
  }
  func.func @transform_11(%arg0: i32) -> (i32, i32) {
    %add3A = arith.constant 1024 : i32
    %add3A_0 = arith.addi %add3A, %arg0 : i32
    %c0_i32 = arith.constant 0 : i32
    %c0_i32_1 = arith.constant 0 : i32
    return %add3A_0, %c0_i32 : i32, i32
  }
  func.func @transform_12(%arg0: i32) -> (i32, i32) {
    %add3A = arith.constant 1152 : i32
    %add3A_0 = arith.addi %add3A, %arg0 : i32
    %c0_i32 = arith.constant 0 : i32
    %c0_i32_1 = arith.constant 0 : i32
    return %add3A_0, %c0_i32 : i32, i32
  }
  func.func @transform_13(%arg0: i32) -> (i32, i32) {
    %add3A = arith.constant 1280 : i32
    %add3A_0 = arith.addi %add3A, %arg0 : i32
    %c0_i32 = arith.constant 0 : i32
    %c0_i32_1 = arith.constant 0 : i32
    return %add3A_0, %c0_i32 : i32, i32
  }
  func.func @transform_14(%arg0: i32) -> (i32, i32) {
    %add3A = arith.constant 1408 : i32
    %add3A_0 = arith.addi %add3A, %arg0 : i32
    %c0_i32 = arith.constant 0 : i32
    %c0_i32_1 = arith.constant 0 : i32
    return %add3A_0, %c0_i32 : i32, i32
  }
  func.func @transform_15(%arg0: i32) -> (i32, i32) {
    %c0_i32 = arith.constant 0 : i32
    %c0_i32_0 = arith.constant 0 : i32
    %c0_i32_1 = arith.constant 0 : i32
    return %c0_i32, %c0_i32_0 : i32, i32
  }
  func.func @transform_16(%arg0: i32) -> (i32, i32) {
    %c0_i32 = arith.constant 0 : i32
    %c0_i32_0 = arith.constant 0 : i32
    %c0_i32_1 = arith.constant 0 : i32
    return %c0_i32, %c0_i32_0 : i32, i32
  }
  func.func @transform_17(%arg0: i32) -> (i32, i32) {
    %c0_i32 = arith.constant 0 : i32
    %c0_i32_0 = arith.constant 0 : i32
    %c0_i32_1 = arith.constant 0 : i32
    return %c0_i32, %c0_i32_0 : i32, i32
  }
  func.func @transform_18(%arg0: i32) -> (i32, i32) {
    %c0_i32 = arith.constant 0 : i32
    %c0_i32_0 = arith.constant 0 : i32
    %c0_i32_1 = arith.constant 0 : i32
    return %c0_i32, %c0_i32_0 : i32, i32
  }
  func.func @transform_19(%arg0: i32) -> (i32, i32) {
    %c0_i32 = arith.constant 0 : i32
    %c0_i32_0 = arith.constant 0 : i32
    return %arg0, %c0_i32 : i32, i32
  }
}

</mosaic_0001>

<sc_bundles>
// kernel: kernel.6.cloned.1.call-start
scs
__scs_entry_jumppad:
0x0: {  	(pc) =	sbr.rel $0x88, $3  }
0x1: {  	(tag) =	ssettag $0x0;
	lr =	simm.s32 $0x1  }
0x2: {  	[smem:$0x3F93] =	sst lr;
	_ =	strace $0xD0000000  }
0x3: {  	_ = 	snop  }
0x4: {  	_ = 	snop  }
0x5: {  	_ = 	snop  }
0x6: {  	_ = 	snop  }
0x7: {  	_ = 	snop  }
__scs_overlays_trampoline_lowered:
0x8: {  	[smem:$0x3FA2] =	sst s0  }
0x9: {  	[smem:$0x3FA3] =	sst s1  }
0xa: {  	[smem:$0x3FA4] =	sst s2  }
0xb: {  	[smem:$0x3FA5] =	sst s3  }
0xc: {  	[smem:$0x3FA6] =	sst s4  }
0xd: {  	[smem:$0x3FA7] =	sst s5  }
0xe: {  	[smem:$0x3FA8] =	sst s6  }
0xf: {  	[smem:$0x3FA9] =	sst s7  }
0x10: {  	[smem:$0x3FAA] =	sst s8  }
0x11: {  	[smem:$0x3FAB] =	sst s9;
	s0 =	simm.s32 @!p0 $0x0  }
0x12: {  	s1 =	sld [smem:$0x3F91];
	s0 =	simm.s32 @p0 $0x1  }
0x13: {  	[smem:$0x3FAC] =	sst s0;
	s0 =	simm.s32 @!p1 $0x0  }
0x14: {  	s2 =	sld [smem:$0x3F90];
	s0 =	simm.s32 @p1 $0x1  }
0x15: {  	[smem:$0x3FAD] =	sst s0;
	s0 =	simm.s32 @!p2 $0x0  }
0x16: {  	s3 =	sld [smem:$0x3FDB];
	s0 =	simm.s32 @p2 $0x1  }
0x17: {  	s4 =	simm.s32 $0x1BF5;
	[smem:$0x3FAF] =	sst s0  }
0x18: {  	s0 =	sld [smem:$0x3F92];
	_ =	swait.ge [sflag:s4], $0x0  }
0x19: {  	s7 =	sld [smem:$0x3F93]  }
0x1a: {  	s8 =	sadd.s32 $0xFFFFE003, lr  }
0x1b: {  	s9 =	sadd.s32 $0xFFFFFEF7, lr;
	s5 =	simm.s32 $0xFFFFFFFF;
	p2 =	slt.u32 s8, $0xFFFFF086  }
0x1c: {  	p1 =	slt.u32 s9, $0xF7A;
	s5 =	simm.s32 @!p2 $0x0  }
0x1d: {  	s5 =	simm.s32 @p1 $0x1;
	p0 =	seq.s32 s7, s2  }
0x1e: {  	s7 =	smul.u32 @!p0 $0xF7A, s2;
	p2 =	seq.s32 @!p0 s5, $0x0  }
0x1f: {  	s9 =	smul.u32 $0xF7A, s1;
	s8 =	simm.s32 @!p0 $0x1BF5;
	p2 =	por !p2, p0  }
0x20: {  	[sflag:s8] =	ssyncset.s32 @!p0 $0xFFFFF086;
	s6 =	sadd.s32 @!p0 s3, s7;
	s7 =	simm.s32 @!p0 $0x108  }
0x21: {  	s3 =	sadd.s32 s3, s9;
	s6 =	sadd.s32 @!p0 $0x88, s6;
	s7 =	simm.s32 @p2 $0x1082  }
0x22: {  	[simem:s7], [sflag:s8] =	dma.local @!p0 [hbm:s6], $0xF7A  }
0x23: {  	s9 =	sor.u32 $0xD0000000, s2;
	s6 =	simm.s32 $0x108;
	_ =	swait.ge @!p0 [sflag:s8], $0x0  }
0x24: {  	s3 =	sadd.s32 $0x88, s3;
	s6 =	simm.s32 @!p1 $0x1082;
	[sflag:s4] =	ssyncset.s32 $0xFFFFF086  }
0x25: {  	[simem:s6], [sflag:s4] =	dma.local [hbm:s3], $0xF7A  }
0x26: {  	[smem:$0x3F93] =	sst s1;
	(tag) =	ssettag s2;
	_ =	strace s9  }
0x27: {  	s1 =	sld [smem:$0x3FA3]  }
0x28: {  	s2 =	sld [smem:$0x3FA4]  }
0x29: {  	s4 =	sld [smem:$0x3FA6]  }
0x2a: {  	p0 =	seq.s32 s5, $0x0;
	s5 =	sld [smem:$0x3FA7]  }
0x2b: {  	s6 =	sld [smem:$0x3FA8]  }
0x2c: {  	s7 =	sld [smem:$0x3FA9]  }
0x2d: {  	s3 =	simm.s32 $0x108;
	s8 =	sld [smem:$0x3FAA]  }
0x2e: {  	s3 =	simm.s32 @!p0 $0x1082;
	s9 =	sld [smem:$0x3FAB]  }
0x2f: {  	lr =	sadd.s32 s0, s3;
	s0 =	sld [smem:$0x3FA2]  }
0x30: {  	s3 =	sld [smem:$0x3FA5]  }
0x31: {  	[smem:$0x3FAE] =	sst s10  }
0x32: {  	s10 =	sld [smem:$0x3FAC];
	_ =	sdelay $0x3  }
0x33: {  	p0 =	seq.s32 s10, $0x1;
	s10 =	sld [smem:$0x3FAE];
	_ =	sdelay $0x3  }
0x34: {  	[smem:$0x3FAE] =	sst s10  }
0x35: {  	s10 =	sld [smem:$0x3FAD];
	_ =	sdelay $0x3  }
0x36: {  	p1 =	seq.s32 s10, $0x1;
	s10 =	sld [smem:$0x3FAE];
	_ =	sdelay $0x3  }
0x37: {  	[smem:$0x3FAE] =	sst s10  }
0x38: {  	s10 =	sld [smem:$0x3FAF]  }
0x39: {  	_ = 	snop;
	(pc) =	sbr.ind lr, $3  }
0x3a: {  	_ = 	snop  }
0x3b: {  	_ = 	snop  }
0x3c: {  	p2 =	seq.s32 s10, $0x1;
	s10 =	sld [smem:$0x3FAE]  }
0x3d: {  	_ =	shalt  }
0x3e: {  	_ =	shalt  }
0x3f: {  	_ =	shalt  }
0x40: {  	_ =	shalt  }
0x41: {  	_ =	shalt  }
0x42: {  	_ =	shalt  }
0x43: {  	_ =	shalt  }
0x44: {  	_ =	shalt  }
0x45: {  	_ =	shalt  }
0x46: {  	_ =	shalt  }
0x47: {  	_ =	shalt  }
0x48: {  	_ =	shalt  }
0x49: {  	_ =	shalt  }
0x4a: {  	_ =	shalt  }
0x4b: {  	_ =	shalt  }
0x4c: {  	_ =	shalt  }
0x4d: {  	_ =	shalt  }
0x4e: {  	_ =	shalt  }
0x4f: {  	_ =	shalt  }
0x50: {  	_ =	shalt  }
0x51: {  	_ =	shalt  }
0x52: {  	_ =	shalt  }
0x53: {  	_ =	shalt  }
0x54: {  	_ =	shalt  }
0x55: {  	_ =	shalt  }
0x56: {  	_ =	shalt  }
0x57: {  	_ =	shalt  }
0x58: {  	_ =	shalt  }
0x59: {  	_ =	shalt  }
0x5a: {  	_ =	shalt  }
0x5b: {  	_ =	shalt  }
0x5c: {  	_ =	shalt  }
0x5d: {  	_ =	shalt  }
0x5e: {  	_ =	shalt  }
0x5f: {  	_ =	shalt  }
0x60: {  	_ =	shalt  }
0x61: {  	_ =	shalt  }
0x62: {  	_ =	shalt  }
0x63: {  	_ =	shalt  }
0x64: {  	_ =	shalt  }
0x65: {  	_ =	shalt  }
0x66: {  	_ =	shalt  }
0x67: {  	_ =	shalt  }
0x68: {  	_ =	shalt  }
0x69: {  	_ =	shalt  }
0x6a: {  	_ =	shalt  }
0x6b: {  	_ =	shalt  }
0x6c: {  	_ =	shalt  }
0x6d: {  	_ =	shalt  }
0x6e: {  	_ =	shalt  }
0x6f: {  	_ =	shalt  }
0x70: {  	_ =	shalt  }
0x71: {  	_ =	shalt  }
0x72: {  	_ =	shalt  }
0x73: {  	_ =	shalt  }
0x74: {  	_ =	shalt  }
0x75: {  	_ =	shalt  }
0x76: {  	_ =	shalt  }
0x77: {  	_ =	shalt  }
0x78: {  	_ =	shalt  }
0x79: {  	_ =	shalt  }
0x7a: {  	_ =	shalt  }
0x7b: {  	_ =	shalt  }
0x7c: {  	_ =	shalt  }
0x7d: {  	_ =	shalt  }
0x7e: {  	_ =	shalt  }
0x7f: {  	_ =	shalt  }
0x80: {  	_ =	shalt  }
0x81: {  	_ =	shalt  }
0x82: {  	_ =	shalt  }
0x83: {  	_ =	shalt  }
0x84: {  	_ =	shalt  }
0x85: {  	_ =	shalt  }
0x86: {  	_ =	shalt  }
0x87: {  	_ =	shalt  }
.Lfunc_end0:
.L_simem_size_0:
called_computation_lowered:
.L_overlay_start_0:
0x88: {  	s2 =	sld [smem:$0x3FD9]  }
0x89: {  	s3 =	sld [smem:$0x3FFE];
	_ =	sdelay $0x1  }
0x8a: {  	s1 =	srdreg.scid  }
0x8b: {  	s0 =	sand.u32 $0x1, s1  }
0x8c: {  	s14 =	sshll.u32 s0, $0xA;
	s2 =	sadd.s32 s3, s2  }
0x8d: {  	s2 =	sadd.s32 s2, s14  }
0x8e: {  	[smem:$0x3FBA] =	sst s2  }
0x8f: {  	_ = 	snop  }
0x90: {  	s2 =	sld [smem:$0x3FD0];
	_ =	sdelay $0x2  }
0x91: {  	s4 =	simm.s32 $0xB;
	s5 =	simm.s32 $0x10;
	s15 =	sld [smem:$0x3FC4]  }
0x92: {  	[smem:s5], [sflag:s4] =	dma.local [hbm:s2], $0x1  }
0x93: {  	_ =	swait.eq [sflag:s4], $0x1  }
0x94: {  	[sflag:s4] =	ssyncset.done $0x0  }
0x95: {  	[sflag:s4] =	ssyncadd.s32 $0xFFFFFFFF  }
0x96: {  	s16 =	sld [smem:$0x11];
	(tm) =	ssettm $0x1  }
0x97: {  	s17 =	sld [smem:$0x3FFB];
	_ =	sdelay $0x3  }
0x98: {  	_ =	strace s17  }
0x99: {  	s4 =	sld [smem:$0x3FFC];
	_ =	sdelay $0x3  }
0x9a: {  	_ =	strace s4  }
0x9b: {  	s4 =	sld [smem:$0x3FFD];
	_ =	sdelay $0x3  }
0x9c: {  	_ =	strace s4  }
0x9d: {  	_ =	strace $0x8FFFFFFF  }
0x9e: {  	s18 =	sld [smem:$0x3FDB];
	_ =	sdelay $0x1  }
0x9f: {  	s19 =	simm.s32 $_scs_section_size  }
0xa0: {  	s6 =	simm.s32 $_size__tile_overlayer_lowered;
	s7 =	simm.s32 $_tile_overlayer_lowered  }
0xa1: {  	s22 =	simm.s32 $0x1BFF;
	s21 =	sshll.u32 s7, $0x1;
	s4 =	sadd.s32 s19, s18  }
0xa2: {  	s8 =	simm.s32 $0x0;
	s20 =	sshll.u32 s6, $0x1;
	s6 =	sadd.s32 s21, s4  }
0xa3: {  	[timem:s8], [sflag:s22] =	dma.local [hbm:s6], s20  }
0xa4: {  	_ =	swait.ge [sflag:s22], s20  }
0xa5: {  	s5 =	ssub.s32 $0x0, s20;
	[sflag:s22] =	ssyncset.done $0x0  }
0xa6: {  	[sflag:s22] =	ssyncadd.s32 s5;
	_ =	sdelay $0x1  }
0xa7: {  	s23 =	simm.s32 $0x1B8B  }
0xa8: {  	_ =	swait.ge [sflag:s23], $0x1  }
0xa9: {  	[sflag:s23] =	ssyncset.done $0x0  }
0xaa: {  	s25 =	simm.s32 $0x1B8E;
	s24 =	sld [smem:$0x3FFE];
	[sflag:s23] =	ssyncadd.s32 $0xFFFFFFFF  }
0xab: {  	s26 =	simm.s32 $execute0_lowered;
	[smem:$0x3FD2] =	sst s25  }
0xac: {  	s6 =	sshll.u32 s26, $0x1;
	_ =	strace $0x80000046;
	[dreg:$0x1] =	wrdreg $0xFFFFFFFF  }
0xad: {  	s28 =	simm.s32 $_size_execute0_lowered;
	s4 =	sadd.s32 s4, s6;
	[dreg:$0x0] =	wrdreg $0x0  }
0xae: {  	s6 =	sshll.u32 s28, $0x1;
	[dreg:$0x2] =	wrdreg s4  }
0xaf: {  	[dreg:$0x3] =	wrdreg s6  }
0xb0: {  	[dreg:$0x4] =	wrdreg $0xC0  }
0xb1: {  	_ =	task [dreg:s8], $0x5FFFF  }
0xb2: {  	[dreg:$0x1] =	wrdreg $0xFFFFFFFF  }
0xb3: {  	[dreg:$0x0] =	wrdreg $0x60  }
0xb4: {  	[dreg:$0x2] =	wrdreg s16  }
0xb5: {  	[dreg:$0x3] =	wrdreg s15  }
0xb6: {  	[dreg:$0x4] =	wrdreg s24  }
0xb7: {  	[dreg:$0x5] =	wrdreg $0x9  }
0xb8: {  	_ =	task.clear_ibuf [dreg:s8], $0x6FFFF;
	_ =	strace $0x90000046  }
0xb9: {  	s29 =	simm.s32 $0x9;
	_ =	strace $0x80000048  }
0xba: {  	_ =	swait.ge [sflag:s29], $0x1  }
0xbb: {  	[sflag:s29] =	ssyncadd.s32 $0xFFFFFFFF  }
0xbc: {  	_ =	strace $0x90000048  }
0xbd: {  	_ =	sfence  }
0xbe: {  	s30 =	sld [smem:$0x0];
	_ =	sdelay $0x2  }
0xbf: {  	s31 =	sshll.u32 s1, $0xD;
	s1 =	sshrl.u32 s1, $0x2  }
0xc0: {  	s3 =	sand.u32 $0x4000, s31;
	s1 =	sadd.s32 s1, s30  }
0xc1: {  	s0 =	sor.u32 s3, s0;
	s1 =	sshll.u32 s1, $0x11  }
0xc2: {  	s0 =	sor.u32 s1, s0  }
0xc3: {  	s0 =	sadd.s32 $0x8F2B, s0  }
0xc4: {  	[sflag:s0] =	ssyncadd.remote.s32 $0x1  }
0xc5: {  	_ =	sfence.sel $0xFFFF  }
0xc6: {  	[dreg:$0x0] =	wrdreg $0xFFFFFFFF;
	(pc) =	sbr.abs _section_cstart, $3  }
0xc7: {  	[dreg:$0x1] =	wrdreg $0xFFFFFFFF  }
0xc8: {  	_ =	task.clear_ibuf [dreg:s8], $0x2FFFF;
	_ =	strace $0x9FFFFFFF  }
0xc9: {  	(tm) =	ssettm $0x7FFFFFFF  }
tec
execute0_lowered:
.L_overlay_start_1:
0x0: {  	(tag) =	ssettag $0x1  }
0x1: {  	s1 =	rddreg [dreg:$0x0]  }
0x2: {  	s0 =	srdreg.scid;
	s3 =	rddreg [dreg:$0x1]  }
0x3: {  	s12 =	stileid.u32;
	s5 =	rddreg [dreg:$0x2]  }
0x4: {  	s31 =	simm.s32 $0x3;
	s7 =	simm.s32 $0x80;
	s8 =	simm.s32 $0x4C80  }
0x5: {  	s22 =	simm.s32 $0x100;
	s9 =	simm.s32 $0x8C80;
	s23 =	simm.s32 $0x180  }
0x6: {  	s10 =	simm.s32 $0xCC80;
	s24 =	simm.s32 $0x200;
	s11 =	simm.s32 $0x10C80  }
0x7: {  	s25 =	simm.s32 $0x280;
	s26 =	simm.s32 $0x300;
	s29 =	simm.s32 $0x380  }
0x8: {  	s30 =	simm.s32 $0x400;
	s0 =	sand.u32 $0x1, s0;
	s2 =	sshll.u32 s12, $0x1  }
0x9: {  	s28 =	simm.s32 $0x700;
	s4 =	sor.u32 s0, s2;
	s2 =	simm.s32 $0x0  }
0xa: {  	p0 =	por $0x0, $0x0;
	s13 =	simm.s32 $0xA00;
	[smem:$0x7FF] =	sst s2  }
0xb: {  	s14 =	simm.s32 $0xA80;
	_ =	strace $0x80000047;
	[dreg:$0xa] =	wrdreg s22  }
0xc: {  	s15 =	simm.s32 $0xB00;
	s0 =	ssub.s32 $0x2, s0;
	[dreg:$0xb] =	wrdreg s23  }
0xd: {  	s6 =	smul.u32 $0xC800, s4;
	s18 =	sshrl.u32 s0, $0x1;
	[dreg:$0xc] =	wrdreg s24  }
0xe: {  	s4 =	smul.u32 $0x190, s4;
	s0 =	ssub.s32 s0, s18;
	[dreg:$0xd] =	wrdreg s25  }
0xf: {  	[dreg:$0xe] =	wrdreg s26;
	s18 =	simm.s32 $0x480;
	s23 =	simm.s32 $0x500  }
0x10: {  	s24 =	simm.s32 $0x580;
	s25 =	simm.s32 $0x600;
	s26 =	simm.s32 $0x680  }
0x11: {  	s22 =	simm.s32 $0x980;
	s5 =	sadd.s32 s6, s5;
	s1 =	sadd.s32 s1, s4  }
0x12: {  	s0 =	smax.u32 s0, $0x1;
	[dreg:$0x4] =	wrdreg s1;
	s16 =	sadd.s32 $0x3000, s5  }
0x13: {  	s4 =	simm.s32 $0xC80;
	s17 =	sadd.s32 $0x5800, s5;
	[dreg:$0x5] =	wrdreg s16  }
0x14: {  	s19 =	sadd.s32 $0x8000, s5;
	p1 =	sne.s32 s0, $0x1;
	[dreg:$0x6] =	wrdreg s17  }
.Ltmp0:
0x15: {  	s20 =	sadd.s32 $0xA800, s5;
	[dreg:$0x7] =	wrdreg s19;
	(pc) =	sbr.rel @!p1 .LBB2_1-.Ltmp0, $4  }
0x16: {  	s6 =	simm.s32 $0x1;
	s21 =	sadd.s32 $0xD000, s5;
	[dreg:$0x8] =	wrdreg s20  }
0x17: {  	s5 =	simm.s32 $0x2;
	s1 =	sadd.s32 $0xFFFFFFFF, s0;
	[dreg:$0x9] =	wrdreg s21  }
0x18: {  	s19 =	simm.s32 $0x800;
	s20 =	simm.s32 $0x880;
	s21 =	simm.s32 $0x900  }
0x19: {  	s16 =	simm.s32 $0xB80;
	s17 =	simm.s32 $0xC00;
	s0 =	rddreg [dreg:$0x4]  }
0x1a: {  	[tilespmem:s2], [sflag:$0x3] =	stream.linear.gather [hbm4b:s0+s2], $0xC80, $0x38;
	[tilespmem:$0x14C80] =	vst v63  }
0x1b: {  	_ =	swait.ge [sflag:s31], $0xC80  }
0x1c: {  	[sflag:s31] =	ssyncset.done $0x0  }
0x1d: {  	[sflag:s31] =	ssyncadd.s32 $0xFFFFF380  }
0x1e: {  	[tilespmem:s4], [sflag:$0x1] =	stream.indirect.gather [hbm4b:s3+s7], $0x80, s2, s7, $0xb8;
	[tilespmem:$0x14C80] =	vst v63  }
0x1f: {  	_ = 	snop  }
0x20: {  	[tilespmem:s8], [sflag:$0x1] =	stream.indirect.gather [hbm4b:s3+s7], $0x80, s7, s7, $0xb8;
	[tilespmem:$0x14C80] =	vst v63  }
0x21: {  	s0 =	rddreg [dreg:$0xa]  }
0x22: {  	[tilespmem:s9], [sflag:$0x1] =	stream.indirect.gather [hbm4b:s3+s7], $0x80, s0, s7, $0xb8;
	[tilespmem:$0x14C80] =	vst v63  }
0x23: {  	s12 =	smov.u32 s1;
	s1 =	rddreg [dreg:$0xb]  }
0x24: {  	[tilespmem:s10], [sflag:$0x1] =	stream.indirect.gather [hbm4b:s3+s7], $0x80, s1, s7, $0xb8;
	[tilespmem:$0x14C80] =	vst v63  }
0x25: {  	s0 =	rddreg [dreg:$0xc]  }
0x26: {  	[tilespmem:s11], [sflag:$0x1] =	stream.indirect.gather [hbm4b:s3+s7], $0x80, s0, s7, $0xb8;
	[tilespmem:$0x14C80] =	vst v63  }
0x27: {  	_ =	swait.ge [sflag:s6], $0x4000  }
0x28: {  	[sflag:s6] =	ssyncset.done $0x0  }
0x29: {  	[sflag:s6] =	ssyncadd.s32 $0xFFFFC000  }
0x2a: {  	_ =	swait.ge [sflag:s6], $0x4000  }
0x2b: {  	[sflag:s6] =	ssyncset.done $0x0  }
0x2c: {  	[sflag:s6] =	ssyncadd.s32 $0xFFFFC000  }
0x2d: {  	_ =	swait.ge [sflag:s6], $0x4000  }
0x2e: {  	[sflag:s6] =	ssyncset.done $0x0  }
0x2f: {  	[sflag:s6] =	ssyncadd.s32 $0xFFFFC000  }
0x30: {  	_ =	swait.ge [sflag:s6], $0x4000  }
0x31: {  	[sflag:s6] =	ssyncset.done $0x0  }
0x32: {  	[sflag:s6] =	ssyncadd.s32 $0xFFFFC000  }
0x33: {  	_ =	swait.ge [sflag:s6], $0x4000  }
0x34: {  	[sflag:s6] =	ssyncset.done $0x0  }
0x35: {  	s1 =	rddreg [dreg:$0x5];
	[sflag:s6] =	ssyncadd.s32 $0xFFFFC000  }
0x36: {  	[hbm4b:s1+s2] =	stream.linear.scatter [tilespmem:s4], [sflag:$0x2], $0x14000, $0x38;
	[tilespmem:$0x14C80] =	vst v63  }
0x37: {  	_ =	swait.ge [sflag:s5], $0x14000  }
0x38: {  	[sflag:s5] =	ssyncset.done $0x0  }
0x39: {  	s0 =	rddreg [dreg:$0xd];
	[sflag:s5] =	ssyncadd.s32 $0xFFFEC000  }
0x3a: {  	[tilespmem:s4], [sflag:$0x1] =	stream.indirect.gather [hbm4b:s3+s7], $0x80, s0, s7, $0xb8;
	[tilespmem:$0x14C80] =	vst v63  }
0x3b: {  	s1 =	rddreg [dreg:$0xe]  }
0x3c: {  	[tilespmem:s8], [sflag:$0x1] =	stream.indirect.gather [hbm4b:s3+s7], $0x80, s1, s7, $0xb8;
	[tilespmem:$0x14C80] =	vst v63  }
0x3d: {  	_ = 	snop  }
0x3e: {  	[tilespmem:s9], [sflag:$0x1] =	stream.indirect.gather [hbm4b:s3+s7], $0x80, s29, s7, $0xb8;
	[tilespmem:$0x14C80] =	vst v63  }
0x3f: {  	_ = 	snop  }
0x40: {  	[tilespmem:s10], [sflag:$0x1] =	stream.indirect.gather [hbm4b:s3+s7], $0x80, s30, s7, $0xb8;
	[tilespmem:$0x14C80] =	vst v63  }
0x41: {  	_ = 	snop  }
0x42: {  	[tilespmem:s11], [sflag:$0x1] =	stream.indirect.gather [hbm4b:s3+s7], $0x80, s18, s7, $0xb8;
	[tilespmem:$0x14C80] =	vst v63  }
0x43: {  	_ =	swait.ge [sflag:s6], $0x4000  }
0x44: {  	[sflag:s6] =	ssyncset.done $0x0  }
0x45: {  	[sflag:s6] =	ssyncadd.s32 $0xFFFFC000  }
0x46: {  	_ =	swait.ge [sflag:s6], $0x4000  }
0x47: {  	[sflag:s6] =	ssyncset.done $0x0  }
0x48: {  	[sflag:s6] =	ssyncadd.s32 $0xFFFFC000  }
0x49: {  	_ =	swait.ge [sflag:s6], $0x4000  }
0x4a: {  	[sflag:s6] =	ssyncset.done $0x0  }
0x4b: {  	[sflag:s6] =	ssyncadd.s32 $0xFFFFC000  }
0x4c: {  	_ =	swait.ge [sflag:s6], $0x4000  }
0x4d: {  	[sflag:s6] =	ssyncset.done $0x0  }
0x4e: {  	[sflag:s6] =	ssyncadd.s32 $0xFFFFC000  }
0x4f: {  	_ =	swait.ge [sflag:s6], $0x4000  }
0x50: {  	[sflag:s6] =	ssyncset.done $0x0  }
0x51: {  	s1 =	rddreg [dreg:$0x6];
	[sflag:s6] =	ssyncadd.s32 $0xFFFFC000  }
0x52: {  	[hbm4b:s1+s2] =	stream.linear.scatter [tilespmem:s4], [sflag:$0x2], $0x14000, $0x38;
	[tilespmem:$0x14C80] =	vst v63  }
0x53: {  	_ =	swait.ge [sflag:s5], $0x14000  }
0x54: {  	[sflag:s5] =	ssyncset.done $0x0  }
0x55: {  	[sflag:s5] =	ssyncadd.s32 $0xFFFEC000  }
0x56: {  	[tilespmem:s4], [sflag:$0x1] =	stream.indirect.gather [hbm4b:s3+s7], $0x80, s23, s7, $0xb8;
	[tilespmem:$0x14C80] =	vst v63  }
0x57: {  	_ = 	snop  }
0x58: {  	[tilespmem:s8], [sflag:$0x1] =	stream.indirect.gather [hbm4b:s3+s7], $0x80, s24, s7, $0xb8;
	[tilespmem:$0x14C80] =	vst v63  }
0x59: {  	_ = 	snop  }
0x5a: {  	[tilespmem:s9], [sflag:$0x1] =	stream.indirect.gather [hbm4b:s3+s7], $0x80, s25, s7, $0xb8;
	[tilespmem:$0x14C80] =	vst v63  }
0x5b: {  	_ = 	snop  }
0x5c: {  	[tilespmem:s10], [sflag:$0x1] =	stream.indirect.gather [hbm4b:s3+s7], $0x80, s26, s7, $0xb8;
	[tilespmem:$0x14C80] =	vst v63  }
0x5d: {  	_ = 	snop  }
0x5e: {  	[tilespmem:s11], [sflag:$0x1] =	stream.indirect.gather [hbm4b:s3+s7], $0x80, s28, s7, $0xb8;
	[tilespmem:$0x14C80] =	vst v63  }
0x5f: {  	_ =	swait.ge [sflag:s6], $0x4000  }
0x60: {  	[sflag:s6] =	ssyncset.done $0x0  }
0x61: {  	[sflag:s6] =	ssyncadd.s32 $0xFFFFC000  }
0x62: {  	_ =	swait.ge [sflag:s6], $0x4000  }
0x63: {  	[sflag:s6] =	ssyncset.done $0x0  }
0x64: {  	[sflag:s6] =	ssyncadd.s32 $0xFFFFC000  }
0x65: {  	_ =	swait.ge [sflag:s6], $0x4000  }
0x66: {  	[sflag:s6] =	ssyncset.done $0x0  }
0x67: {  	[sflag:s6] =	ssyncadd.s32 $0xFFFFC000  }
0x68: {  	_ =	swait.ge [sflag:s6], $0x4000  }
0x69: {  	[sflag:s6] =	ssyncset.done $0x0  }
0x6a: {  	[sflag:s6] =	ssyncadd.s32 $0xFFFFC000  }
0x6b: {  	_ =	swait.ge [sflag:s6], $0x4000  }
0x6c: {  	[sflag:s6] =	ssyncset.done $0x0  }
0x6d: {  	s1 =	rddreg [dreg:$0x7];
	[sflag:s6] =	ssyncadd.s32 $0xFFFFC000  }
0x6e: {  	[hbm4b:s1+s2] =	stream.linear.scatter [tilespmem:s4], [sflag:$0x2], $0x14000, $0x38;
	[tilespmem:$0x14C80] =	vst v63  }
0x6f: {  	_ =	swait.ge [sflag:s5], $0x14000  }
0x70: {  	[sflag:s5] =	ssyncset.done $0x0  }
0x71: {  	s1 =	simm.s32 $0x780;
	[sflag:s5] =	ssyncadd.s32 $0xFFFEC000  }
0x72: {  	[tilespmem:s4], [sflag:$0x1] =	stream.indirect.gather [hbm4b:s3+s7], $0x80, s1, s7, $0xb8;
	[tilespmem:$0x14C80] =	vst v63  }
0x73: {  	_ = 	snop  }
0x74: {  	[tilespmem:s8], [sflag:$0x1] =	stream.indirect.gather [hbm4b:s3+s7], $0x80, s19, s7, $0xb8;
	[tilespmem:$0x14C80] =	vst v63  }
0x75: {  	_ = 	snop  }
0x76: {  	[tilespmem:s9], [sflag:$0x1] =	stream.indirect.gather [hbm4b:s3+s7], $0x80, s20, s7, $0xb8;
	[tilespmem:$0x14C80] =	vst v63  }
0x77: {  	_ = 	snop  }
0x78: {  	[tilespmem:s10], [sflag:$0x1] =	stream.indirect.gather [hbm4b:s3+s7], $0x80, s21, s7, $0xb8;
	[tilespmem:$0x14C80] =	vst v63  }
0x79: {  	_ = 	snop  }
0x7a: {  	[tilespmem:s11], [sflag:$0x1] =	stream.indirect.gather [hbm4b:s3+s7], $0x80, s22, s7, $0xb8;
	[tilespmem:$0x14C80] =	vst v63  }
0x7b: {  	_ =	swait.ge [sflag:s6], $0x4000  }
0x7c: {  	[sflag:s6] =	ssyncset.done $0x0  }
0x7d: {  	[sflag:s6] =	ssyncadd.s32 $0xFFFFC000  }
0x7e: {  	_ =	swait.ge [sflag:s6], $0x4000  }
0x7f: {  	[sflag:s6] =	ssyncset.done $0x0  }
0x80: {  	[sflag:s6] =	ssyncadd.s32 $0xFFFFC000  }
0x81: {  	_ =	swait.ge [sflag:s6], $0x4000  }
0x82: {  	[sflag:s6] =	ssyncset.done $0x0  }
0x83: {  	[sflag:s6] =	ssyncadd.s32 $0xFFFFC000  }
0x84: {  	_ =	swait.ge [sflag:s6], $0x4000  }
0x85: {  	[sflag:s6] =	ssyncset.done $0x0  }
0x86: {  	[sflag:s6] =	ssyncadd.s32 $0xFFFFC000  }
0x87: {  	_ =	swait.ge [sflag:s6], $0x4000  }
0x88: {  	[sflag:s6] =	ssyncset.done $0x0  }
0x89: {  	s1 =	rddreg [dreg:$0x8];
	[sflag:s6] =	ssyncadd.s32 $0xFFFFC000  }
0x8a: {  	[hbm4b:s1+s2] =	stream.linear.scatter [tilespmem:s4], [sflag:$0x2], $0x14000, $0x38;
	[tilespmem:$0x14C80] =	vst v63  }
0x8b: {  	_ =	swait.ge [sflag:s5], $0x14000  }
0x8c: {  	[sflag:s5] =	ssyncset.done $0x0  }
0x8d: {  	[sflag:s5] =	ssyncadd.s32 $0xFFFEC000  }
0x8e: {  	[tilespmem:s4], [sflag:$0x1] =	stream.indirect.gather [hbm4b:s3+s7], $0x80, s13, s7, $0xb8;
	[tilespmem:$0x14C80] =	vst v63  }
0x8f: {  	_ = 	snop  }
0x90: {  	[tilespmem:s8], [sflag:$0x1] =	stream.indirect.gather [hbm4b:s3+s7], $0x80, s14, s7, $0xb8;
	[tilespmem:$0x14C80] =	vst v63  }
0x91: {  	_ = 	snop  }
0x92: {  	[tilespmem:s9], [sflag:$0x1] =	stream.indirect.gather [hbm4b:s3+s7], $0x80, s15, s7, $0xb8;
	[tilespmem:$0x14C80] =	vst v63  }
0x93: {  	_ = 	snop  }
0x94: {  	[tilespmem:s10], [sflag:$0x1] =	stream.indirect.gather [hbm4b:s3+s7], $0x80, s16, s7, $0xb8;
	[tilespmem:$0x14C80] =	vst v63  }
0x95: {  	_ = 	snop  }
0x96: {  	[tilespmem:s11], [sflag:$0x1] =	stream.indirect.gather [hbm4b:s3+s7], $0x80, s17, s7, $0xb8;
	[tilespmem:$0x14C80] =	vst v63  }
0x97: {  	_ =	swait.ge [sflag:s6], $0x4000  }
0x98: {  	[sflag:s6] =	ssyncset.done $0x0  }
0x99: {  	[sflag:s6] =	ssyncadd.s32 $0xFFFFC000  }
0x9a: {  	_ =	swait.ge [sflag:s6], $0x4000  }
0x9b: {  	[sflag:s6] =	ssyncset.done $0x0  }
0x9c: {  	[sflag:s6] =	ssyncadd.s32 $0xFFFFC000  }
0x9d: {  	_ =	swait.ge [sflag:s6], $0x4000  }
0x9e: {  	[sflag:s6] =	ssyncset.done $0x0  }
0x9f: {  	[sflag:s6] =	ssyncadd.s32 $0xFFFFC000  }
0xa0: {  	_ =	swait.ge [sflag:s6], $0x4000  }
0xa1: {  	[sflag:s6] =	ssyncset.done $0x0  }
0xa2: {  	[sflag:s6] =	ssyncadd.s32 $0xFFFFC000  }
0xa3: {  	p1 =	sne.s32 s12, $0x1;
	_ =	swait.ge [sflag:s6], $0x4000  }
.Ltmp1:
0xa4: {  	[sflag:s6] =	ssyncset.done $0x0;
	(pc) =	sbr.rel @!p1 .LBB2_3-.Ltmp1, $4  }
0xa5: {  	s1 =	rddreg [dreg:$0x9];
	[sflag:s6] =	ssyncadd.s32 $0xFFFFC000  }
0xa6: {  	[hbm4b:s1+s2] =	stream.linear.scatter [tilespmem:s4], [sflag:$0x2], $0x14000, $0x38;
	[tilespmem:$0x14C80] =	vst v63  }
0xa7: {  	p0 =	por $0x1, $0x1;
	_ =	swait.ge [sflag:s5], $0x14000  }
0xa8: {  	s1 =	sadd.s32 $0xFFFFFFFF, s12;
	s0 =	rddreg [dreg:$0x4];
	[sflag:s5] =	ssyncset.done $0x0  }
.LBB2_4:
0xa9: {  	[sflag:s5] =	ssyncadd.s32 $0xFFFEC000  }
0xaa: {  	[tilespmem:s2], [sflag:$0x3] =	stream.linear.gather [hbm4b:s0+s2], $0xC80, $0x38;
	[tilespmem:$0x14C80] =	vst v63  }
0xab: {  	_ =	swait.ge [sflag:s31], $0xC80  }
0xac: {  	[sflag:s31] =	ssyncset.done $0x0  }
0xad: {  	[sflag:s31] =	ssyncadd.s32 $0xFFFFF380  }
0xae: {  	[tilespmem:s4], [sflag:$0x1] =	stream.indirect.gather [hbm4b:s3+s7], $0x80, s2, s7, $0xb8;
	[tilespmem:$0x14C80] =	vst v63  }
0xaf: {  	_ = 	snop  }
0xb0: {  	[tilespmem:s8], [sflag:$0x1] =	stream.indirect.gather [hbm4b:s3+s7], $0x80, s7, s7, $0xb8;
	[tilespmem:$0x14C80] =	vst v63  }
0xb1: {  	s0 =	rddreg [dreg:$0xa]  }
0xb2: {  	[tilespmem:s9], [sflag:$0x1] =	stream.indirect.gather [hbm4b:s3+s7], $0x80, s0, s7, $0xb8;
	[tilespmem:$0x14C80] =	vst v63  }
0xb3: {  	s12 =	rddreg [dreg:$0xb]  }
0xb4: {  	[tilespmem:s10], [sflag:$0x1] =	stream.indirect.gather [hbm4b:s3+s7], $0x80, s12, s7, $0xb8;
	[tilespmem:$0x14C80] =	vst v63  }
0xb5: {  	s0 =	rddreg [dreg:$0xc]  }
0xb6: {  	[tilespmem:s11], [sflag:$0x1] =	stream.indirect.gather [hbm4b:s3+s7], $0x80, s0, s7, $0xb8;
	[tilespmem:$0x14C80] =	vst v63  }
0xb7: {  	_ =	swait.ge [sflag:s6], $0x4000  }
0xb8: {  	[sflag:s6] =	ssyncset.done $0x0  }
0xb9: {  	[sflag:s6] =	ssyncadd.s32 $0xFFFFC000  }
0xba: {  	_ =	swait.ge [sflag:s6], $0x4000  }
0xbb: {  	[sflag:s6] =	ssyncset.done $0x0  }
0xbc: {  	[sflag:s6] =	ssyncadd.s32 $0xFFFFC000  }
0xbd: {  	_ =	swait.ge [sflag:s6], $0x4000  }
0xbe: {  	[sflag:s6] =	ssyncset.done $0x0  }
0xbf: {  	[sflag:s6] =	ssyncadd.s32 $0xFFFFC000  }
0xc0: {  	_ =	swait.ge [sflag:s6], $0x4000  }
0xc1: {  	[sflag:s6] =	ssyncset.done $0x0  }
0xc2: {  	[sflag:s6] =	ssyncadd.s32 $0xFFFFC000  }
0xc3: {  	_ =	swait.ge [sflag:s6], $0x4000  }
0xc4: {  	[sflag:s6] =	ssyncset.done $0x0  }
0xc5: {  	s12 =	rddreg [dreg:$0x5];
	[sflag:s6] =	ssyncadd.s32 $0xFFFFC000  }
0xc6: {  	[hbm4b:s12+s2] =	stream.linear.scatter [tilespmem:s4], [sflag:$0x2], $0x14000, $0x38;
	[tilespmem:$0x14C80] =	vst v63  }
0xc7: {  	_ =	swait.ge [sflag:s5], $0x14000  }
0xc8: {  	[sflag:s5] =	ssyncset.done $0x0  }
0xc9: {  	s0 =	rddreg [dreg:$0xd];
	[sflag:s5] =	ssyncadd.s32 $0xFFFEC000  }
0xca: {  	[tilespmem:s4], [sflag:$0x1] =	stream.indirect.gather [hbm4b:s3+s7], $0x80, s0, s7, $0xb8;
	[tilespmem:$0x14C80] =	vst v63  }
0xcb: {  	s12 =	rddreg [dreg:$0xe]  }
0xcc: {  	[tilespmem:s8], [sflag:$0x1] =	stream.indirect.gather [hbm4b:s3+s7], $0x80, s12, s7, $0xb8;
	[tilespmem:$0x14C80] =	vst v63  }
0xcd: {  	_ = 	snop  }
0xce: {  	[tilespmem:s9], [sflag:$0x1] =	stream.indirect.gather [hbm4b:s3+s7], $0x80, s29, s7, $0xb8;
	[tilespmem:$0x14C80] =	vst v63  }
0xcf: {  	_ = 	snop  }
0xd0: {  	[tilespmem:s10], [sflag:$0x1] =	stream.indirect.gather [hbm4b:s3+s7], $0x80, s30, s7, $0xb8;
	[tilespmem:$0x14C80] =	vst v63  }
0xd1: {  	_ = 	snop  }
0xd2: {  	[tilespmem:s11], [sflag:$0x1] =	stream.indirect.gather [hbm4b:s3+s7], $0x80, s18, s7, $0xb8;
	[tilespmem:$0x14C80] =	vst v63  }
0xd3: {  	_ =	swait.ge [sflag:s6], $0x4000  }
0xd4: {  	[sflag:s6] =	ssyncset.done $0x0  }
0xd5: {  	[sflag:s6] =	ssyncadd.s32 $0xFFFFC000  }
0xd6: {  	_ =	swait.ge [sflag:s6], $0x4000  }
0xd7: {  	[sflag:s6] =	ssyncset.done $0x0  }
0xd8: {  	[sflag:s6] =	ssyncadd.s32 $0xFFFFC000  }
0xd9: {  	_ =	swait.ge [sflag:s6], $0x4000  }
0xda: {  	[sflag:s6] =	ssyncset.done $0x0  }
0xdb: {  	[sflag:s6] =	ssyncadd.s32 $0xFFFFC000  }
0xdc: {  	_ =	swait.ge [sflag:s6], $0x4000  }
0xdd: {  	[sflag:s6] =	ssyncset.done $0x0  }
0xde: {  	[sflag:s6] =	ssyncadd.s32 $0xFFFFC000  }
0xdf: {  	_ =	swait.ge [sflag:s6], $0x4000  }
0xe0: {  	[sflag:s6] =	ssyncset.done $0x0  }
0xe1: {  	s12 =	rddreg [dreg:$0x6];
	[sflag:s6] =	ssyncadd.s32 $0xFFFFC000  }
0xe2: {  	[hbm4b:s12+s2] =	stream.linear.scatter [tilespmem:s4], [sflag:$0x2], $0x14000, $0x38;
	[tilespmem:$0x14C80] =	vst v63  }
0xe3: {  	_ =	swait.ge [sflag:s5], $0x14000  }
0xe4: {  	[sflag:s5] =	ssyncset.done $0x0  }
0xe5: {  	[sflag:s5] =	ssyncadd.s32 $0xFFFEC000  }
0xe6: {  	[tilespmem:s4], [sflag:$0x1] =	stream.indirect.gather [hbm4b:s3+s7], $0x80, s23, s7, $0xb8;
	[tilespmem:$0x14C80] =	vst v63  }
0xe7: {  	_ = 	snop  }
0xe8: {  	[tilespmem:s8], [sflag:$0x1] =	stream.indirect.gather [hbm4b:s3+s7], $0x80, s24, s7, $0xb8;
	[tilespmem:$0x14C80] =	vst v63  }
0xe9: {  	_ = 	snop  }
0xea: {  	[tilespmem:s9], [sflag:$0x1] =	stream.indirect.gather [hbm4b:s3+s7], $0x80, s25, s7, $0xb8;
	[tilespmem:$0x14C80] =	vst v63  }
0xeb: {  	_ = 	snop  }
0xec: {  	[tilespmem:s10], [sflag:$0x1] =	stream.indirect.gather [hbm4b:s3+s7], $0x80, s26, s7, $0xb8;
	[tilespmem:$0x14C80] =	vst v63  }
0xed: {  	_ = 	snop  }
0xee: {  	[tilespmem:s11], [sflag:$0x1] =	stream.indirect.gather [hbm4b:s3+s7], $0x80, s28, s7, $0xb8;
	[tilespmem:$0x14C80] =	vst v63  }
0xef: {  	_ =	swait.ge [sflag:s6], $0x4000  }
0xf0: {  	[sflag:s6] =	ssyncset.done $0x0  }
0xf1: {  	[sflag:s6] =	ssyncadd.s32 $0xFFFFC000  }
0xf2: {  	_ =	swait.ge [sflag:s6], $0x4000  }
0xf3: {  	[sflag:s6] =	ssyncset.done $0x0  }
0xf4: {  	[sflag:s6] =	ssyncadd.s32 $0xFFFFC000  }
0xf5: {  	_ =	swait.ge [sflag:s6], $0x4000  }
0xf6: {  	[sflag:s6] =	ssyncset.done $0x0  }
0xf7: {  	[sflag:s6] =	ssyncadd.s32 $0xFFFFC000  }
0xf8: {  	_ =	swait.ge [sflag:s6], $0x4000  }
0xf9: {  	[sflag:s6] =	ssyncset.done $0x0  }
0xfa: {  	[sflag:s6] =	ssyncadd.s32 $0xFFFFC000  }
0xfb: {  	_ =	swait.ge [sflag:s6], $0x4000  }
0xfc: {  	[sflag:s6] =	ssyncset.done $0x0  }
0xfd: {  	s12 =	rddreg [dreg:$0x7];
	[sflag:s6] =	ssyncadd.s32 $0xFFFFC000  }
0xfe: {  	[hbm4b:s12+s2] =	stream.linear.scatter [tilespmem:s4], [sflag:$0x2], $0x14000, $0x38;
	[tilespmem:$0x14C80] =	vst v63  }
0xff: {  	_ =	swait.ge [sflag:s5], $0x14000  }
0x100: {  	[sflag:s5] =	ssyncset.done $0x0  }
0x101: {  	s12 =	simm.s32 $0x780;
	[sflag:s5] =	ssyncadd.s32 $0xFFFEC000  }
0x102: {  	[tilespmem:s4], [sflag:$0x1] =	stream.indirect.gather [hbm4b:s3+s7], $0x80, s12, s7, $0xb8;
	[tilespmem:$0x14C80] =	vst v63  }
0x103: {  	_ = 	snop  }
0x104: {  	[tilespmem:s8], [sflag:$0x1] =	stream.indirect.gather [hbm4b:s3+s7], $0x80, s19, s7, $0xb8;
	[tilespmem:$0x14C80] =	vst v63  }
0x105: {  	_ = 	snop  }
0x106: {  	[tilespmem:s9], [sflag:$0x1] =	stream.indirect.gather [hbm4b:s3+s7], $0x80, s20, s7, $0xb8;
	[tilespmem:$0x14C80] =	vst v63  }
0x107: {  	_ = 	snop  }
0x108: {  	[tilespmem:s10], [sflag:$0x1] =	stream.indirect.gather [hbm4b:s3+s7], $0x80, s21, s7, $0xb8;
	[tilespmem:$0x14C80] =	vst v63  }
0x109: {  	_ = 	snop  }
0x10a: {  	[tilespmem:s11], [sflag:$0x1] =	stream.indirect.gather [hbm4b:s3+s7], $0x80, s22, s7, $0xb8;
	[tilespmem:$0x14C80] =	vst v63  }
0x10b: {  	_ =	swait.ge [sflag:s6], $0x4000  }
0x10c: {  	[sflag:s6] =	ssyncset.done $0x0  }
0x10d: {  	[sflag:s6] =	ssyncadd.s32 $0xFFFFC000  }
0x10e: {  	_ =	swait.ge [sflag:s6], $0x4000  }
0x10f: {  	[sflag:s6] =	ssyncset.done $0x0  }
0x110: {  	[sflag:s6] =	ssyncadd.s32 $0xFFFFC000  }
0x111: {  	_ =	swait.ge [sflag:s6], $0x4000  }
0x112: {  	[sflag:s6] =	ssyncset.done $0x0  }
0x113: {  	[sflag:s6] =	ssyncadd.s32 $0xFFFFC000  }
0x114: {  	_ =	swait.ge [sflag:s6], $0x4000  }
0x115: {  	[sflag:s6] =	ssyncset.done $0x0  }
0x116: {  	[sflag:s6] =	ssyncadd.s32 $0xFFFFC000  }
0x117: {  	_ =	swait.ge [sflag:s6], $0x4000  }
0x118: {  	[sflag:s6] =	ssyncset.done $0x0  }
0x119: {  	s12 =	rddreg [dreg:$0x8];
	[sflag:s6] =	ssyncadd.s32 $0xFFFFC000  }
0x11a: {  	[hbm4b:s12+s2] =	stream.linear.scatter [tilespmem:s4], [sflag:$0x2], $0x14000, $0x38;
	[tilespmem:$0x14C80] =	vst v63  }
0x11b: {  	_ =	swait.ge [sflag:s5], $0x14000  }
0x11c: {  	[sflag:s5] =	ssyncset.done $0x0  }
0x11d: {  	[sflag:s5] =	ssyncadd.s32 $0xFFFEC000  }
0x11e: {  	[tilespmem:s4], [sflag:$0x1] =	stream.indirect.gather [hbm4b:s3+s7], $0x80, s13, s7, $0xb8;
	[tilespmem:$0x14C80] =	vst v63  }
0x11f: {  	_ = 	snop  }
0x120: {  	[tilespmem:s8], [sflag:$0x1] =	stream.indirect.gather [hbm4b:s3+s7], $0x80, s14, s7, $0xb8;
	[tilespmem:$0x14C80] =	vst v63  }
0x121: {  	_ = 	snop  }
0x122: {  	[tilespmem:s9], [sflag:$0x1] =	stream.indirect.gather [hbm4b:s3+s7], $0x80, s15, s7, $0xb8;
	[tilespmem:$0x14C80] =	vst v63  }
0x123: {  	_ = 	snop  }
0x124: {  	[tilespmem:s10], [sflag:$0x1] =	stream.indirect.gather [hbm4b:s3+s7], $0x80, s16, s7, $0xb8;
	[tilespmem:$0x14C80] =	vst v63  }
0x125: {  	_ = 	snop  }
0x126: {  	[tilespmem:s11], [sflag:$0x1] =	stream.indirect.gather [hbm4b:s3+s7], $0x80, s17, s7, $0xb8;
	[tilespmem:$0x14C80] =	vst v63  }
0x127: {  	_ =	swait.ge [sflag:s6], $0x4000  }
0x128: {  	[sflag:s6] =	ssyncset.done $0x0  }
0x129: {  	[sflag:s6] =	ssyncadd.s32 $0xFFFFC000  }
0x12a: {  	_ =	swait.ge [sflag:s6], $0x4000  }
0x12b: {  	[sflag:s6] =	ssyncset.done $0x0  }
0x12c: {  	[sflag:s6] =	ssyncadd.s32 $0xFFFFC000  }
0x12d: {  	_ =	swait.ge [sflag:s6], $0x4000  }
0x12e: {  	[sflag:s6] =	ssyncset.done $0x0  }
0x12f: {  	[sflag:s6] =	ssyncadd.s32 $0xFFFFC000  }
0x130: {  	_ =	swait.ge [sflag:s6], $0x4000  }
0x131: {  	[sflag:s6] =	ssyncset.done $0x0  }
0x132: {  	[sflag:s6] =	ssyncadd.s32 $0xFFFFC000  }
0x133: {  	p1 =	sne.s32 s1, $0x1;
	_ =	swait.ge [sflag:s6], $0x4000  }
.Ltmp2:
0x134: {  	[sflag:s6] =	ssyncset.done $0x0;
	(pc) =	sbr.rel @p1 .LBB2_4-.Ltmp2, $4  }
0x135: {  	s12 =	rddreg [dreg:$0x9];
	[sflag:s6] =	ssyncadd.s32 $0xFFFFC000  }
0x136: {  	[hbm4b:s12+s2] =	stream.linear.scatter [tilespmem:s4], [sflag:$0x2], $0x14000, $0x38;
	[tilespmem:$0x14C80] =	vst v63  }
0x137: {  	_ =	swait.ge [sflag:s5], $0x14000  }
0x138: {  	s1 =	sadd.s32 $0xFFFFFFFF, s1;
	s0 =	rddreg [dreg:$0x4];
	[sflag:s5] =	ssyncset.done $0x0  }
0x139: {  	s17 =	simm.s32 $0x480;
	s30 =	simm.s32 $0x400;
	s29 =	simm.s32 $0x380  }
0x13a: {  	s28 =	simm.s32 $0x700;
	s26 =	simm.s32 $0x680;
	s25 =	simm.s32 $0x600  }
0x13b: {  	s24 =	simm.s32 $0x580;
	s23 =	simm.s32 $0x500;
	s22 =	simm.s32 $0x980  }
0x13c: {  	s21 =	simm.s32 $0x900;
	s20 =	simm.s32 $0x880;
	s19 =	simm.s32 $0x800  }
0x13d: {  	s18 =	simm.s32 $0x780;
	s16 =	simm.s32 $0xB80;
	s15 =	simm.s32 $0xB00  }
0x13e: {  	s14 =	simm.s32 $0xA80;
	s13 =	simm.s32 $0xA00;
	s12 =	stileid.u32  }
.LBB2_6:
0x13f: {  	[sflag:s5] =	ssyncadd.s32 @p0 $0xFFFEC000  }
0x140: {  	[tilespmem:s2], [sflag:$0x3] =	stream.linear.gather [hbm4b:s0+s2], $0xC80, $0x38;
	[tilespmem:$0x14C80] =	vst v63  }
0x141: {  	_ =	swait.ge [sflag:s31], $0xC80  }
0x142: {  	[sflag:s31] =	ssyncset.done $0x0  }
0x143: {  	[sflag:s31] =	ssyncadd.s32 $0xFFFFF380  }
0x144: {  	[tilespmem:s4], [sflag:$0x1] =	stream.indirect.gather [hbm4b:s3+s7], $0x80, s2, s7, $0xb8;
	[tilespmem:$0x14C80] =	vst v63  }
0x145: {  	_ = 	snop  }
0x146: {  	[tilespmem:s8], [sflag:$0x1] =	stream.indirect.gather [hbm4b:s3+s7], $0x80, s7, s7, $0xb8;
	[tilespmem:$0x14C80] =	vst v63  }
0x147: {  	s31 =	rddreg [dreg:$0xa]  }
0x148: {  	[tilespmem:s9], [sflag:$0x1] =	stream.indirect.gather [hbm4b:s3+s7], $0x80, s31, s7, $0xb8;
	[tilespmem:$0x14C80] =	vst v63  }
0x149: {  	s1 =	rddreg [dreg:$0xb]  }
0x14a: {  	[tilespmem:s10], [sflag:$0x1] =	stream.indirect.gather [hbm4b:s3+s7], $0x80, s1, s7, $0xb8;
	[tilespmem:$0x14C80] =	vst v63  }
0x14b: {  	s31 =	rddreg [dreg:$0xc]  }
0x14c: {  	[tilespmem:s11], [sflag:$0x1] =	stream.indirect.gather [hbm4b:s3+s7], $0x80, s31, s7, $0xb8;
	[tilespmem:$0x14C80] =	vst v63  }
0x14d: {  	_ =	swait.ge [sflag:s6], $0x4000  }
0x14e: {  	[sflag:s6] =	ssyncset.done $0x0  }
0x14f: {  	[sflag:s6] =	ssyncadd.s32 $0xFFFFC000  }
0x150: {  	_ =	swait.ge [sflag:s6], $0x4000  }
0x151: {  	[sflag:s6] =	ssyncset.done $0x0  }
0x152: {  	[sflag:s6] =	ssyncadd.s32 $0xFFFFC000  }
0x153: {  	_ =	swait.ge [sflag:s6], $0x4000  }
0x154: {  	[sflag:s6] =	ssyncset.done $0x0  }
0x155: {  	[sflag:s6] =	ssyncadd.s32 $0xFFFFC000  }
0x156: {  	_ =	swait.ge [sflag:s6], $0x4000  }
0x157: {  	[sflag:s6] =	ssyncset.done $0x0  }
0x158: {  	[sflag:s6] =	ssyncadd.s32 $0xFFFFC000  }
0x159: {  	_ =	swait.ge [sflag:s6], $0x4000  }
0x15a: {  	[sflag:s6] =	ssyncset.done $0x0  }
0x15b: {  	s31 =	rddreg [dreg:$0x5];
	[sflag:s6] =	ssyncadd.s32 $0xFFFFC000  }
0x15c: {  	[hbm4b:s31+s2] =	stream.linear.scatter [tilespmem:s4], [sflag:$0x2], $0x14000, $0x38;
	[tilespmem:$0x14C80] =	vst v63  }
0x15d: {  	_ =	swait.ge [sflag:s5], $0x14000  }
0x15e: {  	[sflag:s5] =	ssyncset.done $0x0  }
0x15f: {  	s1 =	rddreg [dreg:$0xd];
	[sflag:s5] =	ssyncadd.s32 $0xFFFEC000  }
0x160: {  	[tilespmem:s4], [sflag:$0x1] =	stream.indirect.gather [hbm4b:s3+s7], $0x80, s1, s7, $0xb8;
	[tilespmem:$0x14C80] =	vst v63  }
0x161: {  	s31 =	rddreg [dreg:$0xe]  }
0x162: {  	[tilespmem:s8], [sflag:$0x1] =	stream.indirect.gather [hbm4b:s3+s7], $0x80, s31, s7, $0xb8;
	[tilespmem:$0x14C80] =	vst v63  }
0x163: {  	_ = 	snop  }
0x164: {  	[tilespmem:s9], [sflag:$0x1] =	stream.indirect.gather [hbm4b:s3+s7], $0x80, s29, s7, $0xb8;
	[tilespmem:$0x14C80] =	vst v63  }
0x165: {  	_ = 	snop  }
0x166: {  	[tilespmem:s10], [sflag:$0x1] =	stream.indirect.gather [hbm4b:s3+s7], $0x80, s30, s7, $0xb8;
	[tilespmem:$0x14C80] =	vst v63  }
0x167: {  	_ = 	snop  }
0x168: {  	[tilespmem:s11], [sflag:$0x1] =	stream.indirect.gather [hbm4b:s3+s7], $0x80, s17, s7, $0xb8;
	[tilespmem:$0x14C80] =	vst v63  }
0x169: {  	_ =	swait.ge [sflag:s6], $0x4000  }
0x16a: {  	[sflag:s6] =	ssyncset.done $0x0  }
0x16b: {  	[sflag:s6] =	ssyncadd.s32 $0xFFFFC000  }
0x16c: {  	_ =	swait.ge [sflag:s6], $0x4000  }
0x16d: {  	[sflag:s6] =	ssyncset.done $0x0  }
0x16e: {  	[sflag:s6] =	ssyncadd.s32 $0xFFFFC000  }
0x16f: {  	_ =	swait.ge [sflag:s6], $0x4000  }
0x170: {  	[sflag:s6] =	ssyncset.done $0x0  }
0x171: {  	[sflag:s6] =	ssyncadd.s32 $0xFFFFC000  }
0x172: {  	_ =	swait.ge [sflag:s6], $0x4000  }
0x173: {  	[sflag:s6] =	ssyncset.done $0x0  }
0x174: {  	[sflag:s6] =	ssyncadd.s32 $0xFFFFC000  }
0x175: {  	_ =	swait.ge [sflag:s6], $0x4000  }
0x176: {  	[sflag:s6] =	ssyncset.done $0x0  }
0x177: {  	s17 =	rddreg [dreg:$0x6];
	[sflag:s6] =	ssyncadd.s32 $0xFFFFC000  }
0x178: {  	[hbm4b:s17+s2] =	stream.linear.scatter [tilespmem:s4], [sflag:$0x2], $0x14000, $0x38;
	[tilespmem:$0x14C80] =	vst v63  }
0x179: {  	_ =	swait.ge [sflag:s5], $0x14000  }
0x17a: {  	[sflag:s5] =	ssyncset.done $0x0  }
0x17b: {  	[sflag:s5] =	ssyncadd.s32 $0xFFFEC000  }
0x17c: {  	[tilespmem:s4], [sflag:$0x1] =	stream.indirect.gather [hbm4b:s3+s7], $0x80, s23, s7, $0xb8;
	[tilespmem:$0x14C80] =	vst v63  }
0x17d: {  	_ = 	snop  }
0x17e: {  	[tilespmem:s8], [sflag:$0x1] =	stream.indirect.gather [hbm4b:s3+s7], $0x80, s24, s7, $0xb8;
	[tilespmem:$0x14C80] =	vst v63  }
0x17f: {  	_ = 	snop  }
0x180: {  	[tilespmem:s9], [sflag:$0x1] =	stream.indirect.gather [hbm4b:s3+s7], $0x80, s25, s7, $0xb8;
	[tilespmem:$0x14C80] =	vst v63  }
0x181: {  	_ = 	snop  }
0x182: {  	[tilespmem:s10], [sflag:$0x1] =	stream.indirect.gather [hbm4b:s3+s7], $0x80, s26, s7, $0xb8;
	[tilespmem:$0x14C80] =	vst v63  }
0x183: {  	_ = 	snop  }
0x184: {  	[tilespmem:s11], [sflag:$0x1] =	stream.indirect.gather [hbm4b:s3+s7], $0x80, s28, s7, $0xb8;
	[tilespmem:$0x14C80] =	vst v63  }
0x185: {  	_ =	swait.ge [sflag:s6], $0x4000  }
0x186: {  	[sflag:s6] =	ssyncset.done $0x0  }
0x187: {  	[sflag:s6] =	ssyncadd.s32 $0xFFFFC000  }
0x188: {  	_ =	swait.ge [sflag:s6], $0x4000  }
0x189: {  	[sflag:s6] =	ssyncset.done $0x0  }
0x18a: {  	[sflag:s6] =	ssyncadd.s32 $0xFFFFC000  }
0x18b: {  	_ =	swait.ge [sflag:s6], $0x4000  }
0x18c: {  	[sflag:s6] =	ssyncset.done $0x0  }
0x18d: {  	[sflag:s6] =	ssyncadd.s32 $0xFFFFC000  }
0x18e: {  	_ =	swait.ge [sflag:s6], $0x4000  }
0x18f: {  	[sflag:s6] =	ssyncset.done $0x0  }
0x190: {  	[sflag:s6] =	ssyncadd.s32 $0xFFFFC000  }
0x191: {  	_ =	swait.ge [sflag:s6], $0x4000  }
0x192: {  	[sflag:s6] =	ssyncset.done $0x0  }
0x193: {  	s28 =	rddreg [dreg:$0x7];
	[sflag:s6] =	ssyncadd.s32 $0xFFFFC000  }
0x194: {  	[hbm4b:s28+s2] =	stream.linear.scatter [tilespmem:s4], [sflag:$0x2], $0x14000, $0x38;
	[tilespmem:$0x14C80] =	vst v63  }
0x195: {  	_ =	swait.ge [sflag:s5], $0x14000  }
0x196: {  	[sflag:s5] =	ssyncset.done $0x0  }
0x197: {  	[sflag:s5] =	ssyncadd.s32 $0xFFFEC000  }
0x198: {  	[tilespmem:s4], [sflag:$0x1] =	stream.indirect.gather [hbm4b:s3+s7], $0x80, s18, s7, $0xb8;
	[tilespmem:$0x14C80] =	vst v63  }
0x199: {  	_ = 	snop  }
0x19a: {  	[tilespmem:s8], [sflag:$0x1] =	stream.indirect.gather [hbm4b:s3+s7], $0x80, s19, s7, $0xb8;
	[tilespmem:$0x14C80] =	vst v63  }
0x19b: {  	_ = 	snop  }
0x19c: {  	[tilespmem:s9], [sflag:$0x1] =	stream.indirect.gather [hbm4b:s3+s7], $0x80, s20, s7, $0xb8;
	[tilespmem:$0x14C80] =	vst v63  }
0x19d: {  	_ = 	snop  }
0x19e: {  	[tilespmem:s10], [sflag:$0x1] =	stream.indirect.gather [hbm4b:s3+s7], $0x80, s21, s7, $0xb8;
	[tilespmem:$0x14C80] =	vst v63  }
0x19f: {  	_ = 	snop  }
0x1a0: {  	[tilespmem:s11], [sflag:$0x1] =	stream.indirect.gather [hbm4b:s3+s7], $0x80, s22, s7, $0xb8;
	[tilespmem:$0x14C80] =	vst v63  }
0x1a1: {  	_ =	swait.ge [sflag:s6], $0x4000  }
0x1a2: {  	[sflag:s6] =	ssyncset.done $0x0  }
0x1a3: {  	[sflag:s6] =	ssyncadd.s32 $0xFFFFC000  }
0x1a4: {  	_ =	swait.ge [sflag:s6], $0x4000  }
0x1a5: {  	[sflag:s6] =	ssyncset.done $0x0  }
0x1a6: {  	[sflag:s6] =	ssyncadd.s32 $0xFFFFC000  }
0x1a7: {  	_ =	swait.ge [sflag:s6], $0x4000  }
0x1a8: {  	[sflag:s6] =	ssyncset.done $0x0  }
0x1a9: {  	[sflag:s6] =	ssyncadd.s32 $0xFFFFC000  }
0x1aa: {  	_ =	swait.ge [sflag:s6], $0x4000  }
0x1ab: {  	[sflag:s6] =	ssyncset.done $0x0  }
0x1ac: {  	[sflag:s6] =	ssyncadd.s32 $0xFFFFC000  }
0x1ad: {  	_ =	swait.ge [sflag:s6], $0x4000  }
0x1ae: {  	[sflag:s6] =	ssyncset.done $0x0  }
0x1af: {  	s29 =	rddreg [dreg:$0x8];
	[sflag:s6] =	ssyncadd.s32 $0xFFFFC000  }
0x1b0: {  	[hbm4b:s29+s2] =	stream.linear.scatter [tilespmem:s4], [sflag:$0x2], $0x14000, $0x38;
	[tilespmem:$0x14C80] =	vst v63  }
0x1b1: {  	_ =	swait.ge [sflag:s5], $0x14000  }
0x1b2: {  	[sflag:s5] =	ssyncset.done $0x0  }
0x1b3: {  	[sflag:s5] =	ssyncadd.s32 $0xFFFEC000  }
0x1b4: {  	[tilespmem:s4], [sflag:$0x1] =	stream.indirect.gather [hbm4b:s3+s7], $0x80, s13, s7, $0xb8;
	[tilespmem:$0x14C80] =	vst v63  }
0x1b5: {  	_ = 	snop  }
0x1b6: {  	[tilespmem:s8], [sflag:$0x1] =	stream.indirect.gather [hbm4b:s3+s7], $0x80, s14, s7, $0xb8;
	[tilespmem:$0x14C80] =	vst v63  }
0x1b7: {  	_ = 	snop  }
0x1b8: {  	[tilespmem:s9], [sflag:$0x1] =	stream.indirect.gather [hbm4b:s3+s7], $0x80, s15, s7, $0xb8;
	[tilespmem:$0x14C80] =	vst v63  }
0x1b9: {  	_ = 	snop  }
0x1ba: {  	[tilespmem:s10], [sflag:$0x1] =	stream.indirect.gather [hbm4b:s3+s7], $0x80, s16, s7, $0xb8;
	[tilespmem:$0x14C80] =	vst v63  }
0x1bb: {  	s30 =	simm.s32 $0xC00  }
0x1bc: {  	[tilespmem:s11], [sflag:$0x1] =	stream.indirect.gather [hbm4b:s3+s7], $0x80, s30, s7, $0xb8;
	[tilespmem:$0x14C80] =	vst v63  }
0x1bd: {  	_ =	swait.ge [sflag:s6], $0x4000  }
0x1be: {  	[sflag:s6] =	ssyncset.done $0x0  }
0x1bf: {  	[sflag:s6] =	ssyncadd.s32 $0xFFFFC000  }
0x1c0: {  	_ =	swait.ge [sflag:s6], $0x4000  }
0x1c1: {  	[sflag:s6] =	ssyncset.done $0x0  }
0x1c2: {  	[sflag:s6] =	ssyncadd.s32 $0xFFFFC000  }
0x1c3: {  	_ =	swait.ge [sflag:s6], $0x4000  }
0x1c4: {  	[sflag:s6] =	ssyncset.done $0x0  }
0x1c5: {  	[sflag:s6] =	ssyncadd.s32 $0xFFFFC000  }
0x1c6: {  	_ =	swait.ge [sflag:s6], $0x4000  }
0x1c7: {  	[sflag:s6] =	ssyncset.done $0x0  }
0x1c8: {  	[sflag:s6] =	ssyncadd.s32 $0xFFFFC000  }
0x1c9: {  	_ =	swait.ge [sflag:s6], $0x4000  }
0x1ca: {  	[sflag:s6] =	ssyncset.done $0x0  }
0x1cb: {  	s31 =	rddreg [dreg:$0x9];
	[sflag:s6] =	ssyncadd.s32 $0xFFFFC000  }
0x1cc: {  	[hbm4b:s31+s2] =	stream.linear.scatter [tilespmem:s4], [sflag:$0x2], $0x14000, $0x38;
	[tilespmem:$0x14C80] =	vst v63  }
0x1cd: {  	_ =	swait.ge [sflag:s5], $0x14000  }
0x1ce: {  	[sflag:s5] =	ssyncset.done $0x0  }
0x1cf: {  	[sflag:s5] =	ssyncadd.s32 $0xFFFEC000  }
0x1d0: {  	_ =	sfence.sel $0x180000  }
0x1d1: {  	[bflag:$0x0] =	sbarrier.arrive $0xFFFF  }
0x1d2: {  	_ =	strace $0x90000047  }
0x1d3: {  	[bflag:$0x2] =	sbarrier.arrive $0xFFFF  }
0x1d4: {  	p0 =	sne.s32 s12, $0x0;
	s0 =	rddreg [dreg:$0x3]  }
0x1d5: {  	s0 =	sadd.s32 @!p0 $0x100000, s0  }
0x1d6: {  	[sflag:s0] =	ssyncadd.tile.s32 @!p0 $0x1;
	_ =	shalt  }
.LBB2_1:
0x1d7: {  	s17 =	simm.s32 $0x480;
	s30 =	simm.s32 $0x400;
	s29 =	simm.s32 $0x380  }
.Ltmp3:
0x1d8: {  	s28 =	simm.s32 $0x700;
	s26 =	simm.s32 $0x680;
	(pc) =	sbr.rel .LBB2_6-.Ltmp3, $4  }
0x1d9: {  	s25 =	simm.s32 $0x600;
	s24 =	simm.s32 $0x580;
	s23 =	simm.s32 $0x500  }
0x1da: {  	s22 =	simm.s32 $0x980;
	s21 =	simm.s32 $0x900;
	s20 =	simm.s32 $0x880  }
0x1db: {  	s19 =	simm.s32 $0x800;
	s18 =	simm.s32 $0x780;
	s16 =	simm.s32 $0xB80  }
0x1dc: {  	s15 =	simm.s32 $0xB00;
	s14 =	simm.s32 $0xA80;
	s13 =	simm.s32 $0xA00  }
.LBB2_3:
0x1dd: {  	s17 =	simm.s32 $0x480  }
0x1de: {  	s30 =	simm.s32 $0x400;
	s29 =	simm.s32 $0x380;
	s28 =	simm.s32 $0x700  }
.Ltmp4:
0x1df: {  	s26 =	simm.s32 $0x680;
	s25 =	simm.s32 $0x600;
	(pc) =	sbr.rel .LBB2_6-.Ltmp4, $4  }
0x1e0: {  	s24 =	simm.s32 $0x580;
	s23 =	simm.s32 $0x500;
	s22 =	simm.s32 $0x980  }
0x1e1: {  	s21 =	simm.s32 $0x900;
	s20 =	simm.s32 $0x880;
	s19 =	simm.s32 $0x800  }
0x1e2: {  	s18 =	simm.s32 $0x780;
	s16 =	simm.s32 $0xB80;
	s15 =	simm.s32 $0xB00  }
0x1e3: {  	s14 =	simm.s32 $0xA80;
	s13 =	simm.s32 $0xA00;
	s12 =	stileid.u32  }
.Lfunc_end2:
_tile_overlayer_lowered:
.L_overlay_start_2:
0x1e4: {  	(tag) =	ssettag $0x2  }
0x1e5: {  	s0 =	rddreg [dreg:$0x0];
	s2 =	stileid.u32  }
0x1e6: {  	s1 =	rddreg [dreg:$0x1];
	p0 =	sne.s32 s2, $0x0  }
0x1e7: {  	s3 =	rddreg [dreg:$0x2];
	[bflag:$0x3] =	sbarrier.arrive $0xFFFF;
	s2 =	simm.s32 @!p0 $0x1C03  }
0x1e8: {  	[timem:s3], [sflag:s2] =	dma.local @!p0 [hbm:s0], s1  }
0x1e9: {  	s0 =	simm.s32 @!p0 $0x3  }
0x1ea: {  	_ =	swait.ge @!p0 [sflag:s0], s1  }
0x1eb: {  	s1 =	ssub.s32 @!p0 $0x0, s1;
	[sflag:s0] =	ssyncset.done @!p0 $0x0  }
0x1ec: {  	[sflag:s0] =	ssyncadd.s32 @!p0 s1  }
0x1ed: {  	[bflag:$0x3] =	sbarrier.arrive $0xFFFF  }
0x1ee: {  	_ =	shalt  }

// kernel: kernel.9.cloned.1.call-start
scs
__scs_entry_jumppad:
0x0: {  	(pc) =	sbr.rel $0x88, $3  }
0x1: {  	(tag) =	ssettag $0x0;
	lr =	simm.s32 $0x1  }
0x2: {  	[smem:$0x3F93] =	sst lr;
	_ =	strace $0xD0000000  }
0x3: {  	_ = 	snop  }
0x4: {  	_ = 	snop  }
0x5: {  	_ = 	snop  }
0x6: {  	_ = 	snop  }
0x7: {  	_ = 	snop  }
__scs_overlays_trampoline_lowered:
0x8: {  	[smem:$0x3FA2] =	sst s0  }
0x9: {  	[smem:$0x3FA3] =	sst s1  }
0xa: {  	[smem:$0x3FA4] =	sst s2  }
0xb: {  	[smem:$0x3FA5] =	sst s3  }
0xc: {  	[smem:$0x3FA6] =	sst s4  }
0xd: {  	[smem:$0x3FA7] =	sst s5  }
0xe: {  	[smem:$0x3FA8] =	sst s6  }
0xf: {  	[smem:$0x3FA9] =	sst s7  }
0x10: {  	[smem:$0x3FAA] =	sst s8  }
0x11: {  	[smem:$0x3FAB] =	sst s9;
	s0 =	simm.s32 @!p0 $0x0  }
0x12: {  	s1 =	sld [smem:$0x3F91];
	s0 =	simm.s32 @p0 $0x1  }
0x13: {  	[smem:$0x3FAC] =	sst s0;
	s0 =	simm.s32 @!p1 $0x0  }
0x14: {  	s2 =	sld [smem:$0x3F90];
	s0 =	simm.s32 @p1 $0x1  }
0x15: {  	[smem:$0x3FAD] =	sst s0;
	s0 =	simm.s32 @!p2 $0x0  }
0x16: {  	s3 =	sld [smem:$0x3FDB];
	s0 =	simm.s32 @p2 $0x1  }
0x17: {  	s4 =	simm.s32 $0x1BF5;
	[smem:$0x3FAF] =	sst s0  }
0x18: {  	s0 =	sld [smem:$0x3F92];
	_ =	swait.ge [sflag:s4], $0x0  }
0x19: {  	s7 =	sld [smem:$0x3F93]  }
0x1a: {  	s8 =	sadd.s32 $0xFFFFE003, lr  }
0x1b: {  	s9 =	sadd.s32 $0xFFFFFEF7, lr;
	s5 =	simm.s32 $0xFFFFFFFF;
	p2 =	slt.u32 s8, $0xFFFFF086  }
0x1c: {  	p1 =	slt.u32 s9, $0xF7A;
	s5 =	simm.s32 @!p2 $0x0  }
0x1d: {  	s5 =	simm.s32 @p1 $0x1;
	p0 =	seq.s32 s7, s2  }
0x1e: {  	s7 =	smul.u32 @!p0 $0xF7A, s2;
	p2 =	seq.s32 @!p0 s5, $0x0  }
0x1f: {  	s9 =	smul.u32 $0xF7A, s1;
	s8 =	simm.s32 @!p0 $0x1BF5;
	p2 =	por !p2, p0  }
0x20: {  	[sflag:s8] =	ssyncset.s32 @!p0 $0xFFFFF086;
	s6 =	sadd.s32 @!p0 s3, s7;
	s7 =	simm.s32 @!p0 $0x108  }
0x21: {  	s3 =	sadd.s32 s3, s9;
	s6 =	sadd.s32 @!p0 $0x88, s6;
	s7 =	simm.s32 @p2 $0x1082  }
0x22: {  	[simem:s7], [sflag:s8] =	dma.local @!p0 [hbm:s6], $0xF7A  }
0x23: {  	s9 =	sor.u32 $0xD0000000, s2;
	s6 =	simm.s32 $0x108;
	_ =	swait.ge @!p0 [sflag:s8], $0x0  }
0x24: {  	s3 =	sadd.s32 $0x88, s3;
	s6 =	simm.s32 @!p1 $0x1082;
	[sflag:s4] =	ssyncset.s32 $0xFFFFF086  }
0x25: {  	[simem:s6], [sflag:s4] =	dma.local [hbm:s3], $0xF7A  }
0x26: {  	[smem:$0x3F93] =	sst s1;
	(tag) =	ssettag s2;
	_ =	strace s9  }
0x27: {  	s1 =	sld [smem:$0x3FA3]  }
0x28: {  	s2 =	sld [smem:$0x3FA4]  }
0x29: {  	s4 =	sld [smem:$0x3FA6]  }
0x2a: {  	p0 =	seq.s32 s5, $0x0;
	s5 =	sld [smem:$0x3FA7]  }
0x2b: {  	s6 =	sld [smem:$0x3FA8]  }
0x2c: {  	s7 =	sld [smem:$0x3FA9]  }
0x2d: {  	s3 =	simm.s32 $0x108;
	s8 =	sld [smem:$0x3FAA]  }
0x2e: {  	s3 =	simm.s32 @!p0 $0x1082;
	s9 =	sld [smem:$0x3FAB]  }
0x2f: {  	lr =	sadd.s32 s0, s3;
	s0 =	sld [smem:$0x3FA2]  }
0x30: {  	s3 =	sld [smem:$0x3FA5]  }
0x31: {  	[smem:$0x3FAE] =	sst s10  }
0x32: {  	s10 =	sld [smem:$0x3FAC];
	_ =	sdelay $0x3  }
0x33: {  	p0 =	seq.s32 s10, $0x1;
	s10 =	sld [smem:$0x3FAE];
	_ =	sdelay $0x3  }
0x34: {  	[smem:$0x3FAE] =	sst s10  }
0x35: {  	s10 =	sld [smem:$0x3FAD];
	_ =	sdelay $0x3  }
0x36: {  	p1 =	seq.s32 s10, $0x1;
	s10 =	sld [smem:$0x3FAE];
	_ =	sdelay $0x3  }
0x37: {  	[smem:$0x3FAE] =	sst s10  }
0x38: {  	s10 =	sld [smem:$0x3FAF]  }
0x39: {  	_ = 	snop;
	(pc) =	sbr.ind lr, $3  }
0x3a: {  	_ = 	snop  }
0x3b: {  	_ = 	snop  }
0x3c: {  	p2 =	seq.s32 s10, $0x1;
	s10 =	sld [smem:$0x3FAE]  }
0x3d: {  	_ =	shalt  }
0x3e: {  	_ =	shalt  }
0x3f: {  	_ =	shalt  }
0x40: {  	_ =	shalt  }
0x41: {  	_ =	shalt  }
0x42: {  	_ =	shalt  }
0x43: {  	_ =	shalt  }
0x44: {  	_ =	shalt  }
0x45: {  	_ =	shalt  }
0x46: {  	_ =	shalt  }
0x47: {  	_ =	shalt  }
0x48: {  	_ =	shalt  }
0x49: {  	_ =	shalt  }
0x4a: {  	_ =	shalt  }
0x4b: {  	_ =	shalt  }
0x4c: {  	_ =	shalt  }
0x4d: {  	_ =	shalt  }
0x4e: {  	_ =	shalt  }
0x4f: {  	_ =	shalt  }
0x50: {  	_ =	shalt  }
0x51: {  	_ =	shalt  }
0x52: {  	_ =	shalt  }
0x53: {  	_ =	shalt  }
0x54: {  	_ =	shalt  }
0x55: {  	_ =	shalt  }
0x56: {  	_ =	shalt  }
0x57: {  	_ =	shalt  }
0x58: {  	_ =	shalt  }
0x59: {  	_ =	shalt  }
0x5a: {  	_ =	shalt  }
0x5b: {  	_ =	shalt  }
0x5c: {  	_ =	shalt  }
0x5d: {  	_ =	shalt  }
0x5e: {  	_ =	shalt  }
0x5f: {  	_ =	shalt  }
0x60: {  	_ =	shalt  }
0x61: {  	_ =	shalt  }
0x62: {  	_ =	shalt  }
0x63: {  	_ =	shalt  }
0x64: {  	_ =	shalt  }
0x65: {  	_ =	shalt  }
0x66: {  	_ =	shalt  }
0x67: {  	_ =	shalt  }
0x68: {  	_ =	shalt  }
0x69: {  	_ =	shalt  }
0x6a: {  	_ =	shalt  }
0x6b: {  	_ =	shalt  }
0x6c: {  	_ =	shalt  }
0x6d: {  	_ =	shalt  }
0x6e: {  	_ =	shalt  }
0x6f: {  	_ =	shalt  }
0x70: {  	_ =	shalt  }
0x71: {  	_ =	shalt  }
0x72: {  	_ =	shalt  }
0x73: {  	_ =	shalt  }
0x74: {  	_ =	shalt  }
0x75: {  	_ =	shalt  }
0x76: {  	_ =	shalt  }
0x77: {  	_ =	shalt  }
0x78: {  	_ =	shalt  }
0x79: {  	_ =	shalt  }
0x7a: {  	_ =	shalt  }
0x7b: {  	_ =	shalt  }
0x7c: {  	_ =	shalt  }
0x7d: {  	_ =	shalt  }
0x7e: {  	_ =	shalt  }
0x7f: {  	_ =	shalt  }
0x80: {  	_ =	shalt  }
0x81: {  	_ =	shalt  }
0x82: {  	_ =	shalt  }
0x83: {  	_ =	shalt  }
0x84: {  	_ =	shalt  }
0x85: {  	_ =	shalt  }
0x86: {  	_ =	shalt  }
0x87: {  	_ =	shalt  }
.Lfunc_end0:
.L_simem_size_0:
called_computation.1_lowered:
.L_overlay_start_0:
0x88: {  	s2 =	sld [smem:$0x3FD9]  }
0x89: {  	s3 =	sld [smem:$0x3FFE];
	_ =	sdelay $0x1  }
0x8a: {  	s1 =	srdreg.scid  }
0x8b: {  	s0 =	sand.u32 $0x1, s1  }
0x8c: {  	s17 =	sshll.u32 s0, $0xA;
	s2 =	sadd.s32 s3, s2  }
0x8d: {  	s2 =	sadd.s32 s2, s17  }
0x8e: {  	[smem:$0x3FBA] =	sst s2  }
0x8f: {  	_ = 	snop  }
0x90: {  	s18 =	sld [smem:$0x3FC4];
	(tm) =	ssettm $0x1  }
0x91: {  	s19 =	sld [smem:$0x3FFB];
	_ =	sdelay $0x3  }
0x92: {  	_ =	strace s19  }
0x93: {  	s2 =	sld [smem:$0x3FFC];
	_ =	sdelay $0x3  }
0x94: {  	_ =	strace s2  }
0x95: {  	s2 =	sld [smem:$0x3FFD];
	_ =	sdelay $0x3  }
0x96: {  	_ =	strace s2  }
0x97: {  	_ =	strace $0x8FFFFFFF  }
0x98: {  	s20 =	sld [smem:$0x3FDB];
	_ =	sdelay $0x1  }
0x99: {  	s4 =	simm.s32 $_scs_section_size  }
0x9a: {  	s5 =	simm.s32 $_size__tile_overlayer_lowered;
	s6 =	simm.s32 $_tile_overlayer_lowered  }
0x9b: {  	s7 =	simm.s32 $0x1BFF;
	s21 =	sshll.u32 s6, $0x1;
	s4 =	sadd.s32 s4, s20  }
0x9c: {  	s22 =	simm.s32 $0x0;
	s5 =	sshll.u32 s5, $0x1;
	s6 =	sadd.s32 s21, s4  }
0x9d: {  	[timem:s22], [sflag:s7] =	dma.local [hbm:s6], s5  }
0x9e: {  	_ =	swait.ge [sflag:s7], s5  }
0x9f: {  	s5 =	ssub.s32 $0x0, s5;
	[sflag:s7] =	ssyncset.done $0x0  }
0xa0: {  	[sflag:s7] =	ssyncadd.s32 s5;
	_ =	sdelay $0x1  }
0xa1: {  	s23 =	simm.s32 $0x1B8B  }
0xa2: {  	_ =	swait.ge [sflag:s23], $0x1  }
0xa3: {  	[sflag:s23] =	ssyncset.done $0x0  }
0xa4: {  	[sflag:s23] =	ssyncadd.s32 $0xFFFFFFFF  }
0xa5: {  	s5 =	sld [smem:$0x0]  }
0xa6: {  	s6 =	sand.u32 $0xFFFFFFFE, s1  }
0xa7: {  	p0 =	sne.s32 s1, s6  }
0xa8: {  	s6 =	sshll.u32 @p0 s6, $0xE  }
0xa9: {  	s6 =	sadd.s32 @p0 $0x11B8D, s6;
	s7 =	sshll.u32 @p0 s5, $0x11  }
0xaa: {  	s6 =	sor.u32 @p0 s7, s6  }
0xab: {  	[sflag:s6] =	ssyncadd.remote.s32 @p0 $0x1;
	_ =	sdelay $0x1  }
0xac: {  	s6 =	simm.s32 @p0 $0x1B8D  }
0xad: {  	_ =	swait.eq @p0 [sflag:s6], $0x1  }
0xae: {  	[sflag:s6] =	ssyncadd.s32 @p0 $0xFFFFFFFF  }
0xaf: {  	s7 =	sshll.u32 @!p0 s1, $0xE  }
0xb0: {  	s7 =	sor.u32 @!p0 $0x4000, s7;
	s6 =	simm.s32 @!p0 $0x1B8D  }
0xb1: {  	s5 =	sshll.u32 @!p0 s5, $0x11;
	s7 =	sadd.s32 @!p0 $0x11B8D, s7;
	_ =	swait.eq @!p0 [sflag:s6], $0x1  }
0xb2: {  	s5 =	sor.u32 @!p0 s5, s7;
	[sflag:s6] =	ssyncadd.s32 @!p0 $0xFFFFFFFF  }
0xb3: {  	s25 =	simm.s32 $0x1B8E;
	s24 =	sld [smem:$0x3FFE];
	[sflag:s5] =	ssyncadd.remote.s32 @!p0 $0x1  }
0xb4: {  	s26 =	simm.s32 $execute0_lowered;
	[smem:$0x3FD2] =	sst s25  }
0xb5: {  	s6 =	sshll.u32 s26, $0x1;
	_ =	strace $0x80000049;
	[dreg:$0x1] =	wrdreg $0xFFFFFFFF  }
0xb6: {  	s28 =	simm.s32 $_size_execute0_lowered;
	s4 =	sadd.s32 s4, s6;
	[dreg:$0x0] =	wrdreg $0x0  }
0xb7: {  	s6 =	sshll.u32 s28, $0x1;
	[dreg:$0x2] =	wrdreg s4  }
0xb8: {  	[dreg:$0x3] =	wrdreg s6  }
0xb9: {  	[dreg:$0x4] =	wrdreg $0xC0  }
0xba: {  	_ =	task [dreg:s22], $0x5FFFF  }
0xbb: {  	[dreg:$0x1] =	wrdreg $0xFFFFFFFF  }
0xbc: {  	[dreg:$0x0] =	wrdreg $0x60  }
0xbd: {  	[dreg:$0x2] =	wrdreg s24  }
0xbe: {  	[dreg:$0x3] =	wrdreg s18  }
0xbf: {  	[dreg:$0x4] =	wrdreg $0xA  }
0xc0: {  	_ =	task.clear_ibuf [dreg:s22], $0x5FFFF;
	_ =	strace $0x90000049  }
0xc1: {  	s29 =	simm.s32 $0xA;
	_ =	strace $0x8000004B  }
0xc2: {  	_ =	swait.ge [sflag:s29], $0x1  }
0xc3: {  	[sflag:s29] =	ssyncadd.s32 $0xFFFFFFFF  }
0xc4: {  	_ =	strace $0x9000004B  }
0xc5: {  	_ =	sfence  }
0xc6: {  	s30 =	sld [smem:$0x0];
	_ =	sdelay $0x2  }
0xc7: {  	s31 =	sshll.u32 s1, $0xD;
	s1 =	sshrl.u32 s1, $0x2  }
0xc8: {  	s4 =	sand.u32 $0x4000, s31;
	s1 =	sadd.s32 s1, s30  }
0xc9: {  	s0 =	sor.u32 s4, s0;
	s1 =	sshll.u32 s1, $0x11  }
0xca: {  	s0 =	sor.u32 s1, s0  }
0xcb: {  	s0 =	sadd.s32 $0x8F2B, s0  }
0xcc: {  	[sflag:s0] =	ssyncadd.remote.s32 $0x1  }
0xcd: {  	_ =	sfence.sel $0xFFFF  }
0xce: {  	[dreg:$0x0] =	wrdreg $0xFFFFFFFF;
	(pc) =	sbr.abs _section_cstart, $3  }
0xcf: {  	[dreg:$0x1] =	wrdreg $0xFFFFFFFF  }
0xd0: {  	_ =	task.clear_ibuf [dreg:s22], $0x2FFFF;
	_ =	strace $0x9FFFFFFF  }
0xd1: {  	(tm) =	ssettm $0x7FFFFFFF  }
tec
execute0_lowered:
.L_overlay_start_1:
0x0: {  	(tag) =	ssettag $0x1  }
0x1: {  	s1 =	srdreg.scid;
	s4 =	rddreg [dreg:$0x0]  }
0x2: {  	s0 =	stileid.u32;
	s2 =	rddreg [dreg:$0x1];
	s3 =	simm.s32 $0x0  }
0x3: {  	s11 =	simm.s32 $0x8B00;
	s12 =	simm.s32 $0x100;
	s13 =	simm.s32 $0xCB00  }
0x4: {  	s14 =	simm.s32 $0x180;
	s15 =	simm.s32 $0x10B00;
	s16 =	simm.s32 $0x200  }
0x5: {  	s17 =	simm.s32 $0x14B00;
	s18 =	simm.s32 $0x280;
	s19 =	simm.s32 $0x18B00  }
0x6: {  	s20 =	simm.s32 $0x1;
	s21 =	simm.s32 $0x2;
	s22 =	simm.s32 $0x0  }
0x7: {  	s5 =	sand.u32 $0x1, s1;
	s29 =	sshll.u32 s0, $0x1;
	s1 =	rddreg [dreg:$0x2]  }
0x8: {  	[smem:$0x7FF] =	sst s3;
	s8 =	smul.u32 $0x96000, s0;
	s9 =	sadd.s32 $0x1A5C00, s4  }
0x9: {  	s6 =	sor.u32 s5, s29;
	s30 =	ssub.s32 $0x2, s5;
	s5 =	smul.u32 $0x4B000, s5  }
0xa: {  	_ =	strace $0x8000004A;
	s7 =	smul.u32 $0x960, s6;
	s10 =	sshrl.u32 s30, $0x1  }
0xb: {  	s6 =	smul.u32 $0x4B000, s6;
	s8 =	sadd.s32 s8, s9;
	s10 =	ssub.s32 s30, s10  }
0xc: {  	s31 =	sadd.s32 s5, s8;
	s8 =	simm.s32 $0x3;
	s7 =	sadd.s32 s7, s4  }
0xd: {  	s5 =	smax.u32 s10, $0x1;
	s6 =	sadd.s32 s9, s6;
	s9 =	simm.s32 $0x80  }
0xe: {  	s10 =	simm.s32 $0x4B00;
	s4 =	sadd.s32 $0x193000, s7;
	s7 =	sadd.s32 $0x3000, s31  }
.LBB2_1:
0xf: {  	[tilespmem:s3], [sflag:$0x3] =	stream.linear.gather [hbm4b:s4+s3], $0x4B00, $0x38;
	[tilespmem:$0x1CB00] =	vst v63  }
0x10: {  	_ =	swait.ge [sflag:s8], $0x4B00  }
0x11: {  	[sflag:s8] =	ssyncset.done $0x0  }
0x12: {  	[sflag:s8] =	ssyncadd.s32 $0xFFFFB500  }
0x13: {  	[tilespmem:s10], [sflag:$0x1] =	stream.indirect.gather [hbm4b:s2+s9], $0x80, s3, s9, $0xb8;
	[tilespmem:$0x1CB00] =	vst v63  }
0x14: {  	_ = 	snop  }
0x15: {  	[tilespmem:s11], [sflag:$0x1] =	stream.indirect.gather [hbm4b:s2+s9], $0x80, s9, s9, $0xb8;
	[tilespmem:$0x1CB00] =	vst v63  }
0x16: {  	_ = 	snop  }
0x17: {  	[tilespmem:s13], [sflag:$0x1] =	stream.indirect.gather [hbm4b:s2+s9], $0x80, s12, s9, $0xb8;
	[tilespmem:$0x1CB00] =	vst v63  }
0x18: {  	_ = 	snop  }
0x19: {  	[tilespmem:s15], [sflag:$0x1] =	stream.indirect.gather [hbm4b:s2+s9], $0x80, s14, s9, $0xb8;
	[tilespmem:$0x1CB00] =	vst v63  }
0x1a: {  	_ = 	snop  }
0x1b: {  	[tilespmem:s17], [sflag:$0x1] =	stream.indirect.gather [hbm4b:s2+s9], $0x80, s16, s9, $0xb8;
	[tilespmem:$0x1CB00] =	vst v63  }
0x1c: {  	_ = 	snop  }
0x1d: {  	[tilespmem:s19], [sflag:$0x1] =	stream.indirect.gather [hbm4b:s2+s9], $0x80, s18, s9, $0xb8;
	[tilespmem:$0x1CB00] =	vst v63  }
0x1e: {  	_ =	swait.ge [sflag:s20], $0x4000  }
0x1f: {  	[sflag:s20] =	ssyncset.done $0x0  }
0x20: {  	[sflag:s20] =	ssyncadd.s32 $0xFFFFC000  }
0x21: {  	_ =	swait.ge [sflag:s20], $0x4000  }
0x22: {  	[sflag:s20] =	ssyncset.done $0x0  }
0x23: {  	[sflag:s20] =	ssyncadd.s32 $0xFFFFC000  }
0x24: {  	_ =	swait.ge [sflag:s20], $0x4000  }
0x25: {  	[sflag:s20] =	ssyncset.done $0x0  }
0x26: {  	[sflag:s20] =	ssyncadd.s32 $0xFFFFC000  }
0x27: {  	_ =	swait.ge [sflag:s20], $0x4000  }
0x28: {  	[sflag:s20] =	ssyncset.done $0x0  }
0x29: {  	[sflag:s20] =	ssyncadd.s32 $0xFFFFC000  }
0x2a: {  	_ =	swait.ge [sflag:s20], $0x4000  }
0x2b: {  	[sflag:s20] =	ssyncset.done $0x0  }
0x2c: {  	[sflag:s20] =	ssyncadd.s32 $0xFFFFC000  }
0x2d: {  	_ =	swait.ge [sflag:s20], $0x4000  }
0x2e: {  	[sflag:s20] =	ssyncset.done $0x0  }
0x2f: {  	[sflag:s20] =	ssyncadd.s32 $0xFFFFC000  }
0x30: {  	[hbm4b:s6+s3] =	stream.linear.scatter [tilespmem:s10], [sflag:$0x2], $0x18000, $0x38;
	[tilespmem:$0x1CB00] =	vst v63  }
0x31: {  	_ =	swait.ge [sflag:s21], $0x18000  }
0x32: {  	[sflag:s21] =	ssyncset.done $0x0  }
0x33: {  	s23 =	simm.s32 $0x300;
	[sflag:s21] =	ssyncadd.s32 $0xFFFE8000  }
0x34: {  	[tilespmem:s10], [sflag:$0x1] =	stream.indirect.gather [hbm4b:s2+s9], $0x80, s23, s9, $0xb8;
	[tilespmem:$0x1CB00] =	vst v63  }
0x35: {  	s26 =	simm.s32 $0x380  }
0x36: {  	[tilespmem:s11], [sflag:$0x1] =	stream.indirect.gather [hbm4b:s2+s9], $0x80, s26, s9, $0xb8;
	[tilespmem:$0x1CB00] =	vst v63  }
0x37: {  	s28 =	simm.s32 $0x400  }
0x38: {  	[tilespmem:s13], [sflag:$0x1] =	stream.indirect.gather [hbm4b:s2+s9], $0x80, s28, s9, $0xb8;
	[tilespmem:$0x1CB00] =	vst v63  }
0x39: {  	s29 =	simm.s32 $0x480  }
0x3a: {  	[tilespmem:s15], [sflag:$0x1] =	stream.indirect.gather [hbm4b:s2+s9], $0x80, s29, s9, $0xb8;
	[tilespmem:$0x1CB00] =	vst v63  }
0x3b: {  	s30 =	simm.s32 $0x500  }
0x3c: {  	[tilespmem:s17], [sflag:$0x1] =	stream.indirect.gather [hbm4b:s2+s9], $0x80, s30, s9, $0xb8;
	[tilespmem:$0x1CB00] =	vst v63  }
0x3d: {  	s31 =	simm.s32 $0x580  }
0x3e: {  	[tilespmem:s19], [sflag:$0x1] =	stream.indirect.gather [hbm4b:s2+s9], $0x80, s31, s9, $0xb8;
	[tilespmem:$0x1CB00] =	vst v63  }
0x3f: {  	_ =	swait.ge [sflag:s20], $0x4000  }
0x40: {  	[sflag:s20] =	ssyncset.done $0x0  }
0x41: {  	[sflag:s20] =	ssyncadd.s32 $0xFFFFC000  }
0x42: {  	_ =	swait.ge [sflag:s20], $0x4000  }
0x43: {  	[sflag:s20] =	ssyncset.done $0x0  }
0x44: {  	[sflag:s20] =	ssyncadd.s32 $0xFFFFC000  }
0x45: {  	_ =	swait.ge [sflag:s20], $0x4000  }
0x46: {  	[sflag:s20] =	ssyncset.done $0x0  }
0x47: {  	[sflag:s20] =	ssyncadd.s32 $0xFFFFC000  }
0x48: {  	_ =	swait.ge [sflag:s20], $0x4000  }
0x49: {  	[sflag:s20] =	ssyncset.done $0x0  }
0x4a: {  	[sflag:s20] =	ssyncadd.s32 $0xFFFFC000  }
0x4b: {  	_ =	swait.ge [sflag:s20], $0x4000  }
0x4c: {  	[sflag:s20] =	ssyncset.done $0x0  }
0x4d: {  	[sflag:s20] =	ssyncadd.s32 $0xFFFFC000  }
0x4e: {  	_ =	swait.ge [sflag:s20], $0x4000  }
0x4f: {  	s24 =	sadd.s32 $0x3000, s7;
	[sflag:s20] =	ssyncset.done $0x0  }
0x50: {  	s25 =	smov.u32 s7;
	s23 =	simm.s32 $0xC00;
	[sflag:s20] =	ssyncadd.s32 $0xFFFFC000  }
.LBB2_2:
0x51: {  	[hbm4b:s25+s3] =	stream.linear.scatter [tilespmem:s10], [sflag:$0x2], $0x18000, $0x38;
	[tilespmem:$0x1CB00] =	vst v63  }
0x52: {  	s26 =	smov.u32 s23;
	s25 =	smov.u32 s24  }
0x53: {  	p0 =	sne.s32 s23, $0x11400;
	s23 =	sadd.s32 $0xC00, s23;
	_ =	swait.ge [sflag:s21], $0x18000  }
0x54: {  	s26 =	sshra.s32 s26, $0x2;
	[sflag:s21] =	ssyncset.done $0x0  }
0x55: {  	s28 =	sadd.s32 $0x300, s26;
	[sflag:s21] =	ssyncadd.s32 $0xFFFE8000  }
0x56: {  	[tilespmem:s10], [sflag:$0x1] =	stream.indirect.gather [hbm4b:s2+s9], $0x80, s28, s9, $0xb8;
	[tilespmem:$0x1CB00] =	vst v63  }
0x57: {  	s28 =	sadd.s32 $0x380, s26  }
0x58: {  	[tilespmem:s11], [sflag:$0x1] =	stream.indirect.gather [hbm4b:s2+s9], $0x80, s28, s9, $0xb8;
	[tilespmem:$0x1CB00] =	vst v63  }
0x59: {  	s28 =	sadd.s32 $0x400, s26  }
0x5a: {  	[tilespmem:s13], [sflag:$0x1] =	stream.indirect.gather [hbm4b:s2+s9], $0x80, s28, s9, $0xb8;
	[tilespmem:$0x1CB00] =	vst v63  }
0x5b: {  	s28 =	sadd.s32 $0x480, s26  }
0x5c: {  	[tilespmem:s15], [sflag:$0x1] =	stream.indirect.gather [hbm4b:s2+s9], $0x80, s28, s9, $0xb8;
	[tilespmem:$0x1CB00] =	vst v63  }
0x5d: {  	s28 =	sadd.s32 $0x500, s26  }
0x5e: {  	[tilespmem:s17], [sflag:$0x1] =	stream.indirect.gather [hbm4b:s2+s9], $0x80, s28, s9, $0xb8;
	[tilespmem:$0x1CB00] =	vst v63  }
0x5f: {  	s26 =	sadd.s32 $0x580, s26  }
0x60: {  	[tilespmem:s19], [sflag:$0x1] =	stream.indirect.gather [hbm4b:s2+s9], $0x80, s26, s9, $0xb8;
	[tilespmem:$0x1CB00] =	vst v63  }
0x61: {  	_ =	swait.ge [sflag:s20], $0x4000  }
0x62: {  	[sflag:s20] =	ssyncset.done $0x0  }
0x63: {  	[sflag:s20] =	ssyncadd.s32 $0xFFFFC000  }
0x64: {  	_ =	swait.ge [sflag:s20], $0x4000  }
0x65: {  	[sflag:s20] =	ssyncset.done $0x0  }
0x66: {  	[sflag:s20] =	ssyncadd.s32 $0xFFFFC000  }
0x67: {  	_ =	swait.ge [sflag:s20], $0x4000  }
0x68: {  	[sflag:s20] =	ssyncset.done $0x0  }
0x69: {  	[sflag:s20] =	ssyncadd.s32 $0xFFFFC000  }
0x6a: {  	_ =	swait.ge [sflag:s20], $0x4000  }
0x6b: {  	[sflag:s20] =	ssyncset.done $0x0  }
0x6c: {  	[sflag:s20] =	ssyncadd.s32 $0xFFFFC000  }
0x6d: {  	_ =	swait.ge [sflag:s20], $0x4000  }
.Ltmp0:
0x6e: {  	[sflag:s20] =	ssyncset.done $0x0;
	(pc) =	sbr.rel @p0 .LBB2_2-.Ltmp0, $4  }
0x6f: {  	[sflag:s20] =	ssyncadd.s32 $0xFFFFC000  }
0x70: {  	_ =	swait.ge [sflag:s20], $0x4000  }
0x71: {  	[sflag:s20] =	ssyncset.done $0x0  }
0x72: {  	s24 =	sadd.s32 $0x3000, s24;
	[sflag:s20] =	ssyncadd.s32 $0xFFFFC000  }
0x73: {  	s22 =	sadd.s32 $0x1, s22  }
0x74: {  	p0 =	sne.s32 s22, s5  }
.Ltmp1:
0x75: {  	_ = 	snop;
	(pc) =	sbr.rel @p0 .LBB2_1-.Ltmp1, $4  }
0x76: {  	[hbm4b:s25+s3] =	stream.linear.scatter [tilespmem:s10], [sflag:$0x2], $0x18000, $0x38;
	[tilespmem:$0x1CB00] =	vst v63  }
0x77: {  	_ =	swait.ge [sflag:s21], $0x18000  }
0x78: {  	[sflag:s21] =	ssyncset.done $0x0  }
0x79: {  	[sflag:s21] =	ssyncadd.s32 $0xFFFE8000  }
0x7a: {  	_ =	sfence.sel $0x180000  }
0x7b: {  	[bflag:$0x0] =	sbarrier.arrive $0xFFFF  }
0x7c: {  	p0 =	sne.s32 s0, $0x0;
	_ =	strace $0x9000004A  }
0x7d: {  	s0 =	sadd.s32 @!p0 $0x100000, s1;
	[bflag:$0x2] =	sbarrier.arrive $0xFFFF  }
0x7e: {  	[sflag:s0] =	ssyncadd.tile.s32 @!p0 $0x1;
	_ =	shalt  }
.Lfunc_end2:
_tile_overlayer_lowered:
.L_overlay_start_2:
0x7f: {  	(tag) =	ssettag $0x2  }
0x80: {  	s0 =	rddreg [dreg:$0x0];
	s2 =	stileid.u32  }
0x81: {  	s1 =	rddreg [dreg:$0x1];
	p0 =	sne.s32 s2, $0x0  }
0x82: {  	s3 =	rddreg [dreg:$0x2];
	[bflag:$0x3] =	sbarrier.arrive $0xFFFF;
	s2 =	simm.s32 @!p0 $0x1C03  }
0x83: {  	[timem:s3], [sflag:s2] =	dma.local @!p0 [hbm:s0], s1  }
0x84: {  	s0 =	simm.s32 @!p0 $0x3  }
0x85: {  	_ =	swait.ge @!p0 [sflag:s0], s1  }
0x86: {  	s1 =	ssub.s32 @!p0 $0x0, s1;
	[sflag:s0] =	ssyncset.done @!p0 $0x0  }
0x87: {  	[sflag:s0] =	ssyncadd.s32 @!p0 s1  }
0x88: {  	[bflag:$0x3] =	sbarrier.arrive $0xFFFF  }
0x89: {  	_ =	shalt  }

</sc_bundles>
